<compile_context>
chip_gen: v7x
topology: tpu7x:2x2x1
jax: 0.10.2.dev20260603
libtpu: 0.0.44.dev20260713+nightly
codegen_flags: <defaults>
</compile_context>

<pallas_src>
import functools

import jax
import jax.numpy as jnp
from jax import lax
from jax.experimental import pallas as pl
from jax.experimental.pallas import tpu as pltpu
from jax.experimental.pallas import tpu_sc as plsc

N = 10000
E = 320000
D = 128
C = 40
L = 3
G = 128

NC = 2
NS = 16
NW = NC * NS
K = 80
CHUNKS = 128
EPW = CHUNKS * K
E_PAD = NW * EPW
N_ACC = 10240
RPT = N_ACC // NS

ROW_BLK = 400
N_BLKS = N // ROW_BLK



NBUF = 4
ROUNDS = CHUNKS // NBUF


def _sc_body(src_hbm, dst_hbm, zeros_hbm, h_hbm, out_hbm, *sc):
    sidx = sc[0:NBUF]
    didx = sc[NBUF:2 * NBUF]
    rows = sc[2 * NBUF:3 * NBUF]
    acc = sc[3 * NBUF]
    isem = sc[3 * NBUF + 1:4 * NBUF + 1]
    dsem = sc[4 * NBUF + 1:5 * NBUF + 1]
    gsem = sc[5 * NBUF + 1:6 * NBUF + 1]
    ssem = sc[6 * NBUF + 1:7 * NBUF + 1]
    cid = lax.axis_index("c")
    sid = lax.axis_index("s")
    wid = cid * NS + sid
    for b in range(NBUF):
        pltpu.async_copy(src_hbm.at[wid, b], sidx[b], isem[b])
        pltpu.async_copy(dst_hbm.at[wid, b], didx[b], dsem[b])
    for b in range(NBUF):
        pltpu.make_async_copy(src_hbm.at[wid, b], sidx[b], isem[b]).wait()
        pltpu.async_copy(h_hbm.at[sidx[b]], rows[b], gsem[b])

    pltpu.sync_copy(zeros_hbm, acc.at[pl.ds(sid * RPT, RPT)])
    plsc.subcore_barrier()

    def eloop(i, c):
        for b in range(NBUF):
            j = i * NBUF + b
            pltpu.make_async_copy(h_hbm.at[sidx[b]], rows[b], gsem[b]).wait()
            pltpu.make_async_copy(
                dst_hbm.at[wid, j], didx[b], dsem[b]).wait()
            pltpu.async_copy(rows[b], acc.at[didx[b]], ssem[b], add=True)
        @pl.when(i < ROUNDS - 1)
        def _():
            for b in range(NBUF):
                jn = i * NBUF + b + NBUF
                pltpu.async_copy(src_hbm.at[wid, jn], sidx[b], isem[b])
                pltpu.make_async_copy(
                    rows[b], acc.at[didx[b]], ssem[b]).wait()
                pltpu.async_copy(dst_hbm.at[wid, jn], didx[b], dsem[b])
                pltpu.make_async_copy(
                    src_hbm.at[wid, jn], sidx[b], isem[b]).wait()
                pltpu.async_copy(h_hbm.at[sidx[b]], rows[b], gsem[b])
        return c

    lax.fori_loop(0, ROUNDS, eloop, 0)
    for b in range(NBUF):
        pltpu.make_async_copy(rows[b], acc.at[didx[b]], ssem[b]).wait()
    plsc.subcore_barrier()
    pltpu.sync_copy(acc.at[pl.ds(sid * RPT, RPT)],
                    out_hbm.at[pl.ds(cid * N_ACC + sid * RPT, RPT)])


_sc_seg_sum = functools.partial(
    pl.kernel,
    mesh=plsc.VectorSubcoreMesh(core_axis_name="c", subcore_axis_name="s"),
    out_type=jax.ShapeDtypeStruct((NC * N_ACC, D), jnp.float32),
    scratch_types=(
        [pltpu.VMEM((K,), jnp.int32) for _ in range(2 * NBUF)]
        + [pltpu.VMEM((K, D), jnp.float32) for _ in range(NBUF)]
        + [pltpu.VMEM_SHARED((N_ACC, D), jnp.float32)]
        + [pltpu.SemaphoreType.DMA for _ in range(4 * NBUF)]
    ),
)(_sc_body)



def _layer_body(h_ref, p0_ref, p1_ref, w1_ref, w2_ref,
                s1_ref, t1_ref, s2_ref, t2_ref, o_ref):
    z = h_ref[...] + p0_ref[0] + p1_ref[0]
    a = jnp.dot(z, w1_ref[...], preferred_element_type=jnp.float32)
    a = jnp.maximum(a * s1_ref[...] + t1_ref[...], 0.0)
    b = jnp.dot(a, w2_ref[...], preferred_element_type=jnp.float32)
    o_ref[...] = jnp.maximum(b * s2_ref[...] + t2_ref[...], 0.0)


def _layer_mlp(h, parts, w1, w2, s1, t1, s2, t2):
    full = lambda i: (0, 0)
    return pl.pallas_call(
        _layer_body,
        grid=(N_BLKS,),
        in_specs=[
            pl.BlockSpec((ROW_BLK, D), lambda i: (i, 0)),
            pl.BlockSpec((1, ROW_BLK, D), lambda i: (0, i, 0)),
            pl.BlockSpec((1, ROW_BLK, D), lambda i: (1, i, 0)),
            pl.BlockSpec((D, D), full),
            pl.BlockSpec((D, D), full),
            pl.BlockSpec((1, D), full),
            pl.BlockSpec((1, D), full),
            pl.BlockSpec((1, D), full),
            pl.BlockSpec((1, D), full),
        ],
        out_specs=pl.BlockSpec((ROW_BLK, D), lambda i: (i, 0)),
        out_shape=jax.ShapeDtypeStruct((N, D), jnp.float32),
    )(h, parts, parts, w1, w2, s1, t1, s2, t2)



def _pool_body(x_ref, h1_ref, h2_ref, h3_ref, b_ref, fw_ref, sb_ref,
               o_ref, acc_ref):
    i = pl.program_id(0)

    @pl.when(i == 0)
    def _():
        acc_ref[...] = jnp.zeros_like(acc_ref)

    bids = b_ref[0, 0, :]
    m = (lax.broadcasted_iota(jnp.int32, (G, ROW_BLK), 0)
         == bids[None, :]).astype(jnp.float32)
    for k, o in enumerate((x_ref, h1_ref, h2_ref, h3_ref)):
        acc_ref[k] = acc_ref[k] + jnp.dot(
            m, o[...], preferred_element_type=jnp.float32)

    @pl.when(i == N_BLKS - 1)
    def _():
        v = sb_ref[...]
        for k in range(L + 1):
            v = v + jnp.dot(acc_ref[k], fw_ref[k],
                            preferred_element_type=jnp.float32)
        cols = lax.broadcasted_iota(jnp.int32, (G, D), 1)
        valid = cols < C
        vm = jnp.where(valid, v, -1e30)
        mx = jnp.max(vm, axis=1, keepdims=True)
        ex = jnp.where(valid, jnp.exp(vm - mx), 0.0)
        s = jnp.sum(ex, axis=1, keepdims=True)
        o_ref[...] = vm - mx - jnp.log(s)


def _pool_heads(x, h1, h2, h3, batch3, fw_pad, sumb):
    blk = lambda i: (i, 0)
    full = lambda i: (0, 0)
    return pl.pallas_call(
        _pool_body,
        grid=(N_BLKS,),
        in_specs=[
            pl.BlockSpec((ROW_BLK, D), blk),
            pl.BlockSpec((ROW_BLK, D), blk),
            pl.BlockSpec((ROW_BLK, D), blk),
            pl.BlockSpec((ROW_BLK, D), blk),
            pl.BlockSpec((1, 1, ROW_BLK), lambda i: (i, 0, 0)),
            pl.BlockSpec((L + 1, D, D), lambda i: (0, 0, 0)),
            pl.BlockSpec((1, D), full),
        ],
        out_specs=pl.BlockSpec((G, D), full),
        out_shape=jax.ShapeDtypeStruct((G, D), jnp.float32),
        scratch_shapes=[pltpu.VMEM((L + 1, G, D), jnp.float32)],
    )(x, h1, h2, h3, batch3, fw_pad, sumb)



def kernel(x, edge_index, batch, convW1, convb1, bng1, bnb1,
           convW2, convb2, bns_g, bns_b, fcW, fcb):
    src = edge_index[0]
    dst = edge_index[1]
    padw = (E_PAD - E) // NW
    key = (dst << 14) | src
    srows = 128
    padr = (E_PAD - E) // srows
    pad_id = (lax.broadcasted_iota(jnp.int32, (srows, padr), 0) * padr
              + lax.broadcasted_iota(jnp.int32, (srows, padr), 1))
    padk = ((N + pad_id % (N_ACC - N)) << 14) | (pad_id * 41 % N)
    allk = jnp.concatenate(
        [key.reshape(srows, E // srows), padk], axis=1)
    skey = jnp.sort(allk, axis=1)
    src3 = (skey & 16383).reshape(NW, CHUNKS, K)
    dst3 = (skey >> 14).reshape(NW, CHUNKS, K)
    zeros_blk = jnp.zeros((RPT, D), jnp.float32)

    s1 = bng1.reshape(L, 1, D)
    t1 = (convb1 * bng1 + bnb1).reshape(L, 1, D)
    s2 = bns_g.reshape(L, 1, D)
    t2 = (convb2 * bns_g + bns_b).reshape(L, 1, D)

    outs = [x]
    h = x
    for i in range(L):
        parts = _sc_seg_sum(src3, dst3, zeros_blk, h).reshape(NC, N_ACC, D)
        h = _layer_mlp(h, parts, convW1[i], convW2[i],
                       s1[i], t1[i], s2[i], t2[i])
        outs.append(h)

    batch3 = batch.reshape(N_BLKS, 1, ROW_BLK)
    fw_pad = jnp.concatenate(
        [fcW, jnp.zeros((L + 1, D, D - C), jnp.float32)], axis=2)
    sumb = jnp.concatenate(
        [jnp.sum(fcb, axis=0), jnp.zeros((D - C,), jnp.float32)]
    ).reshape(1, D)

    out = _pool_heads(outs[0], outs[1], outs[2], outs[3],
                      batch3, fw_pad, sumb)
    return out[:, :C]

# --- scband reference (transcript-rebuilt; emitter-appended) ---
"""Pipeline reference for scband-gin-3633542332749 (READ-ONLY COPY).

The authoritative reference and input builder live on the scoring server;
editing this copy changes nothing except your own understanding.
"""

import jax, jax.numpy as jnp
import numpy as np

N = 10000   # nodes
E = 320000  # edges
D = 128     # num_features == hidden_units
C = 40      # num_classes
L = 3       # num_layers
G = 128     # number of graphs in batch


def setup_inputs(seed: int = 0) -> dict:
    key = jax.random.key(seed)
    ks = jax.random.split(key, 8)
    x = jax.random.normal(ks[0], (N, D), dtype=jnp.float32)
    edge_index = jax.random.randint(ks[1], (2, E), 0, N, dtype=jnp.int32)
    batch = jnp.sort(jax.random.randint(ks[2], (N,), 0, G, dtype=jnp.int32))
    # GINConv MLP params per layer: Linear(D,D) -> BN(D) -> ReLU -> Linear(D,D)
    convW1 = jax.random.normal(ks[3], (L, D, D), dtype=jnp.float32) * 0.1
    convb1 = jnp.zeros((L, D), dtype=jnp.float32)
    bng1 = jnp.ones((L, D), dtype=jnp.float32)   # inner BN gamma
    bnb1 = jnp.zeros((L, D), dtype=jnp.float32)  # inner BN beta
    convW2 = jax.random.normal(ks[4], (L, D, D), dtype=jnp.float32) * 0.1
    convb2 = jnp.zeros((L, D), dtype=jnp.float32)
    bns_g = jnp.ones((L, D), dtype=jnp.float32)  # outer self.bns gamma
    bns_b = jnp.zeros((L, D), dtype=jnp.float32) # outer self.bns beta
    fcW = jax.random.normal(ks[5], (L + 1, D, C), dtype=jnp.float32) * 0.1
    fcb = jnp.zeros((L + 1, C), dtype=jnp.float32)
    return {"x": x, "edge_index": edge_index, "batch": batch,
            "convW1": convW1, "convb1": convb1, "bng1": bng1, "bnb1": bnb1,
            "convW2": convW2, "convb2": convb2, "bns_g": bns_g, "bns_b": bns_b,
            "fcW": fcW, "fcb": fcb}


def reference(x, edge_index, batch, convW1, convb1, bng1, bnb1,
              convW2, convb2, bns_g, bns_b, fcW, fcb):
    # Eval-mode BatchNorm (running stats mean=0, var=1) and dropout disabled.
    src = edge_index[0]
    dst = edge_index[1]
    outs = [x]
    h = x
    for i in range(L):
        # GINConv: MLP((1 + eps) * h + sum_{j in N(i)} h_j), eps = 0
        agg = jax.ops.segment_sum(h[src], dst, num_segments=N)
        z = h + agg
        z = z @ convW1[i] + convb1[i]
        z = z * bng1[i] + bnb1[i]
        z = jax.nn.relu(z)
        z = z @ convW2[i] + convb2[i]
        # outer BN + ReLU
        z = z * bns_g[i] + bns_b[i]
        h = jax.nn.relu(z)
        outs.append(h)
    out = jnp.zeros((G, C), dtype=jnp.float32)
    for i, o in enumerate(outs):
        pooled = jax.ops.segment_sum(o, batch, num_segments=G)  # global_add_pool
        out = out + (pooled @ fcW[i] + fcb[i])
    return jax.nn.log_softmax(out, axis=-1)

if __name__ == "__main__":
    import jax
    _d = setup_inputs()
    print(jax.jit(kernel)(*tuple(_d.values())))

</pallas_src>

<mosaic_0001>
#map = affine_map<(d0, d1) -> (0, 0, 0)>
#map1 = affine_map<(d0, d1) -> (0, 0)>
module attributes {stable_mosaic.version = 14 : i64} {
  func.func @_sc_body(%arg0: i32, %arg1: i32, %arg2: memref<32x128x80xi32, #tpu.memory_space<hbm>>, %arg3: memref<32x128x80xi32, #tpu.memory_space<hbm>>, %arg4: memref<640x128xf32, #tpu.memory_space<hbm>>, %arg5: memref<10000x128xf32, #tpu.memory_space<hbm>>, %arg6: memref<20480x128xf32, #tpu.memory_space<hbm>>, %arg7: memref<80xi32, #tpu.memory_space<vmem>>, %arg8: memref<80xi32, #tpu.memory_space<vmem>>, %arg9: memref<80xi32, #tpu.memory_space<vmem>>, %arg10: memref<80xi32, #tpu.memory_space<vmem>>, %arg11: memref<80xi32, #tpu.memory_space<vmem>>, %arg12: memref<80xi32, #tpu.memory_space<vmem>>, %arg13: memref<80xi32, #tpu.memory_space<vmem>>, %arg14: memref<80xi32, #tpu.memory_space<vmem>>, %arg15: memref<80x128xf32, #tpu.memory_space<vmem>>, %arg16: memref<80x128xf32, #tpu.memory_space<vmem>>, %arg17: memref<80x128xf32, #tpu.memory_space<vmem>>, %arg18: memref<80x128xf32, #tpu.memory_space<vmem>>, %arg19: memref<10240x128xf32, #tpu.memory_space<vmem_shared>>, %arg20: memref<!tpu.dma_semaphore, #tpu.memory_space<semaphore_mem>>, %arg21: memref<!tpu.dma_semaphore, #tpu.memory_space<semaphore_mem>>, %arg22: memref<!tpu.dma_semaphore, #tpu.memory_space<semaphore_mem>>, %arg23: memref<!tpu.dma_semaphore, #tpu.memory_space<semaphore_mem>>, %arg24: memref<!tpu.dma_semaphore, #tpu.memory_space<semaphore_mem>>, %arg25: memref<!tpu.dma_semaphore, #tpu.memory_space<semaphore_mem>>, %arg26: memref<!tpu.dma_semaphore, #tpu.memory_space<semaphore_mem>>, %arg27: memref<!tpu.dma_semaphore, #tpu.memory_space<semaphore_mem>>, %arg28: memref<!tpu.dma_semaphore, #tpu.memory_space<semaphore_mem>>, %arg29: memref<!tpu.dma_semaphore, #tpu.memory_space<semaphore_mem>>, %arg30: memref<!tpu.dma_semaphore, #tpu.memory_space<semaphore_mem>>, %arg31: memref<!tpu.dma_semaphore, #tpu.memory_space<semaphore_mem>>, %arg32: memref<!tpu.dma_semaphore, #tpu.memory_space<semaphore_mem>>, %arg33: memref<!tpu.dma_semaphore, #tpu.memory_space<semaphore_mem>>, %arg34: memref<!tpu.dma_semaphore, #tpu.memory_space<semaphore_mem>>, %arg35: memref<!tpu.dma_semaphore, #tpu.memory_space<semaphore_mem>>) attributes {dimension_semantics = [#tpu.dimension_semantics<core_parallel>, #tpu.dimension_semantics<subcore_parallel>], iteration_bounds = array<i64: 2, 16>, scalar_prefetch = 0 : i64, scratch_operands = 29 : i64, tpu.core_type = #tpu.core_type<sc_vector_subcore>, window_params = [{transform_indices = #map}, {transform_indices = #map}, {transform_indices = #map1}, {transform_indices = #map1}, {transform_indices = #map1}]} {
    %mul3A = arith.constant 16 : i32
    %mul3A_0 = arith.muli %arg0, %mul3A : i32
    %add3A = arith.addi %mul3A_0, %arg1 : i32
    %dma_start3A = arith.constant 0 : i32
    %dma_start3A_1 = arith.constant 0 : i32
    %dma_start3A_2 = tpu.memref_slice %arg2[%add3A, %dma_start3A, %dma_start3A_1] : memref<32x128x80xi32, #tpu.memory_space<hbm>> -> memref<1x1x80xi32, #tpu.memory_space<hbm>>
    %dma_start3A_3 = tpu.memref_squeeze %dma_start3A_2 : memref<1x1x80xi32, #tpu.memory_space<hbm>> -> memref<80xi32, #tpu.memory_space<hbm>>
    %dma_start3A_4 = arith.constant 0 : i32
    %dma_start3A_5 = tpu.memref_slice %arg2[%add3A, %dma_start3A, %dma_start3A_4] : memref<32x128x80xi32, #tpu.memory_space<hbm>> -> memref<1x1x80xi32, #tpu.memory_space<hbm>>
    %dma_start3A_6 = tpu.memref_squeeze %dma_start3A_5 : memref<1x1x80xi32, #tpu.memory_space<hbm>> -> memref<80xi32, #tpu.memory_space<hbm>>
    tpu.enqueue_dma source(%dma_start3A_6 : memref<80xi32, #tpu.memory_space<hbm>>) target(%arg7 : memref<80xi32, #tpu.memory_space<vmem>>) target_semaphore(%arg20 : memref<!tpu.dma_semaphore, #tpu.memory_space<semaphore_mem>>)
    %dma_start3A_7 = arith.constant 0 : i32
    %dma_start3A_8 = arith.constant 0 : i32
    %dma_start3A_9 = tpu.memref_slice %arg3[%add3A, %dma_start3A_7, %dma_start3A_8] : memref<32x128x80xi32, #tpu.memory_space<hbm>> -> memref<1x1x80xi32, #tpu.memory_space<hbm>>
    %dma_start3A_10 = tpu.memref_squeeze %dma_start3A_9 : memref<1x1x80xi32, #tpu.memory_space<hbm>> -> memref<80xi32, #tpu.memory_space<hbm>>
    %dma_start3A_11 = arith.constant 0 : i32
    %dma_start3A_12 = tpu.memref_slice %arg3[%add3A, %dma_start3A_7, %dma_start3A_11] : memref<32x128x80xi32, #tpu.memory_space<hbm>> -> memref<1x1x80xi32, #tpu.memory_space<hbm>>
    %dma_start3A_13 = tpu.memref_squeeze %dma_start3A_12 : memref<1x1x80xi32, #tpu.memory_space<hbm>> -> memref<80xi32, #tpu.memory_space<hbm>>
    tpu.enqueue_dma source(%dma_start3A_13 : memref<80xi32, #tpu.memory_space<hbm>>) target(%arg11 : memref<80xi32, #tpu.memory_space<vmem>>) target_semaphore(%arg24 : memref<!tpu.dma_semaphore, #tpu.memory_space<semaphore_mem>>)
    %dma_start3A_14 = arith.constant 1 : i32
    %dma_start3A_15 = arith.constant 0 : i32
    %dma_start3A_16 = tpu.memref_slice %arg2[%add3A, %dma_start3A_14, %dma_start3A_15] : memref<32x128x80xi32, #tpu.memory_space<hbm>> -> memref<1x1x80xi32, #tpu.memory_space<hbm>>
    %dma_start3A_17 = tpu.memref_squeeze %dma_start3A_16 : memref<1x1x80xi32, #tpu.memory_space<hbm>> -> memref<80xi32, #tpu.memory_space<hbm>>
    %dma_start3A_18 = arith.constant 0 : i32
    %dma_start3A_19 = tpu.memref_slice %arg2[%add3A, %dma_start3A_14, %dma_start3A_18] : memref<32x128x80xi32, #tpu.memory_space<hbm>> -> memref<1x1x80xi32, #tpu.memory_space<hbm>>
    %dma_start3A_20 = tpu.memref_squeeze %dma_start3A_19 : memref<1x1x80xi32, #tpu.memory_space<hbm>> -> memref<80xi32, #tpu.memory_space<hbm>>
    tpu.enqueue_dma source(%dma_start3A_20 : memref<80xi32, #tpu.memory_space<hbm>>) target(%arg8 : memref<80xi32, #tpu.memory_space<vmem>>) target_semaphore(%arg21 : memref<!tpu.dma_semaphore, #tpu.memory_space<semaphore_mem>>)
    %dma_start3A_21 = arith.constant 1 : i32
    %dma_start3A_22 = arith.constant 0 : i32
    %dma_start3A_23 = tpu.memref_slice %arg3[%add3A, %dma_start3A_21, %dma_start3A_22] : memref<32x128x80xi32, #tpu.memory_space<hbm>> -> memref<1x1x80xi32, #tpu.memory_space<hbm>>
    %dma_start3A_24 = tpu.memref_squeeze %dma_start3A_23 : memref<1x1x80xi32, #tpu.memory_space<hbm>> -> memref<80xi32, #tpu.memory_space<hbm>>
    %dma_start3A_25 = arith.constant 0 : i32
    %dma_start3A_26 = tpu.memref_slice %arg3[%add3A, %dma_start3A_21, %dma_start3A_25] : memref<32x128x80xi32, #tpu.memory_space<hbm>> -> memref<1x1x80xi32, #tpu.memory_space<hbm>>
    %dma_start3A_27 = tpu.memref_squeeze %dma_start3A_26 : memref<1x1x80xi32, #tpu.memory_space<hbm>> -> memref<80xi32, #tpu.memory_space<hbm>>
    tpu.enqueue_dma source(%dma_start3A_27 : memref<80xi32, #tpu.memory_space<hbm>>) target(%arg12 : memref<80xi32, #tpu.memory_space<vmem>>) target_semaphore(%arg25 : memref<!tpu.dma_semaphore, #tpu.memory_space<semaphore_mem>>)
    %dma_start3A_28 = arith.constant 2 : i32
    %dma_start3A_29 = arith.constant 0 : i32
    %dma_start3A_30 = tpu.memref_slice %arg2[%add3A, %dma_start3A_28, %dma_start3A_29] : memref<32x128x80xi32, #tpu.memory_space<hbm>> -> memref<1x1x80xi32, #tpu.memory_space<hbm>>
    %dma_start3A_31 = tpu.memref_squeeze %dma_start3A_30 : memref<1x1x80xi32, #tpu.memory_space<hbm>> -> memref<80xi32, #tpu.memory_space<hbm>>
    %dma_start3A_32 = arith.constant 0 : i32
    %dma_start3A_33 = tpu.memref_slice %arg2[%add3A, %dma_start3A_28, %dma_start3A_32] : memref<32x128x80xi32, #tpu.memory_space<hbm>> -> memref<1x1x80xi32, #tpu.memory_space<hbm>>
    %dma_start3A_34 = tpu.memref_squeeze %dma_start3A_33 : memref<1x1x80xi32, #tpu.memory_space<hbm>> -> memref<80xi32, #tpu.memory_space<hbm>>
    tpu.enqueue_dma source(%dma_start3A_34 : memref<80xi32, #tpu.memory_space<hbm>>) target(%arg9 : memref<80xi32, #tpu.memory_space<vmem>>) target_semaphore(%arg22 : memref<!tpu.dma_semaphore, #tpu.memory_space<semaphore_mem>>)
    %dma_start3A_35 = arith.constant 2 : i32
    %dma_start3A_36 = arith.constant 0 : i32
    %dma_start3A_37 = tpu.memref_slice %arg3[%add3A, %dma_start3A_35, %dma_start3A_36] : memref<32x128x80xi32, #tpu.memory_space<hbm>> -> memref<1x1x80xi32, #tpu.memory_space<hbm>>
    %dma_start3A_38 = tpu.memref_squeeze %dma_start3A_37 : memref<1x1x80xi32, #tpu.memory_space<hbm>> -> memref<80xi32, #tpu.memory_space<hbm>>
    %dma_start3A_39 = arith.constant 0 : i32
    %dma_start3A_40 = tpu.memref_slice %arg3[%add3A, %dma_start3A_35, %dma_start3A_39] : memref<32x128x80xi32, #tpu.memory_space<hbm>> -> memref<1x1x80xi32, #tpu.memory_space<hbm>>
    %dma_start3A_41 = tpu.memref_squeeze %dma_start3A_40 : memref<1x1x80xi32, #tpu.memory_space<hbm>> -> memref<80xi32, #tpu.memory_space<hbm>>
    tpu.enqueue_dma source(%dma_start3A_41 : memref<80xi32, #tpu.memory_space<hbm>>) target(%arg13 : memref<80xi32, #tpu.memory_space<vmem>>) target_semaphore(%arg26 : memref<!tpu.dma_semaphore, #tpu.memory_space<semaphore_mem>>)
    %dma_start3A_42 = arith.constant 3 : i32
    %dma_start3A_43 = arith.constant 0 : i32
    %dma_start3A_44 = tpu.memref_slice %arg2[%add3A, %dma_start3A_42, %dma_start3A_43] : memref<32x128x80xi32, #tpu.memory_space<hbm>> -> memref<1x1x80xi32, #tpu.memory_space<hbm>>
    %dma_start3A_45 = tpu.memref_squeeze %dma_start3A_44 : memref<1x1x80xi32, #tpu.memory_space<hbm>> -> memref<80xi32, #tpu.memory_space<hbm>>
    %dma_start3A_46 = arith.constant 0 : i32
    %dma_start3A_47 = tpu.memref_slice %arg2[%add3A, %dma_start3A_42, %dma_start3A_46] : memref<32x128x80xi32, #tpu.memory_space<hbm>> -> memref<1x1x80xi32, #tpu.memory_space<hbm>>
    %dma_start3A_48 = tpu.memref_squeeze %dma_start3A_47 : memref<1x1x80xi32, #tpu.memory_space<hbm>> -> memref<80xi32, #tpu.memory_space<hbm>>
    tpu.enqueue_dma source(%dma_start3A_48 : memref<80xi32, #tpu.memory_space<hbm>>) target(%arg10 : memref<80xi32, #tpu.memory_space<vmem>>) target_semaphore(%arg23 : memref<!tpu.dma_semaphore, #tpu.memory_space<semaphore_mem>>)
    %dma_start3A_49 = arith.constant 3 : i32
    %dma_start3A_50 = arith.constant 0 : i32
    %dma_start3A_51 = tpu.memref_slice %arg3[%add3A, %dma_start3A_49, %dma_start3A_50] : memref<32x128x80xi32, #tpu.memory_space<hbm>> -> memref<1x1x80xi32, #tpu.memory_space<hbm>>
    %dma_start3A_52 = tpu.memref_squeeze %dma_start3A_51 : memref<1x1x80xi32, #tpu.memory_space<hbm>> -> memref<80xi32, #tpu.memory_space<hbm>>
    %dma_start3A_53 = arith.constant 0 : i32
    %dma_start3A_54 = tpu.memref_slice %arg3[%add3A, %dma_start3A_49, %dma_start3A_53] : memref<32x128x80xi32, #tpu.memory_space<hbm>> -> memref<1x1x80xi32, #tpu.memory_space<hbm>>
    %dma_start3A_55 = tpu.memref_squeeze %dma_start3A_54 : memref<1x1x80xi32, #tpu.memory_space<hbm>> -> memref<80xi32, #tpu.memory_space<hbm>>
    tpu.enqueue_dma source(%dma_start3A_55 : memref<80xi32, #tpu.memory_space<hbm>>) target(%arg14 : memref<80xi32, #tpu.memory_space<vmem>>) target_semaphore(%arg27 : memref<!tpu.dma_semaphore, #tpu.memory_space<semaphore_mem>>)
    %dma_wait3A = arith.constant 0 : i32
    %dma_wait3A_56 = arith.constant 0 : i32
    %dma_wait3A_57 = tpu.memref_slice %arg2[%add3A, %dma_wait3A, %dma_wait3A_56] : memref<32x128x80xi32, #tpu.memory_space<hbm>> -> memref<1x1x80xi32, #tpu.memory_space<hbm>>
    %dma_wait3A_58 = tpu.memref_squeeze %dma_wait3A_57 : memref<1x1x80xi32, #tpu.memory_space<hbm>> -> memref<80xi32, #tpu.memory_space<hbm>>
    %dma_wait3A_59 = arith.constant 0 : i32
    %dma_wait3A_60 = tpu.memref_slice %arg2[%add3A, %dma_wait3A, %dma_wait3A_59] : memref<32x128x80xi32, #tpu.memory_space<hbm>> -> memref<1x1x80xi32, #tpu.memory_space<hbm>>
    %dma_wait3A_61 = tpu.memref_squeeze %dma_wait3A_60 : memref<1x1x80xi32, #tpu.memory_space<hbm>> -> memref<80xi32, #tpu.memory_space<hbm>>
    tpu.wait_dma2 semaphore(%arg20 : memref<!tpu.dma_semaphore, #tpu.memory_space<semaphore_mem>>) src(%dma_wait3A_61 : memref<80xi32, #tpu.memory_space<hbm>>) dst(%arg7 : memref<80xi32, #tpu.memory_space<vmem>>)
    %dma_start3A_62 = arith.constant 0 : i32
    %dma_start3A_63 = arith.constant 0 : i32
    %dma_start3A_64 = tpu.memref_slice %arg5[%dma_start3A_62, %dma_start3A_63] : memref<10000x128xf32, #tpu.memory_space<hbm>> -> memref<10000x128xf32, #tpu.memory_space<hbm>>
    tpu.enqueue_indirect_dma source(%dma_start3A_64 : memref<10000x128xf32, #tpu.memory_space<hbm>>) target(%arg15 : memref<80x128xf32, #tpu.memory_space<vmem>>) offsets(%arg7 : memref<80xi32, #tpu.memory_space<vmem>>) semaphore(%arg28 : memref<!tpu.dma_semaphore, #tpu.memory_space<semaphore_mem>>)
    %dma_wait3A_65 = arith.constant 1 : i32
    %dma_wait3A_66 = arith.constant 0 : i32
    %dma_wait3A_67 = tpu.memref_slice %arg2[%add3A, %dma_wait3A_65, %dma_wait3A_66] : memref<32x128x80xi32, #tpu.memory_space<hbm>> -> memref<1x1x80xi32, #tpu.memory_space<hbm>>
    %dma_wait3A_68 = tpu.memref_squeeze %dma_wait3A_67 : memref<1x1x80xi32, #tpu.memory_space<hbm>> -> memref<80xi32, #tpu.memory_space<hbm>>
    %dma_wait3A_69 = arith.constant 0 : i32
    %dma_wait3A_70 = tpu.memref_slice %arg2[%add3A, %dma_wait3A_65, %dma_wait3A_69] : memref<32x128x80xi32, #tpu.memory_space<hbm>> -> memref<1x1x80xi32, #tpu.memory_space<hbm>>
    %dma_wait3A_71 = tpu.memref_squeeze %dma_wait3A_70 : memref<1x1x80xi32, #tpu.memory_space<hbm>> -> memref<80xi32, #tpu.memory_space<hbm>>
    tpu.wait_dma2 semaphore(%arg21 : memref<!tpu.dma_semaphore, #tpu.memory_space<semaphore_mem>>) src(%dma_wait3A_71 : memref<80xi32, #tpu.memory_space<hbm>>) dst(%arg8 : memref<80xi32, #tpu.memory_space<vmem>>)
    %dma_start3A_72 = arith.constant 0 : i32
    %dma_start3A_73 = arith.constant 0 : i32
    %dma_start3A_74 = tpu.memref_slice %arg5[%dma_start3A_72, %dma_start3A_73] : memref<10000x128xf32, #tpu.memory_space<hbm>> -> memref<10000x128xf32, #tpu.memory_space<hbm>>
    tpu.enqueue_indirect_dma source(%dma_start3A_74 : memref<10000x128xf32, #tpu.memory_space<hbm>>) target(%arg16 : memref<80x128xf32, #tpu.memory_space<vmem>>) offsets(%arg8 : memref<80xi32, #tpu.memory_space<vmem>>) semaphore(%arg29 : memref<!tpu.dma_semaphore, #tpu.memory_space<semaphore_mem>>)
    %dma_wait3A_75 = arith.constant 2 : i32
    %dma_wait3A_76 = arith.constant 0 : i32
    %dma_wait3A_77 = tpu.memref_slice %arg2[%add3A, %dma_wait3A_75, %dma_wait3A_76] : memref<32x128x80xi32, #tpu.memory_space<hbm>> -> memref<1x1x80xi32, #tpu.memory_space<hbm>>
    %dma_wait3A_78 = tpu.memref_squeeze %dma_wait3A_77 : memref<1x1x80xi32, #tpu.memory_space<hbm>> -> memref<80xi32, #tpu.memory_space<hbm>>
    %dma_wait3A_79 = arith.constant 0 : i32
    %dma_wait3A_80 = tpu.memref_slice %arg2[%add3A, %dma_wait3A_75, %dma_wait3A_79] : memref<32x128x80xi32, #tpu.memory_space<hbm>> -> memref<1x1x80xi32, #tpu.memory_space<hbm>>
    %dma_wait3A_81 = tpu.memref_squeeze %dma_wait3A_80 : memref<1x1x80xi32, #tpu.memory_space<hbm>> -> memref<80xi32, #tpu.memory_space<hbm>>
    tpu.wait_dma2 semaphore(%arg22 : memref<!tpu.dma_semaphore, #tpu.memory_space<semaphore_mem>>) src(%dma_wait3A_81 : memref<80xi32, #tpu.memory_space<hbm>>) dst(%arg9 : memref<80xi32, #tpu.memory_space<vmem>>)
    %dma_start3A_82 = arith.constant 0 : i32
    %dma_start3A_83 = arith.constant 0 : i32
    %dma_start3A_84 = tpu.memref_slice %arg5[%dma_start3A_82, %dma_start3A_83] : memref<10000x128xf32, #tpu.memory_space<hbm>> -> memref<10000x128xf32, #tpu.memory_space<hbm>>
    tpu.enqueue_indirect_dma source(%dma_start3A_84 : memref<10000x128xf32, #tpu.memory_space<hbm>>) target(%arg17 : memref<80x128xf32, #tpu.memory_space<vmem>>) offsets(%arg9 : memref<80xi32, #tpu.memory_space<vmem>>) semaphore(%arg30 : memref<!tpu.dma_semaphore, #tpu.memory_space<semaphore_mem>>)
    %dma_wait3A_85 = arith.constant 3 : i32
    %dma_wait3A_86 = arith.constant 0 : i32
    %dma_wait3A_87 = tpu.memref_slice %arg2[%add3A, %dma_wait3A_85, %dma_wait3A_86] : memref<32x128x80xi32, #tpu.memory_space<hbm>> -> memref<1x1x80xi32, #tpu.memory_space<hbm>>
    %dma_wait3A_88 = tpu.memref_squeeze %dma_wait3A_87 : memref<1x1x80xi32, #tpu.memory_space<hbm>> -> memref<80xi32, #tpu.memory_space<hbm>>
    %dma_wait3A_89 = arith.constant 0 : i32
    %dma_wait3A_90 = tpu.memref_slice %arg2[%add3A, %dma_wait3A_85, %dma_wait3A_89] : memref<32x128x80xi32, #tpu.memory_space<hbm>> -> memref<1x1x80xi32, #tpu.memory_space<hbm>>
    %dma_wait3A_91 = tpu.memref_squeeze %dma_wait3A_90 : memref<1x1x80xi32, #tpu.memory_space<hbm>> -> memref<80xi32, #tpu.memory_space<hbm>>
    tpu.wait_dma2 semaphore(%arg23 : memref<!tpu.dma_semaphore, #tpu.memory_space<semaphore_mem>>) src(%dma_wait3A_91 : memref<80xi32, #tpu.memory_space<hbm>>) dst(%arg10 : memref<80xi32, #tpu.memory_space<vmem>>)
    %dma_start3A_92 = arith.constant 0 : i32
    %dma_start3A_93 = arith.constant 0 : i32
    %dma_start3A_94 = tpu.memref_slice %arg5[%dma_start3A_92, %dma_start3A_93] : memref<10000x128xf32, #tpu.memory_space<hbm>> -> memref<10000x128xf32, #tpu.memory_space<hbm>>
    tpu.enqueue_indirect_dma source(%dma_start3A_94 : memref<10000x128xf32, #tpu.memory_space<hbm>>) target(%arg18 : memref<80x128xf32, #tpu.memory_space<vmem>>) offsets(%arg10 : memref<80xi32, #tpu.memory_space<vmem>>) semaphore(%arg31 : memref<!tpu.dma_semaphore, #tpu.memory_space<semaphore_mem>>)
    %mul3A_95 = arith.constant 640 : i32
    %mul3A_96 = arith.muli %arg1, %mul3A_95 : i32
    "tpu.region"() ({
      %run_scoped3A = tpu.sem_alloc : memref<!tpu.dma_semaphore, #tpu.memory_space<semaphore_mem>>
      %dma_start3A_122 = arith.constant 0 : i32
      %dma_start3A_123 = tpu.memref_slice %arg19[%mul3A_96, %dma_start3A_122] : memref<10240x128xf32, #tpu.memory_space<vmem_shared>> -> memref<640x128xf32, #tpu.memory_space<vmem_shared>>
      tpu.enqueue_dma source(%arg4 : memref<640x128xf32, #tpu.memory_space<hbm>>) target(%dma_start3A_123 : memref<640x128xf32, #tpu.memory_space<vmem_shared>>) target_semaphore(%run_scoped3A : memref<!tpu.dma_semaphore, #tpu.memory_space<semaphore_mem>>)
      %dma_wait3A_124 = arith.constant 0 : i32
      %dma_wait3A_125 = tpu.memref_slice %arg19[%mul3A_96, %dma_wait3A_124] : memref<10240x128xf32, #tpu.memory_space<vmem_shared>> -> memref<640x128xf32, #tpu.memory_space<vmem_shared>>
      tpu.wait_dma2 semaphore(%run_scoped3A : memref<!tpu.dma_semaphore, #tpu.memory_space<semaphore_mem>>) src(%arg4 : memref<640x128xf32, #tpu.memory_space<hbm>>) dst(%dma_wait3A_125 : memref<640x128xf32, #tpu.memory_space<vmem_shared>>)
      tpu.yield
    }) : () -> ()
    %barrier3A = arith.constant 0 : index
    tpu.barrier barrier_id(%barrier3A)
    %scan3A = arith.constant 0 : i32
    %scan3A_97 = arith.constant 0 : i32
    %scan3A_98 = arith.constant 32 : i32
    %scan3A_99 = arith.addi %scan3A_97, %scan3A_98 : i32
    %scan3A_100 = arith.constant 1 : i32
    scf.for %scan3A_122 = %scan3A_97 to %scan3A_99 step %scan3A_100  : i32 {
      %mul3A_123 = arith.constant 4 : i32
      %mul3A_124 = arith.muli %scan3A_122, %mul3A_123 : i32
      %add3A_125 = arith.constant 0 : i32
      %add3A_126 = arith.addi %mul3A_124, %add3A_125 : i32
      %dma_wait3A_127 = arith.constant 0 : i32
      %dma_wait3A_128 = arith.constant 0 : i32
      %dma_wait3A_129 = tpu.memref_slice %arg5[%dma_wait3A_127, %dma_wait3A_128] : memref<10000x128xf32, #tpu.memory_space<hbm>> -> memref<10000x128xf32, #tpu.memory_space<hbm>>
      tpu.wait_indirect_dma semaphore(%arg28 : memref<!tpu.dma_semaphore, #tpu.memory_space<semaphore_mem>>) src(%dma_wait3A_129 : memref<10000x128xf32, #tpu.memory_space<hbm>>) dst(%arg15 : memref<80x128xf32, #tpu.memory_space<vmem>>)
      %dma_wait3A_130 = arith.constant 0 : i32
      %dma_wait3A_131 = tpu.memref_slice %arg3[%add3A, %add3A_126, %dma_wait3A_130] : memref<32x128x80xi32, #tpu.memory_space<hbm>> -> memref<1x1x80xi32, #tpu.memory_space<hbm>>
      %dma_wait3A_132 = tpu.memref_squeeze %dma_wait3A_131 : memref<1x1x80xi32, #tpu.memory_space<hbm>> -> memref<80xi32, #tpu.memory_space<hbm>>
      %dma_wait3A_133 = arith.constant 0 : i32
      %dma_wait3A_134 = tpu.memref_slice %arg3[%add3A, %add3A_126, %dma_wait3A_133] : memref<32x128x80xi32, #tpu.memory_space<hbm>> -> memref<1x1x80xi32, #tpu.memory_space<hbm>>
      %dma_wait3A_135 = tpu.memref_squeeze %dma_wait3A_134 : memref<1x1x80xi32, #tpu.memory_space<hbm>> -> memref<80xi32, #tpu.memory_space<hbm>>
      tpu.wait_dma2 semaphore(%arg24 : memref<!tpu.dma_semaphore, #tpu.memory_space<semaphore_mem>>) src(%dma_wait3A_135 : memref<80xi32, #tpu.memory_space<hbm>>) dst(%arg11 : memref<80xi32, #tpu.memory_space<vmem>>)
      %dma_start3A_136 = arith.constant 0 : i32
      %dma_start3A_137 = arith.constant 0 : i32
      %dma_start3A_138 = tpu.memref_slice %arg19[%dma_start3A_136, %dma_start3A_137] : memref<10240x128xf32, #tpu.memory_space<vmem_shared>> -> memref<10240x128xf32, #tpu.memory_space<vmem_shared>>
      tpu.enqueue_indirect_dma source(%arg15 : memref<80x128xf32, #tpu.memory_space<vmem>>) target(%dma_start3A_138 : memref<10240x128xf32, #tpu.memory_space<vmem_shared>>) offsets(%arg11 : memref<80xi32, #tpu.memory_space<vmem>>) semaphore(%arg32 : memref<!tpu.dma_semaphore, #tpu.memory_space<semaphore_mem>>) {add = true}
      %mul3A_139 = arith.constant 4 : i32
      %mul3A_140 = arith.muli %scan3A_122, %mul3A_139 : i32
      %add3A_141 = arith.constant 1 : i32
      %add3A_142 = arith.addi %mul3A_140, %add3A_141 : i32
      %dma_wait3A_143 = arith.constant 0 : i32
      %dma_wait3A_144 = arith.constant 0 : i32
      %dma_wait3A_145 = tpu.memref_slice %arg5[%dma_wait3A_143, %dma_wait3A_144] : memref<10000x128xf32, #tpu.memory_space<hbm>> -> memref<10000x128xf32, #tpu.memory_space<hbm>>
      tpu.wait_indirect_dma semaphore(%arg29 : memref<!tpu.dma_semaphore, #tpu.memory_space<semaphore_mem>>) src(%dma_wait3A_145 : memref<10000x128xf32, #tpu.memory_space<hbm>>) dst(%arg16 : memref<80x128xf32, #tpu.memory_space<vmem>>)
      %dma_wait3A_146 = arith.constant 0 : i32
      %dma_wait3A_147 = tpu.memref_slice %arg3[%add3A, %add3A_142, %dma_wait3A_146] : memref<32x128x80xi32, #tpu.memory_space<hbm>> -> memref<1x1x80xi32, #tpu.memory_space<hbm>>
      %dma_wait3A_148 = tpu.memref_squeeze %dma_wait3A_147 : memref<1x1x80xi32, #tpu.memory_space<hbm>> -> memref<80xi32, #tpu.memory_space<hbm>>
      %dma_wait3A_149 = arith.constant 0 : i32
      %dma_wait3A_150 = tpu.memref_slice %arg3[%add3A, %add3A_142, %dma_wait3A_149] : memref<32x128x80xi32, #tpu.memory_space<hbm>> -> memref<1x1x80xi32, #tpu.memory_space<hbm>>
      %dma_wait3A_151 = tpu.memref_squeeze %dma_wait3A_150 : memref<1x1x80xi32, #tpu.memory_space<hbm>> -> memref<80xi32, #tpu.memory_space<hbm>>
      tpu.wait_dma2 semaphore(%arg25 : memref<!tpu.dma_semaphore, #tpu.memory_space<semaphore_mem>>) src(%dma_wait3A_151 : memref<80xi32, #tpu.memory_space<hbm>>) dst(%arg12 : memref<80xi32, #tpu.memory_space<vmem>>)
      %dma_start3A_152 = arith.constant 0 : i32
      %dma_start3A_153 = arith.constant 0 : i32
      %dma_start3A_154 = tpu.memref_slice %arg19[%dma_start3A_152, %dma_start3A_153] : memref<10240x128xf32, #tpu.memory_space<vmem_shared>> -> memref<10240x128xf32, #tpu.memory_space<vmem_shared>>
      tpu.enqueue_indirect_dma source(%arg16 : memref<80x128xf32, #tpu.memory_space<vmem>>) target(%dma_start3A_154 : memref<10240x128xf32, #tpu.memory_space<vmem_shared>>) offsets(%arg12 : memref<80xi32, #tpu.memory_space<vmem>>) semaphore(%arg33 : memref<!tpu.dma_semaphore, #tpu.memory_space<semaphore_mem>>) {add = true}
      %mul3A_155 = arith.constant 4 : i32
      %mul3A_156 = arith.muli %scan3A_122, %mul3A_155 : i32
      %add3A_157 = arith.constant 2 : i32
      %add3A_158 = arith.addi %mul3A_156, %add3A_157 : i32
      %dma_wait3A_159 = arith.constant 0 : i32
      %dma_wait3A_160 = arith.constant 0 : i32
      %dma_wait3A_161 = tpu.memref_slice %arg5[%dma_wait3A_159, %dma_wait3A_160] : memref<10000x128xf32, #tpu.memory_space<hbm>> -> memref<10000x128xf32, #tpu.memory_space<hbm>>
      tpu.wait_indirect_dma semaphore(%arg30 : memref<!tpu.dma_semaphore, #tpu.memory_space<semaphore_mem>>) src(%dma_wait3A_161 : memref<10000x128xf32, #tpu.memory_space<hbm>>) dst(%arg17 : memref<80x128xf32, #tpu.memory_space<vmem>>)
      %dma_wait3A_162 = arith.constant 0 : i32
      %dma_wait3A_163 = tpu.memref_slice %arg3[%add3A, %add3A_158, %dma_wait3A_162] : memref<32x128x80xi32, #tpu.memory_space<hbm>> -> memref<1x1x80xi32, #tpu.memory_space<hbm>>
      %dma_wait3A_164 = tpu.memref_squeeze %dma_wait3A_163 : memref<1x1x80xi32, #tpu.memory_space<hbm>> -> memref<80xi32, #tpu.memory_space<hbm>>
      %dma_wait3A_165 = arith.constant 0 : i32
      %dma_wait3A_166 = tpu.memref_slice %arg3[%add3A, %add3A_158, %dma_wait3A_165] : memref<32x128x80xi32, #tpu.memory_space<hbm>> -> memref<1x1x80xi32, #tpu.memory_space<hbm>>
      %dma_wait3A_167 = tpu.memref_squeeze %dma_wait3A_166 : memref<1x1x80xi32, #tpu.memory_space<hbm>> -> memref<80xi32, #tpu.memory_space<hbm>>
      tpu.wait_dma2 semaphore(%arg26 : memref<!tpu.dma_semaphore, #tpu.memory_space<semaphore_mem>>) src(%dma_wait3A_167 : memref<80xi32, #tpu.memory_space<hbm>>) dst(%arg13 : memref<80xi32, #tpu.memory_space<vmem>>)
      %dma_start3A_168 = arith.constant 0 : i32
      %dma_start3A_169 = arith.constant 0 : i32
      %dma_start3A_170 = tpu.memref_slice %arg19[%dma_start3A_168, %dma_start3A_169] : memref<10240x128xf32, #tpu.memory_space<vmem_shared>> -> memref<10240x128xf32, #tpu.memory_space<vmem_shared>>
      tpu.enqueue_indirect_dma source(%arg17 : memref<80x128xf32, #tpu.memory_space<vmem>>) target(%dma_start3A_170 : memref<10240x128xf32, #tpu.memory_space<vmem_shared>>) offsets(%arg13 : memref<80xi32, #tpu.memory_space<vmem>>) semaphore(%arg34 : memref<!tpu.dma_semaphore, #tpu.memory_space<semaphore_mem>>) {add = true}
      %mul3A_171 = arith.constant 4 : i32
      %mul3A_172 = arith.muli %scan3A_122, %mul3A_171 : i32
      %add3A_173 = arith.constant 3 : i32
      %add3A_174 = arith.addi %mul3A_172, %add3A_173 : i32
      %dma_wait3A_175 = arith.constant 0 : i32
      %dma_wait3A_176 = arith.constant 0 : i32
      %dma_wait3A_177 = tpu.memref_slice %arg5[%dma_wait3A_175, %dma_wait3A_176] : memref<10000x128xf32, #tpu.memory_space<hbm>> -> memref<10000x128xf32, #tpu.memory_space<hbm>>
      tpu.wait_indirect_dma semaphore(%arg31 : memref<!tpu.dma_semaphore, #tpu.memory_space<semaphore_mem>>) src(%dma_wait3A_177 : memref<10000x128xf32, #tpu.memory_space<hbm>>) dst(%arg18 : memref<80x128xf32, #tpu.memory_space<vmem>>)
      %dma_wait3A_178 = arith.constant 0 : i32
      %dma_wait3A_179 = tpu.memref_slice %arg3[%add3A, %add3A_174, %dma_wait3A_178] : memref<32x128x80xi32, #tpu.memory_space<hbm>> -> memref<1x1x80xi32, #tpu.memory_space<hbm>>
      %dma_wait3A_180 = tpu.memref_squeeze %dma_wait3A_179 : memref<1x1x80xi32, #tpu.memory_space<hbm>> -> memref<80xi32, #tpu.memory_space<hbm>>
      %dma_wait3A_181 = arith.constant 0 : i32
      %dma_wait3A_182 = tpu.memref_slice %arg3[%add3A, %add3A_174, %dma_wait3A_181] : memref<32x128x80xi32, #tpu.memory_space<hbm>> -> memref<1x1x80xi32, #tpu.memory_space<hbm>>
      %dma_wait3A_183 = tpu.memref_squeeze %dma_wait3A_182 : memref<1x1x80xi32, #tpu.memory_space<hbm>> -> memref<80xi32, #tpu.memory_space<hbm>>
      tpu.wait_dma2 semaphore(%arg27 : memref<!tpu.dma_semaphore, #tpu.memory_space<semaphore_mem>>) src(%dma_wait3A_183 : memref<80xi32, #tpu.memory_space<hbm>>) dst(%arg14 : memref<80xi32, #tpu.memory_space<vmem>>)
      %dma_start3A_184 = arith.constant 0 : i32
      %dma_start3A_185 = arith.constant 0 : i32
      %dma_start3A_186 = tpu.memref_slice %arg19[%dma_start3A_184, %dma_start3A_185] : memref<10240x128xf32, #tpu.memory_space<vmem_shared>> -> memref<10240x128xf32, #tpu.memory_space<vmem_shared>>
      tpu.enqueue_indirect_dma source(%arg18 : memref<80x128xf32, #tpu.memory_space<vmem>>) target(%dma_start3A_186 : memref<10240x128xf32, #tpu.memory_space<vmem_shared>>) offsets(%arg14 : memref<80xi32, #tpu.memory_space<vmem>>) semaphore(%arg35 : memref<!tpu.dma_semaphore, #tpu.memory_space<semaphore_mem>>) {add = true}
      %lt3A = arith.constant 31 : i32
      %lt3A_187 = arith.cmpi slt, %scan3A_122, %lt3A : i32
      %convert_element_type3A = arith.extui %lt3A_187 : i1 to i32
      %cond3A = arith.constant 0 : i32
      %cond3A_188 = arith.cmpi ne, %convert_element_type3A, %cond3A : i32
      scf.if %cond3A_188 {
        %mul3A_189 = arith.constant 4 : i32
        %mul3A_190 = arith.muli %scan3A_122, %mul3A_189 : i32
        %add3A_191 = arith.constant 0 : i32
        %add3A_192 = arith.addi %mul3A_190, %add3A_191 : i32
        %add3A_193 = arith.constant 4 : i32
        %add3A_194 = arith.addi %add3A_192, %add3A_193 : i32
        %dma_start3A_195 = arith.constant 0 : i32
        %dma_start3A_196 = tpu.memref_slice %arg2[%add3A, %add3A_194, %dma_start3A_195] : memref<32x128x80xi32, #tpu.memory_space<hbm>> -> memref<1x1x80xi32, #tpu.memory_space<hbm>>
        %dma_start3A_197 = tpu.memref_squeeze %dma_start3A_196 : memref<1x1x80xi32, #tpu.memory_space<hbm>> -> memref<80xi32, #tpu.memory_space<hbm>>
        %dma_start3A_198 = arith.constant 0 : i32
        %dma_start3A_199 = tpu.memref_slice %arg2[%add3A, %add3A_194, %dma_start3A_198] : memref<32x128x80xi32, #tpu.memory_space<hbm>> -> memref<1x1x80xi32, #tpu.memory_space<hbm>>
        %dma_start3A_200 = tpu.memref_squeeze %dma_start3A_199 : memref<1x1x80xi32, #tpu.memory_space<hbm>> -> memref<80xi32, #tpu.memory_space<hbm>>
        tpu.enqueue_dma source(%dma_start3A_200 : memref<80xi32, #tpu.memory_space<hbm>>) target(%arg7 : memref<80xi32, #tpu.memory_space<vmem>>) target_semaphore(%arg20 : memref<!tpu.dma_semaphore, #tpu.memory_space<semaphore_mem>>)
        %dma_wait3A_201 = arith.constant 0 : i32
        %dma_wait3A_202 = arith.constant 0 : i32
        %dma_wait3A_203 = tpu.memref_slice %arg19[%dma_wait3A_201, %dma_wait3A_202] : memref<10240x128xf32, #tpu.memory_space<vmem_shared>> -> memref<10240x128xf32, #tpu.memory_space<vmem_shared>>
        tpu.wait_indirect_dma semaphore(%arg32 : memref<!tpu.dma_semaphore, #tpu.memory_space<semaphore_mem>>) src(%arg15 : memref<80x128xf32, #tpu.memory_space<vmem>>) dst(%dma_wait3A_203 : memref<10240x128xf32, #tpu.memory_space<vmem_shared>>)
        %dma_start3A_204 = arith.constant 0 : i32
        %dma_start3A_205 = tpu.memref_slice %arg3[%add3A, %add3A_194, %dma_start3A_204] : memref<32x128x80xi32, #tpu.memory_space<hbm>> -> memref<1x1x80xi32, #tpu.memory_space<hbm>>
        %dma_start3A_206 = tpu.memref_squeeze %dma_start3A_205 : memref<1x1x80xi32, #tpu.memory_space<hbm>> -> memref<80xi32, #tpu.memory_space<hbm>>
        %dma_start3A_207 = arith.constant 0 : i32
        %dma_start3A_208 = tpu.memref_slice %arg3[%add3A, %add3A_194, %dma_start3A_207] : memref<32x128x80xi32, #tpu.memory_space<hbm>> -> memref<1x1x80xi32, #tpu.memory_space<hbm>>
        %dma_start3A_209 = tpu.memref_squeeze %dma_start3A_208 : memref<1x1x80xi32, #tpu.memory_space<hbm>> -> memref<80xi32, #tpu.memory_space<hbm>>
        tpu.enqueue_dma source(%dma_start3A_209 : memref<80xi32, #tpu.memory_space<hbm>>) target(%arg11 : memref<80xi32, #tpu.memory_space<vmem>>) target_semaphore(%arg24 : memref<!tpu.dma_semaphore, #tpu.memory_space<semaphore_mem>>)
        %dma_wait3A_210 = arith.constant 0 : i32
        %dma_wait3A_211 = tpu.memref_slice %arg2[%add3A, %add3A_194, %dma_wait3A_210] : memref<32x128x80xi32, #tpu.memory_space<hbm>> -> memref<1x1x80xi32, #tpu.memory_space<hbm>>
        %dma_wait3A_212 = tpu.memref_squeeze %dma_wait3A_211 : memref<1x1x80xi32, #tpu.memory_space<hbm>> -> memref<80xi32, #tpu.memory_space<hbm>>
        %dma_wait3A_213 = arith.constant 0 : i32
        %dma_wait3A_214 = tpu.memref_slice %arg2[%add3A, %add3A_194, %dma_wait3A_213] : memref<32x128x80xi32, #tpu.memory_space<hbm>> -> memref<1x1x80xi32, #tpu.memory_space<hbm>>
        %dma_wait3A_215 = tpu.memref_squeeze %dma_wait3A_214 : memref<1x1x80xi32, #tpu.memory_space<hbm>> -> memref<80xi32, #tpu.memory_space<hbm>>
        tpu.wait_dma2 semaphore(%arg20 : memref<!tpu.dma_semaphore, #tpu.memory_space<semaphore_mem>>) src(%dma_wait3A_215 : memref<80xi32, #tpu.memory_space<hbm>>) dst(%arg7 : memref<80xi32, #tpu.memory_space<vmem>>)
        %dma_start3A_216 = arith.constant 0 : i32
        %dma_start3A_217 = arith.constant 0 : i32
        %dma_start3A_218 = tpu.memref_slice %arg5[%dma_start3A_216, %dma_start3A_217] : memref<10000x128xf32, #tpu.memory_space<hbm>> -> memref<10000x128xf32, #tpu.memory_space<hbm>>
        tpu.enqueue_indirect_dma source(%dma_start3A_218 : memref<10000x128xf32, #tpu.memory_space<hbm>>) target(%arg15 : memref<80x128xf32, #tpu.memory_space<vmem>>) offsets(%arg7 : memref<80xi32, #tpu.memory_space<vmem>>) semaphore(%arg28 : memref<!tpu.dma_semaphore, #tpu.memory_space<semaphore_mem>>)
        %mul3A_219 = arith.constant 4 : i32
        %mul3A_220 = arith.muli %scan3A_122, %mul3A_219 : i32
        %add3A_221 = arith.constant 1 : i32
        %add3A_222 = arith.addi %mul3A_220, %add3A_221 : i32
        %add3A_223 = arith.constant 4 : i32
        %add3A_224 = arith.addi %add3A_222, %add3A_223 : i32
        %dma_start3A_225 = arith.constant 0 : i32
        %dma_start3A_226 = tpu.memref_slice %arg2[%add3A, %add3A_224, %dma_start3A_225] : memref<32x128x80xi32, #tpu.memory_space<hbm>> -> memref<1x1x80xi32, #tpu.memory_space<hbm>>
        %dma_start3A_227 = tpu.memref_squeeze %dma_start3A_226 : memref<1x1x80xi32, #tpu.memory_space<hbm>> -> memref<80xi32, #tpu.memory_space<hbm>>
        %dma_start3A_228 = arith.constant 0 : i32
        %dma_start3A_229 = tpu.memref_slice %arg2[%add3A, %add3A_224, %dma_start3A_228] : memref<32x128x80xi32, #tpu.memory_space<hbm>> -> memref<1x1x80xi32, #tpu.memory_space<hbm>>
        %dma_start3A_230 = tpu.memref_squeeze %dma_start3A_229 : memref<1x1x80xi32, #tpu.memory_space<hbm>> -> memref<80xi32, #tpu.memory_space<hbm>>
        tpu.enqueue_dma source(%dma_start3A_230 : memref<80xi32, #tpu.memory_space<hbm>>) target(%arg8 : memref<80xi32, #tpu.memory_space<vmem>>) target_semaphore(%arg21 : memref<!tpu.dma_semaphore, #tpu.memory_space<semaphore_mem>>)
        %dma_wait3A_231 = arith.constant 0 : i32
        %dma_wait3A_232 = arith.constant 0 : i32
        %dma_wait3A_233 = tpu.memref_slice %arg19[%dma_wait3A_231, %dma_wait3A_232] : memref<10240x128xf32, #tpu.memory_space<vmem_shared>> -> memref<10240x128xf32, #tpu.memory_space<vmem_shared>>
        tpu.wait_indirect_dma semaphore(%arg33 : memref<!tpu.dma_semaphore, #tpu.memory_space<semaphore_mem>>) src(%arg16 : memref<80x128xf32, #tpu.memory_space<vmem>>) dst(%dma_wait3A_233 : memref<10240x128xf32, #tpu.memory_space<vmem_shared>>)
        %dma_start3A_234 = arith.constant 0 : i32
        %dma_start3A_235 = tpu.memref_slice %arg3[%add3A, %add3A_224, %dma_start3A_234] : memref<32x128x80xi32, #tpu.memory_space<hbm>> -> memref<1x1x80xi32, #tpu.memory_space<hbm>>
        %dma_start3A_236 = tpu.memref_squeeze %dma_start3A_235 : memref<1x1x80xi32, #tpu.memory_space<hbm>> -> memref<80xi32, #tpu.memory_space<hbm>>
        %dma_start3A_237 = arith.constant 0 : i32
        %dma_start3A_238 = tpu.memref_slice %arg3[%add3A, %add3A_224, %dma_start3A_237] : memref<32x128x80xi32, #tpu.memory_space<hbm>> -> memref<1x1x80xi32, #tpu.memory_space<hbm>>
        %dma_start3A_239 = tpu.memref_squeeze %dma_start3A_238 : memref<1x1x80xi32, #tpu.memory_space<hbm>> -> memref<80xi32, #tpu.memory_space<hbm>>
        tpu.enqueue_dma source(%dma_start3A_239 : memref<80xi32, #tpu.memory_space<hbm>>) target(%arg12 : memref<80xi32, #tpu.memory_space<vmem>>) target_semaphore(%arg25 : memref<!tpu.dma_semaphore, #tpu.memory_space<semaphore_mem>>)
        %dma_wait3A_240 = arith.constant 0 : i32
        %dma_wait3A_241 = tpu.memref_slice %arg2[%add3A, %add3A_224, %dma_wait3A_240] : memref<32x128x80xi32, #tpu.memory_space<hbm>> -> memref<1x1x80xi32, #tpu.memory_space<hbm>>
        %dma_wait3A_242 = tpu.memref_squeeze %dma_wait3A_241 : memref<1x1x80xi32, #tpu.memory_space<hbm>> -> memref<80xi32, #tpu.memory_space<hbm>>
        %dma_wait3A_243 = arith.constant 0 : i32
        %dma_wait3A_244 = tpu.memref_slice %arg2[%add3A, %add3A_224, %dma_wait3A_243] : memref<32x128x80xi32, #tpu.memory_space<hbm>> -> memref<1x1x80xi32, #tpu.memory_space<hbm>>
        %dma_wait3A_245 = tpu.memref_squeeze %dma_wait3A_244 : memref<1x1x80xi32, #tpu.memory_space<hbm>> -> memref<80xi32, #tpu.memory_space<hbm>>
        tpu.wait_dma2 semaphore(%arg21 : memref<!tpu.dma_semaphore, #tpu.memory_space<semaphore_mem>>) src(%dma_wait3A_245 : memref<80xi32, #tpu.memory_space<hbm>>) dst(%arg8 : memref<80xi32, #tpu.memory_space<vmem>>)
        %dma_start3A_246 = arith.constant 0 : i32
        %dma_start3A_247 = arith.constant 0 : i32
        %dma_start3A_248 = tpu.memref_slice %arg5[%dma_start3A_246, %dma_start3A_247] : memref<10000x128xf32, #tpu.memory_space<hbm>> -> memref<10000x128xf32, #tpu.memory_space<hbm>>
        tpu.enqueue_indirect_dma source(%dma_start3A_248 : memref<10000x128xf32, #tpu.memory_space<hbm>>) target(%arg16 : memref<80x128xf32, #tpu.memory_space<vmem>>) offsets(%arg8 : memref<80xi32, #tpu.memory_space<vmem>>) semaphore(%arg29 : memref<!tpu.dma_semaphore, #tpu.memory_space<semaphore_mem>>)
        %mul3A_249 = arith.constant 4 : i32
        %mul3A_250 = arith.muli %scan3A_122, %mul3A_249 : i32
        %add3A_251 = arith.constant 2 : i32
        %add3A_252 = arith.addi %mul3A_250, %add3A_251 : i32
        %add3A_253 = arith.constant 4 : i32
        %add3A_254 = arith.addi %add3A_252, %add3A_253 : i32
        %dma_start3A_255 = arith.constant 0 : i32
        %dma_start3A_256 = tpu.memref_slice %arg2[%add3A, %add3A_254, %dma_start3A_255] : memref<32x128x80xi32, #tpu.memory_space<hbm>> -> memref<1x1x80xi32, #tpu.memory_space<hbm>>
        %dma_start3A_257 = tpu.memref_squeeze %dma_start3A_256 : memref<1x1x80xi32, #tpu.memory_space<hbm>> -> memref<80xi32, #tpu.memory_space<hbm>>
        %dma_start3A_258 = arith.constant 0 : i32
        %dma_start3A_259 = tpu.memref_slice %arg2[%add3A, %add3A_254, %dma_start3A_258] : memref<32x128x80xi32, #tpu.memory_space<hbm>> -> memref<1x1x80xi32, #tpu.memory_space<hbm>>
        %dma_start3A_260 = tpu.memref_squeeze %dma_start3A_259 : memref<1x1x80xi32, #tpu.memory_space<hbm>> -> memref<80xi32, #tpu.memory_space<hbm>>
        tpu.enqueue_dma source(%dma_start3A_260 : memref<80xi32, #tpu.memory_space<hbm>>) target(%arg9 : memref<80xi32, #tpu.memory_space<vmem>>) target_semaphore(%arg22 : memref<!tpu.dma_semaphore, #tpu.memory_space<semaphore_mem>>)
        %dma_wait3A_261 = arith.constant 0 : i32
        %dma_wait3A_262 = arith.constant 0 : i32
        %dma_wait3A_263 = tpu.memref_slice %arg19[%dma_wait3A_261, %dma_wait3A_262] : memref<10240x128xf32, #tpu.memory_space<vmem_shared>> -> memref<10240x128xf32, #tpu.memory_space<vmem_shared>>
        tpu.wait_indirect_dma semaphore(%arg34 : memref<!tpu.dma_semaphore, #tpu.memory_space<semaphore_mem>>) src(%arg17 : memref<80x128xf32, #tpu.memory_space<vmem>>) dst(%dma_wait3A_263 : memref<10240x128xf32, #tpu.memory_space<vmem_shared>>)
        %dma_start3A_264 = arith.constant 0 : i32
        %dma_start3A_265 = tpu.memref_slice %arg3[%add3A, %add3A_254, %dma_start3A_264] : memref<32x128x80xi32, #tpu.memory_space<hbm>> -> memref<1x1x80xi32, #tpu.memory_space<hbm>>
        %dma_start3A_266 = tpu.memref_squeeze %dma_start3A_265 : memref<1x1x80xi32, #tpu.memory_space<hbm>> -> memref<80xi32, #tpu.memory_space<hbm>>
        %dma_start3A_267 = arith.constant 0 : i32
        %dma_start3A_268 = tpu.memref_slice %arg3[%add3A, %add3A_254, %dma_start3A_267] : memref<32x128x80xi32, #tpu.memory_space<hbm>> -> memref<1x1x80xi32, #tpu.memory_space<hbm>>
        %dma_start3A_269 = tpu.memref_squeeze %dma_start3A_268 : memref<1x1x80xi32, #tpu.memory_space<hbm>> -> memref<80xi32, #tpu.memory_space<hbm>>
        tpu.enqueue_dma source(%dma_start3A_269 : memref<80xi32, #tpu.memory_space<hbm>>) target(%arg13 : memref<80xi32, #tpu.memory_space<vmem>>) target_semaphore(%arg26 : memref<!tpu.dma_semaphore, #tpu.memory_space<semaphore_mem>>)
        %dma_wait3A_270 = arith.constant 0 : i32
        %dma_wait3A_271 = tpu.memref_slice %arg2[%add3A, %add3A_254, %dma_wait3A_270] : memref<32x128x80xi32, #tpu.memory_space<hbm>> -> memref<1x1x80xi32, #tpu.memory_space<hbm>>
        %dma_wait3A_272 = tpu.memref_squeeze %dma_wait3A_271 : memref<1x1x80xi32, #tpu.memory_space<hbm>> -> memref<80xi32, #tpu.memory_space<hbm>>
        %dma_wait3A_273 = arith.constant 0 : i32
        %dma_wait3A_274 = tpu.memref_slice %arg2[%add3A, %add3A_254, %dma_wait3A_273] : memref<32x128x80xi32, #tpu.memory_space<hbm>> -> memref<1x1x80xi32, #tpu.memory_space<hbm>>
        %dma_wait3A_275 = tpu.memref_squeeze %dma_wait3A_274 : memref<1x1x80xi32, #tpu.memory_space<hbm>> -> memref<80xi32, #tpu.memory_space<hbm>>
        tpu.wait_dma2 semaphore(%arg22 : memref<!tpu.dma_semaphore, #tpu.memory_space<semaphore_mem>>) src(%dma_wait3A_275 : memref<80xi32, #tpu.memory_space<hbm>>) dst(%arg9 : memref<80xi32, #tpu.memory_space<vmem>>)
        %dma_start3A_276 = arith.constant 0 : i32
        %dma_start3A_277 = arith.constant 0 : i32
        %dma_start3A_278 = tpu.memref_slice %arg5[%dma_start3A_276, %dma_start3A_277] : memref<10000x128xf32, #tpu.memory_space<hbm>> -> memref<10000x128xf32, #tpu.memory_space<hbm>>
        tpu.enqueue_indirect_dma source(%dma_start3A_278 : memref<10000x128xf32, #tpu.memory_space<hbm>>) target(%arg17 : memref<80x128xf32, #tpu.memory_space<vmem>>) offsets(%arg9 : memref<80xi32, #tpu.memory_space<vmem>>) semaphore(%arg30 : memref<!tpu.dma_semaphore, #tpu.memory_space<semaphore_mem>>)
        %mul3A_279 = arith.constant 4 : i32
        %mul3A_280 = arith.muli %scan3A_122, %mul3A_279 : i32
        %add3A_281 = arith.constant 3 : i32
        %add3A_282 = arith.addi %mul3A_280, %add3A_281 : i32
        %add3A_283 = arith.constant 4 : i32
        %add3A_284 = arith.addi %add3A_282, %add3A_283 : i32
        %dma_start3A_285 = arith.constant 0 : i32
        %dma_start3A_286 = tpu.memref_slice %arg2[%add3A, %add3A_284, %dma_start3A_285] : memref<32x128x80xi32, #tpu.memory_space<hbm>> -> memref<1x1x80xi32, #tpu.memory_space<hbm>>
        %dma_start3A_287 = tpu.memref_squeeze %dma_start3A_286 : memref<1x1x80xi32, #tpu.memory_space<hbm>> -> memref<80xi32, #tpu.memory_space<hbm>>
        %dma_start3A_288 = arith.constant 0 : i32
        %dma_start3A_289 = tpu.memref_slice %arg2[%add3A, %add3A_284, %dma_start3A_288] : memref<32x128x80xi32, #tpu.memory_space<hbm>> -> memref<1x1x80xi32, #tpu.memory_space<hbm>>
        %dma_start3A_290 = tpu.memref_squeeze %dma_start3A_289 : memref<1x1x80xi32, #tpu.memory_space<hbm>> -> memref<80xi32, #tpu.memory_space<hbm>>
        tpu.enqueue_dma source(%dma_start3A_290 : memref<80xi32, #tpu.memory_space<hbm>>) target(%arg10 : memref<80xi32, #tpu.memory_space<vmem>>) target_semaphore(%arg23 : memref<!tpu.dma_semaphore, #tpu.memory_space<semaphore_mem>>)
        %dma_wait3A_291 = arith.constant 0 : i32
        %dma_wait3A_292 = arith.constant 0 : i32
        %dma_wait3A_293 = tpu.memref_slice %arg19[%dma_wait3A_291, %dma_wait3A_292] : memref<10240x128xf32, #tpu.memory_space<vmem_shared>> -> memref<10240x128xf32, #tpu.memory_space<vmem_shared>>
        tpu.wait_indirect_dma semaphore(%arg35 : memref<!tpu.dma_semaphore, #tpu.memory_space<semaphore_mem>>) src(%arg18 : memref<80x128xf32, #tpu.memory_space<vmem>>) dst(%dma_wait3A_293 : memref<10240x128xf32, #tpu.memory_space<vmem_shared>>)
        %dma_start3A_294 = arith.constant 0 : i32
        %dma_start3A_295 = tpu.memref_slice %arg3[%add3A, %add3A_284, %dma_start3A_294] : memref<32x128x80xi32, #tpu.memory_space<hbm>> -> memref<1x1x80xi32, #tpu.memory_space<hbm>>
        %dma_start3A_296 = tpu.memref_squeeze %dma_start3A_295 : memref<1x1x80xi32, #tpu.memory_space<hbm>> -> memref<80xi32, #tpu.memory_space<hbm>>
        %dma_start3A_297 = arith.constant 0 : i32
        %dma_start3A_298 = tpu.memref_slice %arg3[%add3A, %add3A_284, %dma_start3A_297] : memref<32x128x80xi32, #tpu.memory_space<hbm>> -> memref<1x1x80xi32, #tpu.memory_space<hbm>>
        %dma_start3A_299 = tpu.memref_squeeze %dma_start3A_298 : memref<1x1x80xi32, #tpu.memory_space<hbm>> -> memref<80xi32, #tpu.memory_space<hbm>>
        tpu.enqueue_dma source(%dma_start3A_299 : memref<80xi32, #tpu.memory_space<hbm>>) target(%arg14 : memref<80xi32, #tpu.memory_space<vmem>>) target_semaphore(%arg27 : memref<!tpu.dma_semaphore, #tpu.memory_space<semaphore_mem>>)
        %dma_wait3A_300 = arith.constant 0 : i32
        %dma_wait3A_301 = tpu.memref_slice %arg2[%add3A, %add3A_284, %dma_wait3A_300] : memref<32x128x80xi32, #tpu.memory_space<hbm>> -> memref<1x1x80xi32, #tpu.memory_space<hbm>>
        %dma_wait3A_302 = tpu.memref_squeeze %dma_wait3A_301 : memref<1x1x80xi32, #tpu.memory_space<hbm>> -> memref<80xi32, #tpu.memory_space<hbm>>
        %dma_wait3A_303 = arith.constant 0 : i32
        %dma_wait3A_304 = tpu.memref_slice %arg2[%add3A, %add3A_284, %dma_wait3A_303] : memref<32x128x80xi32, #tpu.memory_space<hbm>> -> memref<1x1x80xi32, #tpu.memory_space<hbm>>
        %dma_wait3A_305 = tpu.memref_squeeze %dma_wait3A_304 : memref<1x1x80xi32, #tpu.memory_space<hbm>> -> memref<80xi32, #tpu.memory_space<hbm>>
        tpu.wait_dma2 semaphore(%arg23 : memref<!tpu.dma_semaphore, #tpu.memory_space<semaphore_mem>>) src(%dma_wait3A_305 : memref<80xi32, #tpu.memory_space<hbm>>) dst(%arg10 : memref<80xi32, #tpu.memory_space<vmem>>)
        %dma_start3A_306 = arith.constant 0 : i32
        %dma_start3A_307 = arith.constant 0 : i32
        %dma_start3A_308 = tpu.memref_slice %arg5[%dma_start3A_306, %dma_start3A_307] : memref<10000x128xf32, #tpu.memory_space<hbm>> -> memref<10000x128xf32, #tpu.memory_space<hbm>>
        tpu.enqueue_indirect_dma source(%dma_start3A_308 : memref<10000x128xf32, #tpu.memory_space<hbm>>) target(%arg18 : memref<80x128xf32, #tpu.memory_space<vmem>>) offsets(%arg10 : memref<80xi32, #tpu.memory_space<vmem>>) semaphore(%arg31 : memref<!tpu.dma_semaphore, #tpu.memory_space<semaphore_mem>>)
      } else {
      }
    }
    %scan3A_101 = arith.constant 32 : i32
    %dma_wait3A_102 = arith.constant 0 : i32
    %dma_wait3A_103 = arith.constant 0 : i32
    %dma_wait3A_104 = tpu.memref_slice %arg19[%dma_wait3A_102, %dma_wait3A_103] : memref<10240x128xf32, #tpu.memory_space<vmem_shared>> -> memref<10240x128xf32, #tpu.memory_space<vmem_shared>>
    tpu.wait_indirect_dma semaphore(%arg32 : memref<!tpu.dma_semaphore, #tpu.memory_space<semaphore_mem>>) src(%arg15 : memref<80x128xf32, #tpu.memory_space<vmem>>) dst(%dma_wait3A_104 : memref<10240x128xf32, #tpu.memory_space<vmem_shared>>)
    %dma_wait3A_105 = arith.constant 0 : i32
    %dma_wait3A_106 = arith.constant 0 : i32
    %dma_wait3A_107 = tpu.memref_slice %arg19[%dma_wait3A_105, %dma_wait3A_106] : memref<10240x128xf32, #tpu.memory_space<vmem_shared>> -> memref<10240x128xf32, #tpu.memory_space<vmem_shared>>
    tpu.wait_indirect_dma semaphore(%arg33 : memref<!tpu.dma_semaphore, #tpu.memory_space<semaphore_mem>>) src(%arg16 : memref<80x128xf32, #tpu.memory_space<vmem>>) dst(%dma_wait3A_107 : memref<10240x128xf32, #tpu.memory_space<vmem_shared>>)
    %dma_wait3A_108 = arith.constant 0 : i32
    %dma_wait3A_109 = arith.constant 0 : i32
    %dma_wait3A_110 = tpu.memref_slice %arg19[%dma_wait3A_108, %dma_wait3A_109] : memref<10240x128xf32, #tpu.memory_space<vmem_shared>> -> memref<10240x128xf32, #tpu.memory_space<vmem_shared>>
    tpu.wait_indirect_dma semaphore(%arg34 : memref<!tpu.dma_semaphore, #tpu.memory_space<semaphore_mem>>) src(%arg17 : memref<80x128xf32, #tpu.memory_space<vmem>>) dst(%dma_wait3A_110 : memref<10240x128xf32, #tpu.memory_space<vmem_shared>>)
    %dma_wait3A_111 = arith.constant 0 : i32
    %dma_wait3A_112 = arith.constant 0 : i32
    %dma_wait3A_113 = tpu.memref_slice %arg19[%dma_wait3A_111, %dma_wait3A_112] : memref<10240x128xf32, #tpu.memory_space<vmem_shared>> -> memref<10240x128xf32, #tpu.memory_space<vmem_shared>>
    tpu.wait_indirect_dma semaphore(%arg35 : memref<!tpu.dma_semaphore, #tpu.memory_space<semaphore_mem>>) src(%arg18 : memref<80x128xf32, #tpu.memory_space<vmem>>) dst(%dma_wait3A_113 : memref<10240x128xf32, #tpu.memory_space<vmem_shared>>)
    %barrier3A_114 = arith.constant 0 : index
    tpu.barrier barrier_id(%barrier3A_114)
    %mul3A_115 = arith.constant 640 : i32
    %mul3A_116 = arith.muli %arg1, %mul3A_115 : i32
    %mul3A_117 = arith.constant 10240 : i32
    %mul3A_118 = arith.muli %arg0, %mul3A_117 : i32
    %mul3A_119 = arith.constant 640 : i32
    %mul3A_120 = arith.muli %arg1, %mul3A_119 : i32
    %add3A_121 = arith.addi %mul3A_118, %mul3A_120 : i32
    "tpu.region"() ({
      %run_scoped3A = tpu.sem_alloc : memref<!tpu.dma_semaphore, #tpu.memory_space<semaphore_mem>>
      %dma_start3A_122 = arith.constant 0 : i32
      %dma_start3A_123 = tpu.memref_slice %arg6[%add3A_121, %dma_start3A_122] : memref<20480x128xf32, #tpu.memory_space<hbm>> -> memref<640x128xf32, #tpu.memory_space<hbm>>
      %dma_start3A_124 = arith.constant 0 : i32
      %dma_start3A_125 = tpu.memref_slice %arg19[%mul3A_116, %dma_start3A_124] : memref<10240x128xf32, #tpu.memory_space<vmem_shared>> -> memref<640x128xf32, #tpu.memory_space<vmem_shared>>
      tpu.enqueue_dma source(%dma_start3A_125 : memref<640x128xf32, #tpu.memory_space<vmem_shared>>) target(%dma_start3A_123 : memref<640x128xf32, #tpu.memory_space<hbm>>) target_semaphore(%run_scoped3A : memref<!tpu.dma_semaphore, #tpu.memory_space<semaphore_mem>>)
      %dma_wait3A_126 = arith.constant 0 : i32
      %dma_wait3A_127 = tpu.memref_slice %arg6[%add3A_121, %dma_wait3A_126] : memref<20480x128xf32, #tpu.memory_space<hbm>> -> memref<640x128xf32, #tpu.memory_space<hbm>>
      %dma_wait3A_128 = arith.constant 0 : i32
      %dma_wait3A_129 = tpu.memref_slice %arg19[%mul3A_116, %dma_wait3A_128] : memref<10240x128xf32, #tpu.memory_space<vmem_shared>> -> memref<640x128xf32, #tpu.memory_space<vmem_shared>>
      tpu.wait_dma2 semaphore(%run_scoped3A : memref<!tpu.dma_semaphore, #tpu.memory_space<semaphore_mem>>) src(%dma_wait3A_129 : memref<640x128xf32, #tpu.memory_space<vmem_shared>>) dst(%dma_wait3A_127 : memref<640x128xf32, #tpu.memory_space<hbm>>)
      tpu.yield
    }) : () -> ()
    return
  }
}

#map = affine_map<(d0, d1) -> (0, 0, 0)>
#map1 = affine_map<(d0, d1) -> (0, 0)>
module attributes {stable_mosaic.version = 14 : i64} {
  func.func @_sc_body(%arg0: i32, %arg1: i32, %arg2: memref<32x128x80xi32, #tpu.memory_space<hbm>>, %arg3: memref<32x128x80xi32, #tpu.memory_space<hbm>>, %arg4: memref<640x128xf32, #tpu.memory_space<hbm>>, %arg5: memref<10000x128xf32, #tpu.memory_space<hbm>>, %arg6: memref<20480x128xf32, #tpu.memory_space<hbm>>, %arg7: memref<80xi32, #tpu.memory_space<vmem>>, %arg8: memref<80xi32, #tpu.memory_space<vmem>>, %arg9: memref<80xi32, #tpu.memory_space<vmem>>, %arg10: memref<80xi32, #tpu.memory_space<vmem>>, %arg11: memref<80xi32, #tpu.memory_space<vmem>>, %arg12: memref<80xi32, #tpu.memory_space<vmem>>, %arg13: memref<80xi32, #tpu.memory_space<vmem>>, %arg14: memref<80xi32, #tpu.memory_space<vmem>>, %arg15: memref<80x128xf32, #tpu.memory_space<vmem>>, %arg16: memref<80x128xf32, #tpu.memory_space<vmem>>, %arg17: memref<80x128xf32, #tpu.memory_space<vmem>>, %arg18: memref<80x128xf32, #tpu.memory_space<vmem>>, %arg19: memref<10240x128xf32, #tpu.memory_space<vmem_shared>>, %arg20: memref<!tpu.dma_semaphore, #tpu.memory_space<semaphore_mem>>, %arg21: memref<!tpu.dma_semaphore, #tpu.memory_space<semaphore_mem>>, %arg22: memref<!tpu.dma_semaphore, #tpu.memory_space<semaphore_mem>>, %arg23: memref<!tpu.dma_semaphore, #tpu.memory_space<semaphore_mem>>, %arg24: memref<!tpu.dma_semaphore, #tpu.memory_space<semaphore_mem>>, %arg25: memref<!tpu.dma_semaphore, #tpu.memory_space<semaphore_mem>>, %arg26: memref<!tpu.dma_semaphore, #tpu.memory_space<semaphore_mem>>, %arg27: memref<!tpu.dma_semaphore, #tpu.memory_space<semaphore_mem>>, %arg28: memref<!tpu.dma_semaphore, #tpu.memory_space<semaphore_mem>>, %arg29: memref<!tpu.dma_semaphore, #tpu.memory_space<semaphore_mem>>, %arg30: memref<!tpu.dma_semaphore, #tpu.memory_space<semaphore_mem>>, %arg31: memref<!tpu.dma_semaphore, #tpu.memory_space<semaphore_mem>>, %arg32: memref<!tpu.dma_semaphore, #tpu.memory_space<semaphore_mem>>, %arg33: memref<!tpu.dma_semaphore, #tpu.memory_space<semaphore_mem>>, %arg34: memref<!tpu.dma_semaphore, #tpu.memory_space<semaphore_mem>>, %arg35: memref<!tpu.dma_semaphore, #tpu.memory_space<semaphore_mem>>) attributes {dimension_semantics = [#tpu.dimension_semantics<core_parallel>, #tpu.dimension_semantics<subcore_parallel>], iteration_bounds = array<i64: 2, 16>, scalar_prefetch = 0 : i64, scratch_operands = 29 : i64, tpu.core_type = #tpu.core_type<sc_vector_subcore>, window_params = [{transform_indices = #map}, {transform_indices = #map}, {transform_indices = #map1}, {transform_indices = #map1}, {transform_indices = #map1}]} {
    %mul3A = arith.constant 16 : i32
    %mul3A_0 = arith.muli %arg0, %mul3A : i32
    %add3A = arith.addi %mul3A_0, %arg1 : i32
    %dma_start3A = arith.constant 0 : i32
    %dma_start3A_1 = arith.constant 0 : i32
    %dma_start3A_2 = tpu.memref_slice %arg2[%add3A, %dma_start3A, %dma_start3A_1] : memref<32x128x80xi32, #tpu.memory_space<hbm>> -> memref<1x1x80xi32, #tpu.memory_space<hbm>>
    %dma_start3A_3 = tpu.memref_squeeze %dma_start3A_2 : memref<1x1x80xi32, #tpu.memory_space<hbm>> -> memref<80xi32, #tpu.memory_space<hbm>>
    %dma_start3A_4 = arith.constant 0 : i32
    %dma_start3A_5 = tpu.memref_slice %arg2[%add3A, %dma_start3A, %dma_start3A_4] : memref<32x128x80xi32, #tpu.memory_space<hbm>> -> memref<1x1x80xi32, #tpu.memory_space<hbm>>
    %dma_start3A_6 = tpu.memref_squeeze %dma_start3A_5 : memref<1x1x80xi32, #tpu.memory_space<hbm>> -> memref<80xi32, #tpu.memory_space<hbm>>
    tpu.enqueue_dma source(%dma_start3A_6 : memref<80xi32, #tpu.memory_space<hbm>>) target(%arg7 : memref<80xi32, #tpu.memory_space<vmem>>) target_semaphore(%arg20 : memref<!tpu.dma_semaphore, #tpu.memory_space<semaphore_mem>>)
    %dma_start3A_7 = arith.constant 0 : i32
    %dma_start3A_8 = arith.constant 0 : i32
    %dma_start3A_9 = tpu.memref_slice %arg3[%add3A, %dma_start3A_7, %dma_start3A_8] : memref<32x128x80xi32, #tpu.memory_space<hbm>> -> memref<1x1x80xi32, #tpu.memory_space<hbm>>
    %dma_start3A_10 = tpu.memref_squeeze %dma_start3A_9 : memref<1x1x80xi32, #tpu.memory_space<hbm>> -> memref<80xi32, #tpu.memory_space<hbm>>
    %dma_start3A_11 = arith.constant 0 : i32
    %dma_start3A_12 = tpu.memref_slice %arg3[%add3A, %dma_start3A_7, %dma_start3A_11] : memref<32x128x80xi32, #tpu.memory_space<hbm>> -> memref<1x1x80xi32, #tpu.memory_space<hbm>>
    %dma_start3A_13 = tpu.memref_squeeze %dma_start3A_12 : memref<1x1x80xi32, #tpu.memory_space<hbm>> -> memref<80xi32, #tpu.memory_space<hbm>>
    tpu.enqueue_dma source(%dma_start3A_13 : memref<80xi32, #tpu.memory_space<hbm>>) target(%arg11 : memref<80xi32, #tpu.memory_space<vmem>>) target_semaphore(%arg24 : memref<!tpu.dma_semaphore, #tpu.memory_space<semaphore_mem>>)
    %dma_start3A_14 = arith.constant 1 : i32
    %dma_start3A_15 = arith.constant 0 : i32
    %dma_start3A_16 = tpu.memref_slice %arg2[%add3A, %dma_start3A_14, %dma_start3A_15] : memref<32x128x80xi32, #tpu.memory_space<hbm>> -> memref<1x1x80xi32, #tpu.memory_space<hbm>>
    %dma_start3A_17 = tpu.memref_squeeze %dma_start3A_16 : memref<1x1x80xi32, #tpu.memory_space<hbm>> -> memref<80xi32, #tpu.memory_space<hbm>>
    %dma_start3A_18 = arith.constant 0 : i32
    %dma_start3A_19 = tpu.memref_slice %arg2[%add3A, %dma_start3A_14, %dma_start3A_18] : memref<32x128x80xi32, #tpu.memory_space<hbm>> -> memref<1x1x80xi32, #tpu.memory_space<hbm>>
    %dma_start3A_20 = tpu.memref_squeeze %dma_start3A_19 : memref<1x1x80xi32, #tpu.memory_space<hbm>> -> memref<80xi32, #tpu.memory_space<hbm>>
    tpu.enqueue_dma source(%dma_start3A_20 : memref<80xi32, #tpu.memory_space<hbm>>) target(%arg8 : memref<80xi32, #tpu.memory_space<vmem>>) target_semaphore(%arg21 : memref<!tpu.dma_semaphore, #tpu.memory_space<semaphore_mem>>)
    %dma_start3A_21 = arith.constant 1 : i32
    %dma_start3A_22 = arith.constant 0 : i32
    %dma_start3A_23 = tpu.memref_slice %arg3[%add3A, %dma_start3A_21, %dma_start3A_22] : memref<32x128x80xi32, #tpu.memory_space<hbm>> -> memref<1x1x80xi32, #tpu.memory_space<hbm>>
    %dma_start3A_24 = tpu.memref_squeeze %dma_start3A_23 : memref<1x1x80xi32, #tpu.memory_space<hbm>> -> memref<80xi32, #tpu.memory_space<hbm>>
    %dma_start3A_25 = arith.constant 0 : i32
    %dma_start3A_26 = tpu.memref_slice %arg3[%add3A, %dma_start3A_21, %dma_start3A_25] : memref<32x128x80xi32, #tpu.memory_space<hbm>> -> memref<1x1x80xi32, #tpu.memory_space<hbm>>
    %dma_start3A_27 = tpu.memref_squeeze %dma_start3A_26 : memref<1x1x80xi32, #tpu.memory_space<hbm>> -> memref<80xi32, #tpu.memory_space<hbm>>
    tpu.enqueue_dma source(%dma_start3A_27 : memref<80xi32, #tpu.memory_space<hbm>>) target(%arg12 : memref<80xi32, #tpu.memory_space<vmem>>) target_semaphore(%arg25 : memref<!tpu.dma_semaphore, #tpu.memory_space<semaphore_mem>>)
    %dma_start3A_28 = arith.constant 2 : i32
    %dma_start3A_29 = arith.constant 0 : i32
    %dma_start3A_30 = tpu.memref_slice %arg2[%add3A, %dma_start3A_28, %dma_start3A_29] : memref<32x128x80xi32, #tpu.memory_space<hbm>> -> memref<1x1x80xi32, #tpu.memory_space<hbm>>
    %dma_start3A_31 = tpu.memref_squeeze %dma_start3A_30 : memref<1x1x80xi32, #tpu.memory_space<hbm>> -> memref<80xi32, #tpu.memory_space<hbm>>
    %dma_start3A_32 = arith.constant 0 : i32
    %dma_start3A_33 = tpu.memref_slice %arg2[%add3A, %dma_start3A_28, %dma_start3A_32] : memref<32x128x80xi32, #tpu.memory_space<hbm>> -> memref<1x1x80xi32, #tpu.memory_space<hbm>>
    %dma_start3A_34 = tpu.memref_squeeze %dma_start3A_33 : memref<1x1x80xi32, #tpu.memory_space<hbm>> -> memref<80xi32, #tpu.memory_space<hbm>>
    tpu.enqueue_dma source(%dma_start3A_34 : memref<80xi32, #tpu.memory_space<hbm>>) target(%arg9 : memref<80xi32, #tpu.memory_space<vmem>>) target_semaphore(%arg22 : memref<!tpu.dma_semaphore, #tpu.memory_space<semaphore_mem>>)
    %dma_start3A_35 = arith.constant 2 : i32
    %dma_start3A_36 = arith.constant 0 : i32
    %dma_start3A_37 = tpu.memref_slice %arg3[%add3A, %dma_start3A_35, %dma_start3A_36] : memref<32x128x80xi32, #tpu.memory_space<hbm>> -> memref<1x1x80xi32, #tpu.memory_space<hbm>>
    %dma_start3A_38 = tpu.memref_squeeze %dma_start3A_37 : memref<1x1x80xi32, #tpu.memory_space<hbm>> -> memref<80xi32, #tpu.memory_space<hbm>>
    %dma_start3A_39 = arith.constant 0 : i32
    %dma_start3A_40 = tpu.memref_slice %arg3[%add3A, %dma_start3A_35, %dma_start3A_39] : memref<32x128x80xi32, #tpu.memory_space<hbm>> -> memref<1x1x80xi32, #tpu.memory_space<hbm>>
    %dma_start3A_41 = tpu.memref_squeeze %dma_start3A_40 : memref<1x1x80xi32, #tpu.memory_space<hbm>> -> memref<80xi32, #tpu.memory_space<hbm>>
    tpu.enqueue_dma source(%dma_start3A_41 : memref<80xi32, #tpu.memory_space<hbm>>) target(%arg13 : memref<80xi32, #tpu.memory_space<vmem>>) target_semaphore(%arg26 : memref<!tpu.dma_semaphore, #tpu.memory_space<semaphore_mem>>)
    %dma_start3A_42 = arith.constant 3 : i32
    %dma_start3A_43 = arith.constant 0 : i32
    %dma_start3A_44 = tpu.memref_slice %arg2[%add3A, %dma_start3A_42, %dma_start3A_43] : memref<32x128x80xi32, #tpu.memory_space<hbm>> -> memref<1x1x80xi32, #tpu.memory_space<hbm>>
    %dma_start3A_45 = tpu.memref_squeeze %dma_start3A_44 : memref<1x1x80xi32, #tpu.memory_space<hbm>> -> memref<80xi32, #tpu.memory_space<hbm>>
    %dma_start3A_46 = arith.constant 0 : i32
    %dma_start3A_47 = tpu.memref_slice %arg2[%add3A, %dma_start3A_42, %dma_start3A_46] : memref<32x128x80xi32, #tpu.memory_space<hbm>> -> memref<1x1x80xi32, #tpu.memory_space<hbm>>
    %dma_start3A_48 = tpu.memref_squeeze %dma_start3A_47 : memref<1x1x80xi32, #tpu.memory_space<hbm>> -> memref<80xi32, #tpu.memory_space<hbm>>
    tpu.enqueue_dma source(%dma_start3A_48 : memref<80xi32, #tpu.memory_space<hbm>>) target(%arg10 : memref<80xi32, #tpu.memory_space<vmem>>) target_semaphore(%arg23 : memref<!tpu.dma_semaphore, #tpu.memory_space<semaphore_mem>>)
    %dma_start3A_49 = arith.constant 3 : i32
    %dma_start3A_50 = arith.constant 0 : i32
    %dma_start3A_51 = tpu.memref_slice %arg3[%add3A, %dma_start3A_49, %dma_start3A_50] : memref<32x128x80xi32, #tpu.memory_space<hbm>> -> memref<1x1x80xi32, #tpu.memory_space<hbm>>
    %dma_start3A_52 = tpu.memref_squeeze %dma_start3A_51 : memref<1x1x80xi32, #tpu.memory_space<hbm>> -> memref<80xi32, #tpu.memory_space<hbm>>
    %dma_start3A_53 = arith.constant 0 : i32
    %dma_start3A_54 = tpu.memref_slice %arg3[%add3A, %dma_start3A_49, %dma_start3A_53] : memref<32x128x80xi32, #tpu.memory_space<hbm>> -> memref<1x1x80xi32, #tpu.memory_space<hbm>>
    %dma_start3A_55 = tpu.memref_squeeze %dma_start3A_54 : memref<1x1x80xi32, #tpu.memory_space<hbm>> -> memref<80xi32, #tpu.memory_space<hbm>>
    tpu.enqueue_dma source(%dma_start3A_55 : memref<80xi32, #tpu.memory_space<hbm>>) target(%arg14 : memref<80xi32, #tpu.memory_space<vmem>>) target_semaphore(%arg27 : memref<!tpu.dma_semaphore, #tpu.memory_space<semaphore_mem>>)
    %dma_wait3A = arith.constant 0 : i32
    %dma_wait3A_56 = arith.constant 0 : i32
    %dma_wait3A_57 = tpu.memref_slice %arg2[%add3A, %dma_wait3A, %dma_wait3A_56] : memref<32x128x80xi32, #tpu.memory_space<hbm>> -> memref<1x1x80xi32, #tpu.memory_space<hbm>>
    %dma_wait3A_58 = tpu.memref_squeeze %dma_wait3A_57 : memref<1x1x80xi32, #tpu.memory_space<hbm>> -> memref<80xi32, #tpu.memory_space<hbm>>
    %dma_wait3A_59 = arith.constant 0 : i32
    %dma_wait3A_60 = tpu.memref_slice %arg2[%add3A, %dma_wait3A, %dma_wait3A_59] : memref<32x128x80xi32, #tpu.memory_space<hbm>> -> memref<1x1x80xi32, #tpu.memory_space<hbm>>
    %dma_wait3A_61 = tpu.memref_squeeze %dma_wait3A_60 : memref<1x1x80xi32, #tpu.memory_space<hbm>> -> memref<80xi32, #tpu.memory_space<hbm>>
    tpu.wait_dma2 semaphore(%arg20 : memref<!tpu.dma_semaphore, #tpu.memory_space<semaphore_mem>>) src(%dma_wait3A_61 : memref<80xi32, #tpu.memory_space<hbm>>) dst(%arg7 : memref<80xi32, #tpu.memory_space<vmem>>)
    %dma_start3A_62 = arith.constant 0 : i32
    %dma_start3A_63 = arith.constant 0 : i32
    %dma_start3A_64 = tpu.memref_slice %arg5[%dma_start3A_62, %dma_start3A_63] : memref<10000x128xf32, #tpu.memory_space<hbm>> -> memref<10000x128xf32, #tpu.memory_space<hbm>>
    tpu.enqueue_indirect_dma source(%dma_start3A_64 : memref<10000x128xf32, #tpu.memory_space<hbm>>) target(%arg15 : memref<80x128xf32, #tpu.memory_space<vmem>>) offsets(%arg7 : memref<80xi32, #tpu.memory_space<vmem>>) semaphore(%arg28 : memref<!tpu.dma_semaphore, #tpu.memory_space<semaphore_mem>>)
    %dma_wait3A_65 = arith.constant 1 : i32
    %dma_wait3A_66 = arith.constant 0 : i32
    %dma_wait3A_67 = tpu.memref_slice %arg2[%add3A, %dma_wait3A_65, %dma_wait3A_66] : memref<32x128x80xi32, #tpu.memory_space<hbm>> -> memref<1x1x80xi32, #tpu.memory_space<hbm>>
    %dma_wait3A_68 = tpu.memref_squeeze %dma_wait3A_67 : memref<1x1x80xi32, #tpu.memory_space<hbm>> -> memref<80xi32, #tpu.memory_space<hbm>>
    %dma_wait3A_69 = arith.constant 0 : i32
    %dma_wait3A_70 = tpu.memref_slice %arg2[%add3A, %dma_wait3A_65, %dma_wait3A_69] : memref<32x128x80xi32, #tpu.memory_space<hbm>> -> memref<1x1x80xi32, #tpu.memory_space<hbm>>
    %dma_wait3A_71 = tpu.memref_squeeze %dma_wait3A_70 : memref<1x1x80xi32, #tpu.memory_space<hbm>> -> memref<80xi32, #tpu.memory_space<hbm>>
    tpu.wait_dma2 semaphore(%arg21 : memref<!tpu.dma_semaphore, #tpu.memory_space<semaphore_mem>>) src(%dma_wait3A_71 : memref<80xi32, #tpu.memory_space<hbm>>) dst(%arg8 : memref<80xi32, #tpu.memory_space<vmem>>)
    %dma_start3A_72 = arith.constant 0 : i32
    %dma_start3A_73 = arith.constant 0 : i32
    %dma_start3A_74 = tpu.memref_slice %arg5[%dma_start3A_72, %dma_start3A_73] : memref<10000x128xf32, #tpu.memory_space<hbm>> -> memref<10000x128xf32, #tpu.memory_space<hbm>>
    tpu.enqueue_indirect_dma source(%dma_start3A_74 : memref<10000x128xf32, #tpu.memory_space<hbm>>) target(%arg16 : memref<80x128xf32, #tpu.memory_space<vmem>>) offsets(%arg8 : memref<80xi32, #tpu.memory_space<vmem>>) semaphore(%arg29 : memref<!tpu.dma_semaphore, #tpu.memory_space<semaphore_mem>>)
    %dma_wait3A_75 = arith.constant 2 : i32
    %dma_wait3A_76 = arith.constant 0 : i32
    %dma_wait3A_77 = tpu.memref_slice %arg2[%add3A, %dma_wait3A_75, %dma_wait3A_76] : memref<32x128x80xi32, #tpu.memory_space<hbm>> -> memref<1x1x80xi32, #tpu.memory_space<hbm>>
    %dma_wait3A_78 = tpu.memref_squeeze %dma_wait3A_77 : memref<1x1x80xi32, #tpu.memory_space<hbm>> -> memref<80xi32, #tpu.memory_space<hbm>>
    %dma_wait3A_79 = arith.constant 0 : i32
    %dma_wait3A_80 = tpu.memref_slice %arg2[%add3A, %dma_wait3A_75, %dma_wait3A_79] : memref<32x128x80xi32, #tpu.memory_space<hbm>> -> memref<1x1x80xi32, #tpu.memory_space<hbm>>
    %dma_wait3A_81 = tpu.memref_squeeze %dma_wait3A_80 : memref<1x1x80xi32, #tpu.memory_space<hbm>> -> memref<80xi32, #tpu.memory_space<hbm>>
    tpu.wait_dma2 semaphore(%arg22 : memref<!tpu.dma_semaphore, #tpu.memory_space<semaphore_mem>>) src(%dma_wait3A_81 : memref<80xi32, #tpu.memory_space<hbm>>) dst(%arg9 : memref<80xi32, #tpu.memory_space<vmem>>)
    %dma_start3A_82 = arith.constant 0 : i32
    %dma_start3A_83 = arith.constant 0 : i32
    %dma_start3A_84 = tpu.memref_slice %arg5[%dma_start3A_82, %dma_start3A_83] : memref<10000x128xf32, #tpu.memory_space<hbm>> -> memref<10000x128xf32, #tpu.memory_space<hbm>>
    tpu.enqueue_indirect_dma source(%dma_start3A_84 : memref<10000x128xf32, #tpu.memory_space<hbm>>) target(%arg17 : memref<80x128xf32, #tpu.memory_space<vmem>>) offsets(%arg9 : memref<80xi32, #tpu.memory_space<vmem>>) semaphore(%arg30 : memref<!tpu.dma_semaphore, #tpu.memory_space<semaphore_mem>>)
    %dma_wait3A_85 = arith.constant 3 : i32
    %dma_wait3A_86 = arith.constant 0 : i32
    %dma_wait3A_87 = tpu.memref_slice %arg2[%add3A, %dma_wait3A_85, %dma_wait3A_86] : memref<32x128x80xi32, #tpu.memory_space<hbm>> -> memref<1x1x80xi32, #tpu.memory_space<hbm>>
    %dma_wait3A_88 = tpu.memref_squeeze %dma_wait3A_87 : memref<1x1x80xi32, #tpu.memory_space<hbm>> -> memref<80xi32, #tpu.memory_space<hbm>>
    %dma_wait3A_89 = arith.constant 0 : i32
    %dma_wait3A_90 = tpu.memref_slice %arg2[%add3A, %dma_wait3A_85, %dma_wait3A_89] : memref<32x128x80xi32, #tpu.memory_space<hbm>> -> memref<1x1x80xi32, #tpu.memory_space<hbm>>
    %dma_wait3A_91 = tpu.memref_squeeze %dma_wait3A_90 : memref<1x1x80xi32, #tpu.memory_space<hbm>> -> memref<80xi32, #tpu.memory_space<hbm>>
    tpu.wait_dma2 semaphore(%arg23 : memref<!tpu.dma_semaphore, #tpu.memory_space<semaphore_mem>>) src(%dma_wait3A_91 : memref<80xi32, #tpu.memory_space<hbm>>) dst(%arg10 : memref<80xi32, #tpu.memory_space<vmem>>)
    %dma_start3A_92 = arith.constant 0 : i32
    %dma_start3A_93 = arith.constant 0 : i32
    %dma_start3A_94 = tpu.memref_slice %arg5[%dma_start3A_92, %dma_start3A_93] : memref<10000x128xf32, #tpu.memory_space<hbm>> -> memref<10000x128xf32, #tpu.memory_space<hbm>>
    tpu.enqueue_indirect_dma source(%dma_start3A_94 : memref<10000x128xf32, #tpu.memory_space<hbm>>) target(%arg18 : memref<80x128xf32, #tpu.memory_space<vmem>>) offsets(%arg10 : memref<80xi32, #tpu.memory_space<vmem>>) semaphore(%arg31 : memref<!tpu.dma_semaphore, #tpu.memory_space<semaphore_mem>>)
    %mul3A_95 = arith.constant 640 : i32
    %mul3A_96 = arith.muli %arg1, %mul3A_95 : i32
    "tpu.region"() ({
      %run_scoped3A = tpu.sem_alloc : memref<!tpu.dma_semaphore, #tpu.memory_space<semaphore_mem>>
      %dma_start3A_122 = arith.constant 0 : i32
      %dma_start3A_123 = tpu.memref_slice %arg19[%mul3A_96, %dma_start3A_122] : memref<10240x128xf32, #tpu.memory_space<vmem_shared>> -> memref<640x128xf32, #tpu.memory_space<vmem_shared>>
      tpu.enqueue_dma source(%arg4 : memref<640x128xf32, #tpu.memory_space<hbm>>) target(%dma_start3A_123 : memref<640x128xf32, #tpu.memory_space<vmem_shared>>) target_semaphore(%run_scoped3A : memref<!tpu.dma_semaphore, #tpu.memory_space<semaphore_mem>>)
      %dma_wait3A_124 = arith.constant 0 : i32
      %dma_wait3A_125 = tpu.memref_slice %arg19[%mul3A_96, %dma_wait3A_124] : memref<10240x128xf32, #tpu.memory_space<vmem_shared>> -> memref<640x128xf32, #tpu.memory_space<vmem_shared>>
      tpu.wait_dma2 semaphore(%run_scoped3A : memref<!tpu.dma_semaphore, #tpu.memory_space<semaphore_mem>>) src(%arg4 : memref<640x128xf32, #tpu.memory_space<hbm>>) dst(%dma_wait3A_125 : memref<640x128xf32, #tpu.memory_space<vmem_shared>>)
      tpu.yield
    }) : () -> ()
    %barrier3A = arith.constant 0 : index
    tpu.barrier barrier_id(%barrier3A)
    %scan3A = arith.constant 0 : i32
    %scan3A_97 = arith.constant 0 : i32
    %scan3A_98 = arith.constant 32 : i32
    %scan3A_99 = arith.addi %scan3A_97, %scan3A_98 : i32
    %scan3A_100 = arith.constant 1 : i32
    scf.for %scan3A_122 = %scan3A_97 to %scan3A_99 step %scan3A_100  : i32 {
      %mul3A_123 = arith.constant 4 : i32
      %mul3A_124 = arith.muli %scan3A_122, %mul3A_123 : i32
      %add3A_125 = arith.constant 0 : i32
      %add3A_126 = arith.addi %mul3A_124, %add3A_125 : i32
      %dma_wait3A_127 = arith.constant 0 : i32
      %dma_wait3A_128 = arith.constant 0 : i32
      %dma_wait3A_129 = tpu.memref_slice %arg5[%dma_wait3A_127, %dma_wait3A_128] : memref<10000x128xf32, #tpu.memory_space<hbm>> -> memref<10000x128xf32, #tpu.memory_space<hbm>>
      tpu.wait_indirect_dma semaphore(%arg28 : memref<!tpu.dma_semaphore, #tpu.memory_space<semaphore_mem>>) src(%dma_wait3A_129 : memref<10000x128xf32, #tpu.memory_space<hbm>>) dst(%arg15 : memref<80x128xf32, #tpu.memory_space<vmem>>)
      %dma_wait3A_130 = arith.constant 0 : i32
      %dma_wait3A_131 = tpu.memref_slice %arg3[%add3A, %add3A_126, %dma_wait3A_130] : memref<32x128x80xi32, #tpu.memory_space<hbm>> -> memref<1x1x80xi32, #tpu.memory_space<hbm>>
      %dma_wait3A_132 = tpu.memref_squeeze %dma_wait3A_131 : memref<1x1x80xi32, #tpu.memory_space<hbm>> -> memref<80xi32, #tpu.memory_space<hbm>>
      %dma_wait3A_133 = arith.constant 0 : i32
      %dma_wait3A_134 = tpu.memref_slice %arg3[%add3A, %add3A_126, %dma_wait3A_133] : memref<32x128x80xi32, #tpu.memory_space<hbm>> -> memref<1x1x80xi32, #tpu.memory_space<hbm>>
      %dma_wait3A_135 = tpu.memref_squeeze %dma_wait3A_134 : memref<1x1x80xi32, #tpu.memory_space<hbm>> -> memref<80xi32, #tpu.memory_space<hbm>>
      tpu.wait_dma2 semaphore(%arg24 : memref<!tpu.dma_semaphore, #tpu.memory_space<semaphore_mem>>) src(%dma_wait3A_135 : memref<80xi32, #tpu.memory_space<hbm>>) dst(%arg11 : memref<80xi32, #tpu.memory_space<vmem>>)
      %dma_start3A_136 = arith.constant 0 : i32
      %dma_start3A_137 = arith.constant 0 : i32
      %dma_start3A_138 = tpu.memref_slice %arg19[%dma_start3A_136, %dma_start3A_137] : memref<10240x128xf32, #tpu.memory_space<vmem_shared>> -> memref<10240x128xf32, #tpu.memory_space<vmem_shared>>
      tpu.enqueue_indirect_dma source(%arg15 : memref<80x128xf32, #tpu.memory_space<vmem>>) target(%dma_start3A_138 : memref<10240x128xf32, #tpu.memory_space<vmem_shared>>) offsets(%arg11 : memref<80xi32, #tpu.memory_space<vmem>>) semaphore(%arg32 : memref<!tpu.dma_semaphore, #tpu.memory_space<semaphore_mem>>) {add = true}
      %mul3A_139 = arith.constant 4 : i32
      %mul3A_140 = arith.muli %scan3A_122, %mul3A_139 : i32
      %add3A_141 = arith.constant 1 : i32
      %add3A_142 = arith.addi %mul3A_140, %add3A_141 : i32
      %dma_wait3A_143 = arith.constant 0 : i32
      %dma_wait3A_144 = arith.constant 0 : i32
      %dma_wait3A_145 = tpu.memref_slice %arg5[%dma_wait3A_143, %dma_wait3A_144] : memref<10000x128xf32, #tpu.memory_space<hbm>> -> memref<10000x128xf32, #tpu.memory_space<hbm>>
      tpu.wait_indirect_dma semaphore(%arg29 : memref<!tpu.dma_semaphore, #tpu.memory_space<semaphore_mem>>) src(%dma_wait3A_145 : memref<10000x128xf32, #tpu.memory_space<hbm>>) dst(%arg16 : memref<80x128xf32, #tpu.memory_space<vmem>>)
      %dma_wait3A_146 = arith.constant 0 : i32
      %dma_wait3A_147 = tpu.memref_slice %arg3[%add3A, %add3A_142, %dma_wait3A_146] : memref<32x128x80xi32, #tpu.memory_space<hbm>> -> memref<1x1x80xi32, #tpu.memory_space<hbm>>
      %dma_wait3A_148 = tpu.memref_squeeze %dma_wait3A_147 : memref<1x1x80xi32, #tpu.memory_space<hbm>> -> memref<80xi32, #tpu.memory_space<hbm>>
      %dma_wait3A_149 = arith.constant 0 : i32
      %dma_wait3A_150 = tpu.memref_slice %arg3[%add3A, %add3A_142, %dma_wait3A_149] : memref<32x128x80xi32, #tpu.memory_space<hbm>> -> memref<1x1x80xi32, #tpu.memory_space<hbm>>
      %dma_wait3A_151 = tpu.memref_squeeze %dma_wait3A_150 : memref<1x1x80xi32, #tpu.memory_space<hbm>> -> memref<80xi32, #tpu.memory_space<hbm>>
      tpu.wait_dma2 semaphore(%arg25 : memref<!tpu.dma_semaphore, #tpu.memory_space<semaphore_mem>>) src(%dma_wait3A_151 : memref<80xi32, #tpu.memory_space<hbm>>) dst(%arg12 : memref<80xi32, #tpu.memory_space<vmem>>)
      %dma_start3A_152 = arith.constant 0 : i32
      %dma_start3A_153 = arith.constant 0 : i32
      %dma_start3A_154 = tpu.memref_slice %arg19[%dma_start3A_152, %dma_start3A_153] : memref<10240x128xf32, #tpu.memory_space<vmem_shared>> -> memref<10240x128xf32, #tpu.memory_space<vmem_shared>>
      tpu.enqueue_indirect_dma source(%arg16 : memref<80x128xf32, #tpu.memory_space<vmem>>) target(%dma_start3A_154 : memref<10240x128xf32, #tpu.memory_space<vmem_shared>>) offsets(%arg12 : memref<80xi32, #tpu.memory_space<vmem>>) semaphore(%arg33 : memref<!tpu.dma_semaphore, #tpu.memory_space<semaphore_mem>>) {add = true}
      %mul3A_155 = arith.constant 4 : i32
      %mul3A_156 = arith.muli %scan3A_122, %mul3A_155 : i32
      %add3A_157 = arith.constant 2 : i32
      %add3A_158 = arith.addi %mul3A_156, %add3A_157 : i32
      %dma_wait3A_159 = arith.constant 0 : i32
      %dma_wait3A_160 = arith.constant 0 : i32
      %dma_wait3A_161 = tpu.memref_slice %arg5[%dma_wait3A_159, %dma_wait3A_160] : memref<10000x128xf32, #tpu.memory_space<hbm>> -> memref<10000x128xf32, #tpu.memory_space<hbm>>
      tpu.wait_indirect_dma semaphore(%arg30 : memref<!tpu.dma_semaphore, #tpu.memory_space<semaphore_mem>>) src(%dma_wait3A_161 : memref<10000x128xf32, #tpu.memory_space<hbm>>) dst(%arg17 : memref<80x128xf32, #tpu.memory_space<vmem>>)
      %dma_wait3A_162 = arith.constant 0 : i32
      %dma_wait3A_163 = tpu.memref_slice %arg3[%add3A, %add3A_158, %dma_wait3A_162] : memref<32x128x80xi32, #tpu.memory_space<hbm>> -> memref<1x1x80xi32, #tpu.memory_space<hbm>>
      %dma_wait3A_164 = tpu.memref_squeeze %dma_wait3A_163 : memref<1x1x80xi32, #tpu.memory_space<hbm>> -> memref<80xi32, #tpu.memory_space<hbm>>
      %dma_wait3A_165 = arith.constant 0 : i32
      %dma_wait3A_166 = tpu.memref_slice %arg3[%add3A, %add3A_158, %dma_wait3A_165] : memref<32x128x80xi32, #tpu.memory_space<hbm>> -> memref<1x1x80xi32, #tpu.memory_space<hbm>>
      %dma_wait3A_167 = tpu.memref_squeeze %dma_wait3A_166 : memref<1x1x80xi32, #tpu.memory_space<hbm>> -> memref<80xi32, #tpu.memory_space<hbm>>
      tpu.wait_dma2 semaphore(%arg26 : memref<!tpu.dma_semaphore, #tpu.memory_space<semaphore_mem>>) src(%dma_wait3A_167 : memref<80xi32, #tpu.memory_space<hbm>>) dst(%arg13 : memref<80xi32, #tpu.memory_space<vmem>>)
      %dma_start3A_168 = arith.constant 0 : i32
      %dma_start3A_169 = arith.constant 0 : i32
      %dma_start3A_170 = tpu.memref_slice %arg19[%dma_start3A_168, %dma_start3A_169] : memref<10240x128xf32, #tpu.memory_space<vmem_shared>> -> memref<10240x128xf32, #tpu.memory_space<vmem_shared>>
      tpu.enqueue_indirect_dma source(%arg17 : memref<80x128xf32, #tpu.memory_space<vmem>>) target(%dma_start3A_170 : memref<10240x128xf32, #tpu.memory_space<vmem_shared>>) offsets(%arg13 : memref<80xi32, #tpu.memory_space<vmem>>) semaphore(%arg34 : memref<!tpu.dma_semaphore, #tpu.memory_space<semaphore_mem>>) {add = true}
      %mul3A_171 = arith.constant 4 : i32
      %mul3A_172 = arith.muli %scan3A_122, %mul3A_171 : i32
      %add3A_173 = arith.constant 3 : i32
      %add3A_174 = arith.addi %mul3A_172, %add3A_173 : i32
      %dma_wait3A_175 = arith.constant 0 : i32
      %dma_wait3A_176 = arith.constant 0 : i32
      %dma_wait3A_177 = tpu.memref_slice %arg5[%dma_wait3A_175, %dma_wait3A_176] : memref<10000x128xf32, #tpu.memory_space<hbm>> -> memref<10000x128xf32, #tpu.memory_space<hbm>>
      tpu.wait_indirect_dma semaphore(%arg31 : memref<!tpu.dma_semaphore, #tpu.memory_space<semaphore_mem>>) src(%dma_wait3A_177 : memref<10000x128xf32, #tpu.memory_space<hbm>>) dst(%arg18 : memref<80x128xf32, #tpu.memory_space<vmem>>)
      %dma_wait3A_178 = arith.constant 0 : i32
      %dma_wait3A_179 = tpu.memref_slice %arg3[%add3A, %add3A_174, %dma_wait3A_178] : memref<32x128x80xi32, #tpu.memory_space<hbm>> -> memref<1x1x80xi32, #tpu.memory_space<hbm>>
      %dma_wait3A_180 = tpu.memref_squeeze %dma_wait3A_179 : memref<1x1x80xi32, #tpu.memory_space<hbm>> -> memref<80xi32, #tpu.memory_space<hbm>>
      %dma_wait3A_181 = arith.constant 0 : i32
      %dma_wait3A_182 = tpu.memref_slice %arg3[%add3A, %add3A_174, %dma_wait3A_181] : memref<32x128x80xi32, #tpu.memory_space<hbm>> -> memref<1x1x80xi32, #tpu.memory_space<hbm>>
      %dma_wait3A_183 = tpu.memref_squeeze %dma_wait3A_182 : memref<1x1x80xi32, #tpu.memory_space<hbm>> -> memref<80xi32, #tpu.memory_space<hbm>>
      tpu.wait_dma2 semaphore(%arg27 : memref<!tpu.dma_semaphore, #tpu.memory_space<semaphore_mem>>) src(%dma_wait3A_183 : memref<80xi32, #tpu.memory_space<hbm>>) dst(%arg14 : memref<80xi32, #tpu.memory_space<vmem>>)
      %dma_start3A_184 = arith.constant 0 : i32
      %dma_start3A_185 = arith.constant 0 : i32
      %dma_start3A_186 = tpu.memref_slice %arg19[%dma_start3A_184, %dma_start3A_185] : memref<10240x128xf32, #tpu.memory_space<vmem_shared>> -> memref<10240x128xf32, #tpu.memory_space<vmem_shared>>
      tpu.enqueue_indirect_dma source(%arg18 : memref<80x128xf32, #tpu.memory_space<vmem>>) target(%dma_start3A_186 : memref<10240x128xf32, #tpu.memory_space<vmem_shared>>) offsets(%arg14 : memref<80xi32, #tpu.memory_space<vmem>>) semaphore(%arg35 : memref<!tpu.dma_semaphore, #tpu.memory_space<semaphore_mem>>) {add = true}
      %lt3A = arith.constant 31 : i32
      %lt3A_187 = arith.cmpi slt, %scan3A_122, %lt3A : i32
      %convert_element_type3A = arith.extui %lt3A_187 : i1 to i32
      %cond3A = arith.constant 0 : i32
      %cond3A_188 = arith.cmpi ne, %convert_element_type3A, %cond3A : i32
      scf.if %cond3A_188 {
        %mul3A_189 = arith.constant 4 : i32
        %mul3A_190 = arith.muli %scan3A_122, %mul3A_189 : i32
        %add3A_191 = arith.constant 0 : i32
        %add3A_192 = arith.addi %mul3A_190, %add3A_191 : i32
        %add3A_193 = arith.constant 4 : i32
        %add3A_194 = arith.addi %add3A_192, %add3A_193 : i32
        %dma_start3A_195 = arith.constant 0 : i32
        %dma_start3A_196 = tpu.memref_slice %arg2[%add3A, %add3A_194, %dma_start3A_195] : memref<32x128x80xi32, #tpu.memory_space<hbm>> -> memref<1x1x80xi32, #tpu.memory_space<hbm>>
        %dma_start3A_197 = tpu.memref_squeeze %dma_start3A_196 : memref<1x1x80xi32, #tpu.memory_space<hbm>> -> memref<80xi32, #tpu.memory_space<hbm>>
        %dma_start3A_198 = arith.constant 0 : i32
        %dma_start3A_199 = tpu.memref_slice %arg2[%add3A, %add3A_194, %dma_start3A_198] : memref<32x128x80xi32, #tpu.memory_space<hbm>> -> memref<1x1x80xi32, #tpu.memory_space<hbm>>
        %dma_start3A_200 = tpu.memref_squeeze %dma_start3A_199 : memref<1x1x80xi32, #tpu.memory_space<hbm>> -> memref<80xi32, #tpu.memory_space<hbm>>
        tpu.enqueue_dma source(%dma_start3A_200 : memref<80xi32, #tpu.memory_space<hbm>>) target(%arg7 : memref<80xi32, #tpu.memory_space<vmem>>) target_semaphore(%arg20 : memref<!tpu.dma_semaphore, #tpu.memory_space<semaphore_mem>>)
        %dma_wait3A_201 = arith.constant 0 : i32
        %dma_wait3A_202 = arith.constant 0 : i32
        %dma_wait3A_203 = tpu.memref_slice %arg19[%dma_wait3A_201, %dma_wait3A_202] : memref<10240x128xf32, #tpu.memory_space<vmem_shared>> -> memref<10240x128xf32, #tpu.memory_space<vmem_shared>>
        tpu.wait_indirect_dma semaphore(%arg32 : memref<!tpu.dma_semaphore, #tpu.memory_space<semaphore_mem>>) src(%arg15 : memref<80x128xf32, #tpu.memory_space<vmem>>) dst(%dma_wait3A_203 : memref<10240x128xf32, #tpu.memory_space<vmem_shared>>)
        %dma_start3A_204 = arith.constant 0 : i32
        %dma_start3A_205 = tpu.memref_slice %arg3[%add3A, %add3A_194, %dma_start3A_204] : memref<32x128x80xi32, #tpu.memory_space<hbm>> -> memref<1x1x80xi32, #tpu.memory_space<hbm>>
        %dma_start3A_206 = tpu.memref_squeeze %dma_start3A_205 : memref<1x1x80xi32, #tpu.memory_space<hbm>> -> memref<80xi32, #tpu.memory_space<hbm>>
        %dma_start3A_207 = arith.constant 0 : i32
        %dma_start3A_208 = tpu.memref_slice %arg3[%add3A, %add3A_194, %dma_start3A_207] : memref<32x128x80xi32, #tpu.memory_space<hbm>> -> memref<1x1x80xi32, #tpu.memory_space<hbm>>
        %dma_start3A_209 = tpu.memref_squeeze %dma_start3A_208 : memref<1x1x80xi32, #tpu.memory_space<hbm>> -> memref<80xi32, #tpu.memory_space<hbm>>
        tpu.enqueue_dma source(%dma_start3A_209 : memref<80xi32, #tpu.memory_space<hbm>>) target(%arg11 : memref<80xi32, #tpu.memory_space<vmem>>) target_semaphore(%arg24 : memref<!tpu.dma_semaphore, #tpu.memory_space<semaphore_mem>>)
        %dma_wait3A_210 = arith.constant 0 : i32
        %dma_wait3A_211 = tpu.memref_slice %arg2[%add3A, %add3A_194, %dma_wait3A_210] : memref<32x128x80xi32, #tpu.memory_space<hbm>> -> memref<1x1x80xi32, #tpu.memory_space<hbm>>
        %dma_wait3A_212 = tpu.memref_squeeze %dma_wait3A_211 : memref<1x1x80xi32, #tpu.memory_space<hbm>> -> memref<80xi32, #tpu.memory_space<hbm>>
        %dma_wait3A_213 = arith.constant 0 : i32
        %dma_wait3A_214 = tpu.memref_slice %arg2[%add3A, %add3A_194, %dma_wait3A_213] : memref<32x128x80xi32, #tpu.memory_space<hbm>> -> memref<1x1x80xi32, #tpu.memory_space<hbm>>
        %dma_wait3A_215 = tpu.memref_squeeze %dma_wait3A_214 : memref<1x1x80xi32, #tpu.memory_space<hbm>> -> memref<80xi32, #tpu.memory_space<hbm>>
        tpu.wait_dma2 semaphore(%arg20 : memref<!tpu.dma_semaphore, #tpu.memory_space<semaphore_mem>>) src(%dma_wait3A_215 : memref<80xi32, #tpu.memory_space<hbm>>) dst(%arg7 : memref<80xi32, #tpu.memory_space<vmem>>)
        %dma_start3A_216 = arith.constant 0 : i32
        %dma_start3A_217 = arith.constant 0 : i32
        %dma_start3A_218 = tpu.memref_slice %arg5[%dma_start3A_216, %dma_start3A_217] : memref<10000x128xf32, #tpu.memory_space<hbm>> -> memref<10000x128xf32, #tpu.memory_space<hbm>>
        tpu.enqueue_indirect_dma source(%dma_start3A_218 : memref<10000x128xf32, #tpu.memory_space<hbm>>) target(%arg15 : memref<80x128xf32, #tpu.memory_space<vmem>>) offsets(%arg7 : memref<80xi32, #tpu.memory_space<vmem>>) semaphore(%arg28 : memref<!tpu.dma_semaphore, #tpu.memory_space<semaphore_mem>>)
        %mul3A_219 = arith.constant 4 : i32
        %mul3A_220 = arith.muli %scan3A_122, %mul3A_219 : i32
        %add3A_221 = arith.constant 1 : i32
        %add3A_222 = arith.addi %mul3A_220, %add3A_221 : i32
        %add3A_223 = arith.constant 4 : i32
        %add3A_224 = arith.addi %add3A_222, %add3A_223 : i32
        %dma_start3A_225 = arith.constant 0 : i32
        %dma_start3A_226 = tpu.memref_slice %arg2[%add3A, %add3A_224, %dma_start3A_225] : memref<32x128x80xi32, #tpu.memory_space<hbm>> -> memref<1x1x80xi32, #tpu.memory_space<hbm>>
        %dma_start3A_227 = tpu.memref_squeeze %dma_start3A_226 : memref<1x1x80xi32, #tpu.memory_space<hbm>> -> memref<80xi32, #tpu.memory_space<hbm>>
        %dma_start3A_228 = arith.constant 0 : i32
        %dma_start3A_229 = tpu.memref_slice %arg2[%add3A, %add3A_224, %dma_start3A_228] : memref<32x128x80xi32, #tpu.memory_space<hbm>> -> memref<1x1x80xi32, #tpu.memory_space<hbm>>
        %dma_start3A_230 = tpu.memref_squeeze %dma_start3A_229 : memref<1x1x80xi32, #tpu.memory_space<hbm>> -> memref<80xi32, #tpu.memory_space<hbm>>
        tpu.enqueue_dma source(%dma_start3A_230 : memref<80xi32, #tpu.memory_space<hbm>>) target(%arg8 : memref<80xi32, #tpu.memory_space<vmem>>) target_semaphore(%arg21 : memref<!tpu.dma_semaphore, #tpu.memory_space<semaphore_mem>>)
        %dma_wait3A_231 = arith.constant 0 : i32
        %dma_wait3A_232 = arith.constant 0 : i32
        %dma_wait3A_233 = tpu.memref_slice %arg19[%dma_wait3A_231, %dma_wait3A_232] : memref<10240x128xf32, #tpu.memory_space<vmem_shared>> -> memref<10240x128xf32, #tpu.memory_space<vmem_shared>>
        tpu.wait_indirect_dma semaphore(%arg33 : memref<!tpu.dma_semaphore, #tpu.memory_space<semaphore_mem>>) src(%arg16 : memref<80x128xf32, #tpu.memory_space<vmem>>) dst(%dma_wait3A_233 : memref<10240x128xf32, #tpu.memory_space<vmem_shared>>)
        %dma_start3A_234 = arith.constant 0 : i32
        %dma_start3A_235 = tpu.memref_slice %arg3[%add3A, %add3A_224, %dma_start3A_234] : memref<32x128x80xi32, #tpu.memory_space<hbm>> -> memref<1x1x80xi32, #tpu.memory_space<hbm>>
        %dma_start3A_236 = tpu.memref_squeeze %dma_start3A_235 : memref<1x1x80xi32, #tpu.memory_space<hbm>> -> memref<80xi32, #tpu.memory_space<hbm>>
        %dma_start3A_237 = arith.constant 0 : i32
        %dma_start3A_238 = tpu.memref_slice %arg3[%add3A, %add3A_224, %dma_start3A_237] : memref<32x128x80xi32, #tpu.memory_space<hbm>> -> memref<1x1x80xi32, #tpu.memory_space<hbm>>
        %dma_start3A_239 = tpu.memref_squeeze %dma_start3A_238 : memref<1x1x80xi32, #tpu.memory_space<hbm>> -> memref<80xi32, #tpu.memory_space<hbm>>
        tpu.enqueue_dma source(%dma_start3A_239 : memref<80xi32, #tpu.memory_space<hbm>>) target(%arg12 : memref<80xi32, #tpu.memory_space<vmem>>) target_semaphore(%arg25 : memref<!tpu.dma_semaphore, #tpu.memory_space<semaphore_mem>>)
        %dma_wait3A_240 = arith.constant 0 : i32
        %dma_wait3A_241 = tpu.memref_slice %arg2[%add3A, %add3A_224, %dma_wait3A_240] : memref<32x128x80xi32, #tpu.memory_space<hbm>> -> memref<1x1x80xi32, #tpu.memory_space<hbm>>
        %dma_wait3A_242 = tpu.memref_squeeze %dma_wait3A_241 : memref<1x1x80xi32, #tpu.memory_space<hbm>> -> memref<80xi32, #tpu.memory_space<hbm>>
        %dma_wait3A_243 = arith.constant 0 : i32
        %dma_wait3A_244 = tpu.memref_slice %arg2[%add3A, %add3A_224, %dma_wait3A_243] : memref<32x128x80xi32, #tpu.memory_space<hbm>> -> memref<1x1x80xi32, #tpu.memory_space<hbm>>
        %dma_wait3A_245 = tpu.memref_squeeze %dma_wait3A_244 : memref<1x1x80xi32, #tpu.memory_space<hbm>> -> memref<80xi32, #tpu.memory_space<hbm>>
        tpu.wait_dma2 semaphore(%arg21 : memref<!tpu.dma_semaphore, #tpu.memory_space<semaphore_mem>>) src(%dma_wait3A_245 : memref<80xi32, #tpu.memory_space<hbm>>) dst(%arg8 : memref<80xi32, #tpu.memory_space<vmem>>)
        %dma_start3A_246 = arith.constant 0 : i32
        %dma_start3A_247 = arith.constant 0 : i32
        %dma_start3A_248 = tpu.memref_slice %arg5[%dma_start3A_246, %dma_start3A_247] : memref<10000x128xf32, #tpu.memory_space<hbm>> -> memref<10000x128xf32, #tpu.memory_space<hbm>>
        tpu.enqueue_indirect_dma source(%dma_start3A_248 : memref<10000x128xf32, #tpu.memory_space<hbm>>) target(%arg16 : memref<80x128xf32, #tpu.memory_space<vmem>>) offsets(%arg8 : memref<80xi32, #tpu.memory_space<vmem>>) semaphore(%arg29 : memref<!tpu.dma_semaphore, #tpu.memory_space<semaphore_mem>>)
        %mul3A_249 = arith.constant 4 : i32
        %mul3A_250 = arith.muli %scan3A_122, %mul3A_249 : i32
        %add3A_251 = arith.constant 2 : i32
        %add3A_252 = arith.addi %mul3A_250, %add3A_251 : i32
        %add3A_253 = arith.constant 4 : i32
        %add3A_254 = arith.addi %add3A_252, %add3A_253 : i32
        %dma_start3A_255 = arith.constant 0 : i32
        %dma_start3A_256 = tpu.memref_slice %arg2[%add3A, %add3A_254, %dma_start3A_255] : memref<32x128x80xi32, #tpu.memory_space<hbm>> -> memref<1x1x80xi32, #tpu.memory_space<hbm>>
        %dma_start3A_257 = tpu.memref_squeeze %dma_start3A_256 : memref<1x1x80xi32, #tpu.memory_space<hbm>> -> memref<80xi32, #tpu.memory_space<hbm>>
        %dma_start3A_258 = arith.constant 0 : i32
        %dma_start3A_259 = tpu.memref_slice %arg2[%add3A, %add3A_254, %dma_start3A_258] : memref<32x128x80xi32, #tpu.memory_space<hbm>> -> memref<1x1x80xi32, #tpu.memory_space<hbm>>
        %dma_start3A_260 = tpu.memref_squeeze %dma_start3A_259 : memref<1x1x80xi32, #tpu.memory_space<hbm>> -> memref<80xi32, #tpu.memory_space<hbm>>
        tpu.enqueue_dma source(%dma_start3A_260 : memref<80xi32, #tpu.memory_space<hbm>>) target(%arg9 : memref<80xi32, #tpu.memory_space<vmem>>) target_semaphore(%arg22 : memref<!tpu.dma_semaphore, #tpu.memory_space<semaphore_mem>>)
        %dma_wait3A_261 = arith.constant 0 : i32
        %dma_wait3A_262 = arith.constant 0 : i32
        %dma_wait3A_263 = tpu.memref_slice %arg19[%dma_wait3A_261, %dma_wait3A_262] : memref<10240x128xf32, #tpu.memory_space<vmem_shared>> -> memref<10240x128xf32, #tpu.memory_space<vmem_shared>>
        tpu.wait_indirect_dma semaphore(%arg34 : memref<!tpu.dma_semaphore, #tpu.memory_space<semaphore_mem>>) src(%arg17 : memref<80x128xf32, #tpu.memory_space<vmem>>) dst(%dma_wait3A_263 : memref<10240x128xf32, #tpu.memory_space<vmem_shared>>)
        %dma_start3A_264 = arith.constant 0 : i32
        %dma_start3A_265 = tpu.memref_slice %arg3[%add3A, %add3A_254, %dma_start3A_264] : memref<32x128x80xi32, #tpu.memory_space<hbm>> -> memref<1x1x80xi32, #tpu.memory_space<hbm>>
        %dma_start3A_266 = tpu.memref_squeeze %dma_start3A_265 : memref<1x1x80xi32, #tpu.memory_space<hbm>> -> memref<80xi32, #tpu.memory_space<hbm>>
        %dma_start3A_267 = arith.constant 0 : i32
        %dma_start3A_268 = tpu.memref_slice %arg3[%add3A, %add3A_254, %dma_start3A_267] : memref<32x128x80xi32, #tpu.memory_space<hbm>> -> memref<1x1x80xi32, #tpu.memory_space<hbm>>
        %dma_start3A_269 = tpu.memref_squeeze %dma_start3A_268 : memref<1x1x80xi32, #tpu.memory_space<hbm>> -> memref<80xi32, #tpu.memory_space<hbm>>
        tpu.enqueue_dma source(%dma_start3A_269 : memref<80xi32, #tpu.memory_space<hbm>>) target(%arg13 : memref<80xi32, #tpu.memory_space<vmem>>) target_semaphore(%arg26 : memref<!tpu.dma_semaphore, #tpu.memory_space<semaphore_mem>>)
        %dma_wait3A_270 = arith.constant 0 : i32
        %dma_wait3A_271 = tpu.memref_slice %arg2[%add3A, %add3A_254, %dma_wait3A_270] : memref<32x128x80xi32, #tpu.memory_space<hbm>> -> memref<1x1x80xi32, #tpu.memory_space<hbm>>
        %dma_wait3A_272 = tpu.memref_squeeze %dma_wait3A_271 : memref<1x1x80xi32, #tpu.memory_space<hbm>> -> memref<80xi32, #tpu.memory_space<hbm>>
        %dma_wait3A_273 = arith.constant 0 : i32
        %dma_wait3A_274 = tpu.memref_slice %arg2[%add3A, %add3A_254, %dma_wait3A_273] : memref<32x128x80xi32, #tpu.memory_space<hbm>> -> memref<1x1x80xi32, #tpu.memory_space<hbm>>
        %dma_wait3A_275 = tpu.memref_squeeze %dma_wait3A_274 : memref<1x1x80xi32, #tpu.memory_space<hbm>> -> memref<80xi32, #tpu.memory_space<hbm>>
        tpu.wait_dma2 semaphore(%arg22 : memref<!tpu.dma_semaphore, #tpu.memory_space<semaphore_mem>>) src(%dma_wait3A_275 : memref<80xi32, #tpu.memory_space<hbm>>) dst(%arg9 : memref<80xi32, #tpu.memory_space<vmem>>)
        %dma_start3A_276 = arith.constant 0 : i32
        %dma_start3A_277 = arith.constant 0 : i32
        %dma_start3A_278 = tpu.memref_slice %arg5[%dma_start3A_276, %dma_start3A_277] : memref<10000x128xf32, #tpu.memory_space<hbm>> -> memref<10000x128xf32, #tpu.memory_space<hbm>>
        tpu.enqueue_indirect_dma source(%dma_start3A_278 : memref<10000x128xf32, #tpu.memory_space<hbm>>) target(%arg17 : memref<80x128xf32, #tpu.memory_space<vmem>>) offsets(%arg9 : memref<80xi32, #tpu.memory_space<vmem>>) semaphore(%arg30 : memref<!tpu.dma_semaphore, #tpu.memory_space<semaphore_mem>>)
        %mul3A_279 = arith.constant 4 : i32
        %mul3A_280 = arith.muli %scan3A_122, %mul3A_279 : i32
        %add3A_281 = arith.constant 3 : i32
        %add3A_282 = arith.addi %mul3A_280, %add3A_281 : i32
        %add3A_283 = arith.constant 4 : i32
        %add3A_284 = arith.addi %add3A_282, %add3A_283 : i32
        %dma_start3A_285 = arith.constant 0 : i32
        %dma_start3A_286 = tpu.memref_slice %arg2[%add3A, %add3A_284, %dma_start3A_285] : memref<32x128x80xi32, #tpu.memory_space<hbm>> -> memref<1x1x80xi32, #tpu.memory_space<hbm>>
        %dma_start3A_287 = tpu.memref_squeeze %dma_start3A_286 : memref<1x1x80xi32, #tpu.memory_space<hbm>> -> memref<80xi32, #tpu.memory_space<hbm>>
        %dma_start3A_288 = arith.constant 0 : i32
        %dma_start3A_289 = tpu.memref_slice %arg2[%add3A, %add3A_284, %dma_start3A_288] : memref<32x128x80xi32, #tpu.memory_space<hbm>> -> memref<1x1x80xi32, #tpu.memory_space<hbm>>
        %dma_start3A_290 = tpu.memref_squeeze %dma_start3A_289 : memref<1x1x80xi32, #tpu.memory_space<hbm>> -> memref<80xi32, #tpu.memory_space<hbm>>
        tpu.enqueue_dma source(%dma_start3A_290 : memref<80xi32, #tpu.memory_space<hbm>>) target(%arg10 : memref<80xi32, #tpu.memory_space<vmem>>) target_semaphore(%arg23 : memref<!tpu.dma_semaphore, #tpu.memory_space<semaphore_mem>>)
        %dma_wait3A_291 = arith.constant 0 : i32
        %dma_wait3A_292 = arith.constant 0 : i32
        %dma_wait3A_293 = tpu.memref_slice %arg19[%dma_wait3A_291, %dma_wait3A_292] : memref<10240x128xf32, #tpu.memory_space<vmem_shared>> -> memref<10240x128xf32, #tpu.memory_space<vmem_shared>>
        tpu.wait_indirect_dma semaphore(%arg35 : memref<!tpu.dma_semaphore, #tpu.memory_space<semaphore_mem>>) src(%arg18 : memref<80x128xf32, #tpu.memory_space<vmem>>) dst(%dma_wait3A_293 : memref<10240x128xf32, #tpu.memory_space<vmem_shared>>)
        %dma_start3A_294 = arith.constant 0 : i32
        %dma_start3A_295 = tpu.memref_slice %arg3[%add3A, %add3A_284, %dma_start3A_294] : memref<32x128x80xi32, #tpu.memory_space<hbm>> -> memref<1x1x80xi32, #tpu.memory_space<hbm>>
        %dma_start3A_296 = tpu.memref_squeeze %dma_start3A_295 : memref<1x1x80xi32, #tpu.memory_space<hbm>> -> memref<80xi32, #tpu.memory_space<hbm>>
        %dma_start3A_297 = arith.constant 0 : i32
        %dma_start3A_298 = tpu.memref_slice %arg3[%add3A, %add3A_284, %dma_start3A_297] : memref<32x128x80xi32, #tpu.memory_space<hbm>> -> memref<1x1x80xi32, #tpu.memory_space<hbm>>
        %dma_start3A_299 = tpu.memref_squeeze %dma_start3A_298 : memref<1x1x80xi32, #tpu.memory_space<hbm>> -> memref<80xi32, #tpu.memory_space<hbm>>
        tpu.enqueue_dma source(%dma_start3A_299 : memref<80xi32, #tpu.memory_space<hbm>>) target(%arg14 : memref<80xi32, #tpu.memory_space<vmem>>) target_semaphore(%arg27 : memref<!tpu.dma_semaphore, #tpu.memory_space<semaphore_mem>>)
        %dma_wait3A_300 = arith.constant 0 : i32
        %dma_wait3A_301 = tpu.memref_slice %arg2[%add3A, %add3A_284, %dma_wait3A_300] : memref<32x128x80xi32, #tpu.memory_space<hbm>> -> memref<1x1x80xi32, #tpu.memory_space<hbm>>
        %dma_wait3A_302 = tpu.memref_squeeze %dma_wait3A_301 : memref<1x1x80xi32, #tpu.memory_space<hbm>> -> memref<80xi32, #tpu.memory_space<hbm>>
        %dma_wait3A_303 = arith.constant 0 : i32
        %dma_wait3A_304 = tpu.memref_slice %arg2[%add3A, %add3A_284, %dma_wait3A_303] : memref<32x128x80xi32, #tpu.memory_space<hbm>> -> memref<1x1x80xi32, #tpu.memory_space<hbm>>
        %dma_wait3A_305 = tpu.memref_squeeze %dma_wait3A_304 : memref<1x1x80xi32, #tpu.memory_space<hbm>> -> memref<80xi32, #tpu.memory_space<hbm>>
        tpu.wait_dma2 semaphore(%arg23 : memref<!tpu.dma_semaphore, #tpu.memory_space<semaphore_mem>>) src(%dma_wait3A_305 : memref<80xi32, #tpu.memory_space<hbm>>) dst(%arg10 : memref<80xi32, #tpu.memory_space<vmem>>)
        %dma_start3A_306 = arith.constant 0 : i32
        %dma_start3A_307 = arith.constant 0 : i32
        %dma_start3A_308 = tpu.memref_slice %arg5[%dma_start3A_306, %dma_start3A_307] : memref<10000x128xf32, #tpu.memory_space<hbm>> -> memref<10000x128xf32, #tpu.memory_space<hbm>>
        tpu.enqueue_indirect_dma source(%dma_start3A_308 : memref<10000x128xf32, #tpu.memory_space<hbm>>) target(%arg18 : memref<80x128xf32, #tpu.memory_space<vmem>>) offsets(%arg10 : memref<80xi32, #tpu.memory_space<vmem>>) semaphore(%arg31 : memref<!tpu.dma_semaphore, #tpu.memory_space<semaphore_mem>>)
      } else {
      }
    }
    %scan3A_101 = arith.constant 32 : i32
    %dma_wait3A_102 = arith.constant 0 : i32
    %dma_wait3A_103 = arith.constant 0 : i32
    %dma_wait3A_104 = tpu.memref_slice %arg19[%dma_wait3A_102, %dma_wait3A_103] : memref<10240x128xf32, #tpu.memory_space<vmem_shared>> -> memref<10240x128xf32, #tpu.memory_space<vmem_shared>>
    tpu.wait_indirect_dma semaphore(%arg32 : memref<!tpu.dma_semaphore, #tpu.memory_space<semaphore_mem>>) src(%arg15 : memref<80x128xf32, #tpu.memory_space<vmem>>) dst(%dma_wait3A_104 : memref<10240x128xf32, #tpu.memory_space<vmem_shared>>)
    %dma_wait3A_105 = arith.constant 0 : i32
    %dma_wait3A_106 = arith.constant 0 : i32
    %dma_wait3A_107 = tpu.memref_slice %arg19[%dma_wait3A_105, %dma_wait3A_106] : memref<10240x128xf32, #tpu.memory_space<vmem_shared>> -> memref<10240x128xf32, #tpu.memory_space<vmem_shared>>
    tpu.wait_indirect_dma semaphore(%arg33 : memref<!tpu.dma_semaphore, #tpu.memory_space<semaphore_mem>>) src(%arg16 : memref<80x128xf32, #tpu.memory_space<vmem>>) dst(%dma_wait3A_107 : memref<10240x128xf32, #tpu.memory_space<vmem_shared>>)
    %dma_wait3A_108 = arith.constant 0 : i32
    %dma_wait3A_109 = arith.constant 0 : i32
    %dma_wait3A_110 = tpu.memref_slice %arg19[%dma_wait3A_108, %dma_wait3A_109] : memref<10240x128xf32, #tpu.memory_space<vmem_shared>> -> memref<10240x128xf32, #tpu.memory_space<vmem_shared>>
    tpu.wait_indirect_dma semaphore(%arg34 : memref<!tpu.dma_semaphore, #tpu.memory_space<semaphore_mem>>) src(%arg17 : memref<80x128xf32, #tpu.memory_space<vmem>>) dst(%dma_wait3A_110 : memref<10240x128xf32, #tpu.memory_space<vmem_shared>>)
    %dma_wait3A_111 = arith.constant 0 : i32
    %dma_wait3A_112 = arith.constant 0 : i32
    %dma_wait3A_113 = tpu.memref_slice %arg19[%dma_wait3A_111, %dma_wait3A_112] : memref<10240x128xf32, #tpu.memory_space<vmem_shared>> -> memref<10240x128xf32, #tpu.memory_space<vmem_shared>>
    tpu.wait_indirect_dma semaphore(%arg35 : memref<!tpu.dma_semaphore, #tpu.memory_space<semaphore_mem>>) src(%arg18 : memref<80x128xf32, #tpu.memory_space<vmem>>) dst(%dma_wait3A_113 : memref<10240x128xf32, #tpu.memory_space<vmem_shared>>)
    %barrier3A_114 = arith.constant 0 : index
    tpu.barrier barrier_id(%barrier3A_114)
    %mul3A_115 = arith.constant 640 : i32
    %mul3A_116 = arith.muli %arg1, %mul3A_115 : i32
    %mul3A_117 = arith.constant 10240 : i32
    %mul3A_118 = arith.muli %arg0, %mul3A_117 : i32
    %mul3A_119 = arith.constant 640 : i32
    %mul3A_120 = arith.muli %arg1, %mul3A_119 : i32
    %add3A_121 = arith.addi %mul3A_118, %mul3A_120 : i32
    "tpu.region"() ({
      %run_scoped3A = tpu.sem_alloc : memref<!tpu.dma_semaphore, #tpu.memory_space<semaphore_mem>>
      %dma_start3A_122 = arith.constant 0 : i32
      %dma_start3A_123 = tpu.memref_slice %arg6[%add3A_121, %dma_start3A_122] : memref<20480x128xf32, #tpu.memory_space<hbm>> -> memref<640x128xf32, #tpu.memory_space<hbm>>
      %dma_start3A_124 = arith.constant 0 : i32
      %dma_start3A_125 = tpu.memref_slice %arg19[%mul3A_116, %dma_start3A_124] : memref<10240x128xf32, #tpu.memory_space<vmem_shared>> -> memref<640x128xf32, #tpu.memory_space<vmem_shared>>
      tpu.enqueue_dma source(%dma_start3A_125 : memref<640x128xf32, #tpu.memory_space<vmem_shared>>) target(%dma_start3A_123 : memref<640x128xf32, #tpu.memory_space<hbm>>) target_semaphore(%run_scoped3A : memref<!tpu.dma_semaphore, #tpu.memory_space<semaphore_mem>>)
      %dma_wait3A_126 = arith.constant 0 : i32
      %dma_wait3A_127 = tpu.memref_slice %arg6[%add3A_121, %dma_wait3A_126] : memref<20480x128xf32, #tpu.memory_space<hbm>> -> memref<640x128xf32, #tpu.memory_space<hbm>>
      %dma_wait3A_128 = arith.constant 0 : i32
      %dma_wait3A_129 = tpu.memref_slice %arg19[%mul3A_116, %dma_wait3A_128] : memref<10240x128xf32, #tpu.memory_space<vmem_shared>> -> memref<640x128xf32, #tpu.memory_space<vmem_shared>>
      tpu.wait_dma2 semaphore(%run_scoped3A : memref<!tpu.dma_semaphore, #tpu.memory_space<semaphore_mem>>) src(%dma_wait3A_129 : memref<640x128xf32, #tpu.memory_space<vmem_shared>>) dst(%dma_wait3A_127 : memref<640x128xf32, #tpu.memory_space<hbm>>)
      tpu.yield
    }) : () -> ()
    return
  }
}

#map = affine_map<(d0, d1) -> (0, 0, 0)>
#map1 = affine_map<(d0, d1) -> (0, 0)>
module attributes {stable_mosaic.version = 14 : i64} {
  func.func @_sc_body(%arg0: i32, %arg1: i32, %arg2: memref<32x128x80xi32, #tpu.memory_space<hbm>>, %arg3: memref<32x128x80xi32, #tpu.memory_space<hbm>>, %arg4: memref<640x128xf32, #tpu.memory_space<hbm>>, %arg5: memref<10000x128xf32, #tpu.memory_space<hbm>>, %arg6: memref<20480x128xf32, #tpu.memory_space<hbm>>, %arg7: memref<80xi32, #tpu.memory_space<vmem>>, %arg8: memref<80xi32, #tpu.memory_space<vmem>>, %arg9: memref<80xi32, #tpu.memory_space<vmem>>, %arg10: memref<80xi32, #tpu.memory_space<vmem>>, %arg11: memref<80xi32, #tpu.memory_space<vmem>>, %arg12: memref<80xi32, #tpu.memory_space<vmem>>, %arg13: memref<80xi32, #tpu.memory_space<vmem>>, %arg14: memref<80xi32, #tpu.memory_space<vmem>>, %arg15: memref<80x128xf32, #tpu.memory_space<vmem>>, %arg16: memref<80x128xf32, #tpu.memory_space<vmem>>, %arg17: memref<80x128xf32, #tpu.memory_space<vmem>>, %arg18: memref<80x128xf32, #tpu.memory_space<vmem>>, %arg19: memref<10240x128xf32, #tpu.memory_space<vmem_shared>>, %arg20: memref<!tpu.dma_semaphore, #tpu.memory_space<semaphore_mem>>, %arg21: memref<!tpu.dma_semaphore, #tpu.memory_space<semaphore_mem>>, %arg22: memref<!tpu.dma_semaphore, #tpu.memory_space<semaphore_mem>>, %arg23: memref<!tpu.dma_semaphore, #tpu.memory_space<semaphore_mem>>, %arg24: memref<!tpu.dma_semaphore, #tpu.memory_space<semaphore_mem>>, %arg25: memref<!tpu.dma_semaphore, #tpu.memory_space<semaphore_mem>>, %arg26: memref<!tpu.dma_semaphore, #tpu.memory_space<semaphore_mem>>, %arg27: memref<!tpu.dma_semaphore, #tpu.memory_space<semaphore_mem>>, %arg28: memref<!tpu.dma_semaphore, #tpu.memory_space<semaphore_mem>>, %arg29: memref<!tpu.dma_semaphore, #tpu.memory_space<semaphore_mem>>, %arg30: memref<!tpu.dma_semaphore, #tpu.memory_space<semaphore_mem>>, %arg31: memref<!tpu.dma_semaphore, #tpu.memory_space<semaphore_mem>>, %arg32: memref<!tpu.dma_semaphore, #tpu.memory_space<semaphore_mem>>, %arg33: memref<!tpu.dma_semaphore, #tpu.memory_space<semaphore_mem>>, %arg34: memref<!tpu.dma_semaphore, #tpu.memory_space<semaphore_mem>>, %arg35: memref<!tpu.dma_semaphore, #tpu.memory_space<semaphore_mem>>) attributes {dimension_semantics = [#tpu.dimension_semantics<core_parallel>, #tpu.dimension_semantics<subcore_parallel>], iteration_bounds = array<i64: 2, 16>, scalar_prefetch = 0 : i64, scratch_operands = 29 : i64, tpu.core_type = #tpu.core_type<sc_vector_subcore>, window_params = [{transform_indices = #map}, {transform_indices = #map}, {transform_indices = #map1}, {transform_indices = #map1}, {transform_indices = #map1}]} {
    %mul3A = arith.constant 16 : i32
    %mul3A_0 = arith.muli %arg0, %mul3A : i32
    %add3A = arith.addi %mul3A_0, %arg1 : i32
    %dma_start3A = arith.constant 0 : i32
    %dma_start3A_1 = arith.constant 0 : i32
    %dma_start3A_2 = tpu.memref_slice %arg2[%add3A, %dma_start3A, %dma_start3A_1] : memref<32x128x80xi32, #tpu.memory_space<hbm>> -> memref<1x1x80xi32, #tpu.memory_space<hbm>>
    %dma_start3A_3 = tpu.memref_squeeze %dma_start3A_2 : memref<1x1x80xi32, #tpu.memory_space<hbm>> -> memref<80xi32, #tpu.memory_space<hbm>>
    %dma_start3A_4 = arith.constant 0 : i32
    %dma_start3A_5 = tpu.memref_slice %arg2[%add3A, %dma_start3A, %dma_start3A_4] : memref<32x128x80xi32, #tpu.memory_space<hbm>> -> memref<1x1x80xi32, #tpu.memory_space<hbm>>
    %dma_start3A_6 = tpu.memref_squeeze %dma_start3A_5 : memref<1x1x80xi32, #tpu.memory_space<hbm>> -> memref<80xi32, #tpu.memory_space<hbm>>
    tpu.enqueue_dma source(%dma_start3A_6 : memref<80xi32, #tpu.memory_space<hbm>>) target(%arg7 : memref<80xi32, #tpu.memory_space<vmem>>) target_semaphore(%arg20 : memref<!tpu.dma_semaphore, #tpu.memory_space<semaphore_mem>>)
    %dma_start3A_7 = arith.constant 0 : i32
    %dma_start3A_8 = arith.constant 0 : i32
    %dma_start3A_9 = tpu.memref_slice %arg3[%add3A, %dma_start3A_7, %dma_start3A_8] : memref<32x128x80xi32, #tpu.memory_space<hbm>> -> memref<1x1x80xi32, #tpu.memory_space<hbm>>
    %dma_start3A_10 = tpu.memref_squeeze %dma_start3A_9 : memref<1x1x80xi32, #tpu.memory_space<hbm>> -> memref<80xi32, #tpu.memory_space<hbm>>
    %dma_start3A_11 = arith.constant 0 : i32
    %dma_start3A_12 = tpu.memref_slice %arg3[%add3A, %dma_start3A_7, %dma_start3A_11] : memref<32x128x80xi32, #tpu.memory_space<hbm>> -> memref<1x1x80xi32, #tpu.memory_space<hbm>>
    %dma_start3A_13 = tpu.memref_squeeze %dma_start3A_12 : memref<1x1x80xi32, #tpu.memory_space<hbm>> -> memref<80xi32, #tpu.memory_space<hbm>>
    tpu.enqueue_dma source(%dma_start3A_13 : memref<80xi32, #tpu.memory_space<hbm>>) target(%arg11 : memref<80xi32, #tpu.memory_space<vmem>>) target_semaphore(%arg24 : memref<!tpu.dma_semaphore, #tpu.memory_space<semaphore_mem>>)
    %dma_start3A_14 = arith.constant 1 : i32
    %dma_start3A_15 = arith.constant 0 : i32
    %dma_start3A_16 = tpu.memref_slice %arg2[%add3A, %dma_start3A_14, %dma_start3A_15] : memref<32x128x80xi32, #tpu.memory_space<hbm>> -> memref<1x1x80xi32, #tpu.memory_space<hbm>>
    %dma_start3A_17 = tpu.memref_squeeze %dma_start3A_16 : memref<1x1x80xi32, #tpu.memory_space<hbm>> -> memref<80xi32, #tpu.memory_space<hbm>>
    %dma_start3A_18 = arith.constant 0 : i32
    %dma_start3A_19 = tpu.memref_slice %arg2[%add3A, %dma_start3A_14, %dma_start3A_18] : memref<32x128x80xi32, #tpu.memory_space<hbm>> -> memref<1x1x80xi32, #tpu.memory_space<hbm>>
    %dma_start3A_20 = tpu.memref_squeeze %dma_start3A_19 : memref<1x1x80xi32, #tpu.memory_space<hbm>> -> memref<80xi32, #tpu.memory_space<hbm>>
    tpu.enqueue_dma source(%dma_start3A_20 : memref<80xi32, #tpu.memory_space<hbm>>) target(%arg8 : memref<80xi32, #tpu.memory_space<vmem>>) target_semaphore(%arg21 : memref<!tpu.dma_semaphore, #tpu.memory_space<semaphore_mem>>)
    %dma_start3A_21 = arith.constant 1 : i32
    %dma_start3A_22 = arith.constant 0 : i32
    %dma_start3A_23 = tpu.memref_slice %arg3[%add3A, %dma_start3A_21, %dma_start3A_22] : memref<32x128x80xi32, #tpu.memory_space<hbm>> -> memref<1x1x80xi32, #tpu.memory_space<hbm>>
    %dma_start3A_24 = tpu.memref_squeeze %dma_start3A_23 : memref<1x1x80xi32, #tpu.memory_space<hbm>> -> memref<80xi32, #tpu.memory_space<hbm>>
    %dma_start3A_25 = arith.constant 0 : i32
    %dma_start3A_26 = tpu.memref_slice %arg3[%add3A, %dma_start3A_21, %dma_start3A_25] : memref<32x128x80xi32, #tpu.memory_space<hbm>> -> memref<1x1x80xi32, #tpu.memory_space<hbm>>
    %dma_start3A_27 = tpu.memref_squeeze %dma_start3A_26 : memref<1x1x80xi32, #tpu.memory_space<hbm>> -> memref<80xi32, #tpu.memory_space<hbm>>
    tpu.enqueue_dma source(%dma_start3A_27 : memref<80xi32, #tpu.memory_space<hbm>>) target(%arg12 : memref<80xi32, #tpu.memory_space<vmem>>) target_semaphore(%arg25 : memref<!tpu.dma_semaphore, #tpu.memory_space<semaphore_mem>>)
    %dma_start3A_28 = arith.constant 2 : i32
    %dma_start3A_29 = arith.constant 0 : i32
    %dma_start3A_30 = tpu.memref_slice %arg2[%add3A, %dma_start3A_28, %dma_start3A_29] : memref<32x128x80xi32, #tpu.memory_space<hbm>> -> memref<1x1x80xi32, #tpu.memory_space<hbm>>
    %dma_start3A_31 = tpu.memref_squeeze %dma_start3A_30 : memref<1x1x80xi32, #tpu.memory_space<hbm>> -> memref<80xi32, #tpu.memory_space<hbm>>
    %dma_start3A_32 = arith.constant 0 : i32
    %dma_start3A_33 = tpu.memref_slice %arg2[%add3A, %dma_start3A_28, %dma_start3A_32] : memref<32x128x80xi32, #tpu.memory_space<hbm>> -> memref<1x1x80xi32, #tpu.memory_space<hbm>>
    %dma_start3A_34 = tpu.memref_squeeze %dma_start3A_33 : memref<1x1x80xi32, #tpu.memory_space<hbm>> -> memref<80xi32, #tpu.memory_space<hbm>>
    tpu.enqueue_dma source(%dma_start3A_34 : memref<80xi32, #tpu.memory_space<hbm>>) target(%arg9 : memref<80xi32, #tpu.memory_space<vmem>>) target_semaphore(%arg22 : memref<!tpu.dma_semaphore, #tpu.memory_space<semaphore_mem>>)
    %dma_start3A_35 = arith.constant 2 : i32
    %dma_start3A_36 = arith.constant 0 : i32
    %dma_start3A_37 = tpu.memref_slice %arg3[%add3A, %dma_start3A_35, %dma_start3A_36] : memref<32x128x80xi32, #tpu.memory_space<hbm>> -> memref<1x1x80xi32, #tpu.memory_space<hbm>>
    %dma_start3A_38 = tpu.memref_squeeze %dma_start3A_37 : memref<1x1x80xi32, #tpu.memory_space<hbm>> -> memref<80xi32, #tpu.memory_space<hbm>>
    %dma_start3A_39 = arith.constant 0 : i32
    %dma_start3A_40 = tpu.memref_slice %arg3[%add3A, %dma_start3A_35, %dma_start3A_39] : memref<32x128x80xi32, #tpu.memory_space<hbm>> -> memref<1x1x80xi32, #tpu.memory_space<hbm>>
    %dma_start3A_41 = tpu.memref_squeeze %dma_start3A_40 : memref<1x1x80xi32, #tpu.memory_space<hbm>> -> memref<80xi32, #tpu.memory_space<hbm>>
    tpu.enqueue_dma source(%dma_start3A_41 : memref<80xi32, #tpu.memory_space<hbm>>) target(%arg13 : memref<80xi32, #tpu.memory_space<vmem>>) target_semaphore(%arg26 : memref<!tpu.dma_semaphore, #tpu.memory_space<semaphore_mem>>)
    %dma_start3A_42 = arith.constant 3 : i32
    %dma_start3A_43 = arith.constant 0 : i32
    %dma_start3A_44 = tpu.memref_slice %arg2[%add3A, %dma_start3A_42, %dma_start3A_43] : memref<32x128x80xi32, #tpu.memory_space<hbm>> -> memref<1x1x80xi32, #tpu.memory_space<hbm>>
    %dma_start3A_45 = tpu.memref_squeeze %dma_start3A_44 : memref<1x1x80xi32, #tpu.memory_space<hbm>> -> memref<80xi32, #tpu.memory_space<hbm>>
    %dma_start3A_46 = arith.constant 0 : i32
    %dma_start3A_47 = tpu.memref_slice %arg2[%add3A, %dma_start3A_42, %dma_start3A_46] : memref<32x128x80xi32, #tpu.memory_space<hbm>> -> memref<1x1x80xi32, #tpu.memory_space<hbm>>
    %dma_start3A_48 = tpu.memref_squeeze %dma_start3A_47 : memref<1x1x80xi32, #tpu.memory_space<hbm>> -> memref<80xi32, #tpu.memory_space<hbm>>
    tpu.enqueue_dma source(%dma_start3A_48 : memref<80xi32, #tpu.memory_space<hbm>>) target(%arg10 : memref<80xi32, #tpu.memory_space<vmem>>) target_semaphore(%arg23 : memref<!tpu.dma_semaphore, #tpu.memory_space<semaphore_mem>>)
    %dma_start3A_49 = arith.constant 3 : i32
    %dma_start3A_50 = arith.constant 0 : i32
    %dma_start3A_51 = tpu.memref_slice %arg3[%add3A, %dma_start3A_49, %dma_start3A_50] : memref<32x128x80xi32, #tpu.memory_space<hbm>> -> memref<1x1x80xi32, #tpu.memory_space<hbm>>
    %dma_start3A_52 = tpu.memref_squeeze %dma_start3A_51 : memref<1x1x80xi32, #tpu.memory_space<hbm>> -> memref<80xi32, #tpu.memory_space<hbm>>
    %dma_start3A_53 = arith.constant 0 : i32
    %dma_start3A_54 = tpu.memref_slice %arg3[%add3A, %dma_start3A_49, %dma_start3A_53] : memref<32x128x80xi32, #tpu.memory_space<hbm>> -> memref<1x1x80xi32, #tpu.memory_space<hbm>>
    %dma_start3A_55 = tpu.memref_squeeze %dma_start3A_54 : memref<1x1x80xi32, #tpu.memory_space<hbm>> -> memref<80xi32, #tpu.memory_space<hbm>>
    tpu.enqueue_dma source(%dma_start3A_55 : memref<80xi32, #tpu.memory_space<hbm>>) target(%arg14 : memref<80xi32, #tpu.memory_space<vmem>>) target_semaphore(%arg27 : memref<!tpu.dma_semaphore, #tpu.memory_space<semaphore_mem>>)
    %dma_wait3A = arith.constant 0 : i32
    %dma_wait3A_56 = arith.constant 0 : i32
    %dma_wait3A_57 = tpu.memref_slice %arg2[%add3A, %dma_wait3A, %dma_wait3A_56] : memref<32x128x80xi32, #tpu.memory_space<hbm>> -> memref<1x1x80xi32, #tpu.memory_space<hbm>>
    %dma_wait3A_58 = tpu.memref_squeeze %dma_wait3A_57 : memref<1x1x80xi32, #tpu.memory_space<hbm>> -> memref<80xi32, #tpu.memory_space<hbm>>
    %dma_wait3A_59 = arith.constant 0 : i32
    %dma_wait3A_60 = tpu.memref_slice %arg2[%add3A, %dma_wait3A, %dma_wait3A_59] : memref<32x128x80xi32, #tpu.memory_space<hbm>> -> memref<1x1x80xi32, #tpu.memory_space<hbm>>
    %dma_wait3A_61 = tpu.memref_squeeze %dma_wait3A_60 : memref<1x1x80xi32, #tpu.memory_space<hbm>> -> memref<80xi32, #tpu.memory_space<hbm>>
    tpu.wait_dma2 semaphore(%arg20 : memref<!tpu.dma_semaphore, #tpu.memory_space<semaphore_mem>>) src(%dma_wait3A_61 : memref<80xi32, #tpu.memory_space<hbm>>) dst(%arg7 : memref<80xi32, #tpu.memory_space<vmem>>)
    %dma_start3A_62 = arith.constant 0 : i32
    %dma_start3A_63 = arith.constant 0 : i32
    %dma_start3A_64 = tpu.memref_slice %arg5[%dma_start3A_62, %dma_start3A_63] : memref<10000x128xf32, #tpu.memory_space<hbm>> -> memref<10000x128xf32, #tpu.memory_space<hbm>>
    tpu.enqueue_indirect_dma source(%dma_start3A_64 : memref<10000x128xf32, #tpu.memory_space<hbm>>) target(%arg15 : memref<80x128xf32, #tpu.memory_space<vmem>>) offsets(%arg7 : memref<80xi32, #tpu.memory_space<vmem>>) semaphore(%arg28 : memref<!tpu.dma_semaphore, #tpu.memory_space<semaphore_mem>>)
    %dma_wait3A_65 = arith.constant 1 : i32
    %dma_wait3A_66 = arith.constant 0 : i32
    %dma_wait3A_67 = tpu.memref_slice %arg2[%add3A, %dma_wait3A_65, %dma_wait3A_66] : memref<32x128x80xi32, #tpu.memory_space<hbm>> -> memref<1x1x80xi32, #tpu.memory_space<hbm>>
    %dma_wait3A_68 = tpu.memref_squeeze %dma_wait3A_67 : memref<1x1x80xi32, #tpu.memory_space<hbm>> -> memref<80xi32, #tpu.memory_space<hbm>>
    %dma_wait3A_69 = arith.constant 0 : i32
    %dma_wait3A_70 = tpu.memref_slice %arg2[%add3A, %dma_wait3A_65, %dma_wait3A_69] : memref<32x128x80xi32, #tpu.memory_space<hbm>> -> memref<1x1x80xi32, #tpu.memory_space<hbm>>
    %dma_wait3A_71 = tpu.memref_squeeze %dma_wait3A_70 : memref<1x1x80xi32, #tpu.memory_space<hbm>> -> memref<80xi32, #tpu.memory_space<hbm>>
    tpu.wait_dma2 semaphore(%arg21 : memref<!tpu.dma_semaphore, #tpu.memory_space<semaphore_mem>>) src(%dma_wait3A_71 : memref<80xi32, #tpu.memory_space<hbm>>) dst(%arg8 : memref<80xi32, #tpu.memory_space<vmem>>)
    %dma_start3A_72 = arith.constant 0 : i32
    %dma_start3A_73 = arith.constant 0 : i32
    %dma_start3A_74 = tpu.memref_slice %arg5[%dma_start3A_72, %dma_start3A_73] : memref<10000x128xf32, #tpu.memory_space<hbm>> -> memref<10000x128xf32, #tpu.memory_space<hbm>>
    tpu.enqueue_indirect_dma source(%dma_start3A_74 : memref<10000x128xf32, #tpu.memory_space<hbm>>) target(%arg16 : memref<80x128xf32, #tpu.memory_space<vmem>>) offsets(%arg8 : memref<80xi32, #tpu.memory_space<vmem>>) semaphore(%arg29 : memref<!tpu.dma_semaphore, #tpu.memory_space<semaphore_mem>>)
    %dma_wait3A_75 = arith.constant 2 : i32
    %dma_wait3A_76 = arith.constant 0 : i32
    %dma_wait3A_77 = tpu.memref_slice %arg2[%add3A, %dma_wait3A_75, %dma_wait3A_76] : memref<32x128x80xi32, #tpu.memory_space<hbm>> -> memref<1x1x80xi32, #tpu.memory_space<hbm>>
    %dma_wait3A_78 = tpu.memref_squeeze %dma_wait3A_77 : memref<1x1x80xi32, #tpu.memory_space<hbm>> -> memref<80xi32, #tpu.memory_space<hbm>>
    %dma_wait3A_79 = arith.constant 0 : i32
    %dma_wait3A_80 = tpu.memref_slice %arg2[%add3A, %dma_wait3A_75, %dma_wait3A_79] : memref<32x128x80xi32, #tpu.memory_space<hbm>> -> memref<1x1x80xi32, #tpu.memory_space<hbm>>
    %dma_wait3A_81 = tpu.memref_squeeze %dma_wait3A_80 : memref<1x1x80xi32, #tpu.memory_space<hbm>> -> memref<80xi32, #tpu.memory_space<hbm>>
    tpu.wait_dma2 semaphore(%arg22 : memref<!tpu.dma_semaphore, #tpu.memory_space<semaphore_mem>>) src(%dma_wait3A_81 : memref<80xi32, #tpu.memory_space<hbm>>) dst(%arg9 : memref<80xi32, #tpu.memory_space<vmem>>)
    %dma_start3A_82 = arith.constant 0 : i32
    %dma_start3A_83 = arith.constant 0 : i32
    %dma_start3A_84 = tpu.memref_slice %arg5[%dma_start3A_82, %dma_start3A_83] : memref<10000x128xf32, #tpu.memory_space<hbm>> -> memref<10000x128xf32, #tpu.memory_space<hbm>>
    tpu.enqueue_indirect_dma source(%dma_start3A_84 : memref<10000x128xf32, #tpu.memory_space<hbm>>) target(%arg17 : memref<80x128xf32, #tpu.memory_space<vmem>>) offsets(%arg9 : memref<80xi32, #tpu.memory_space<vmem>>) semaphore(%arg30 : memref<!tpu.dma_semaphore, #tpu.memory_space<semaphore_mem>>)
    %dma_wait3A_85 = arith.constant 3 : i32
    %dma_wait3A_86 = arith.constant 0 : i32
    %dma_wait3A_87 = tpu.memref_slice %arg2[%add3A, %dma_wait3A_85, %dma_wait3A_86] : memref<32x128x80xi32, #tpu.memory_space<hbm>> -> memref<1x1x80xi32, #tpu.memory_space<hbm>>
    %dma_wait3A_88 = tpu.memref_squeeze %dma_wait3A_87 : memref<1x1x80xi32, #tpu.memory_space<hbm>> -> memref<80xi32, #tpu.memory_space<hbm>>
    %dma_wait3A_89 = arith.constant 0 : i32
    %dma_wait3A_90 = tpu.memref_slice %arg2[%add3A, %dma_wait3A_85, %dma_wait3A_89] : memref<32x128x80xi32, #tpu.memory_space<hbm>> -> memref<1x1x80xi32, #tpu.memory_space<hbm>>
    %dma_wait3A_91 = tpu.memref_squeeze %dma_wait3A_90 : memref<1x1x80xi32, #tpu.memory_space<hbm>> -> memref<80xi32, #tpu.memory_space<hbm>>
    tpu.wait_dma2 semaphore(%arg23 : memref<!tpu.dma_semaphore, #tpu.memory_space<semaphore_mem>>) src(%dma_wait3A_91 : memref<80xi32, #tpu.memory_space<hbm>>) dst(%arg10 : memref<80xi32, #tpu.memory_space<vmem>>)
    %dma_start3A_92 = arith.constant 0 : i32
    %dma_start3A_93 = arith.constant 0 : i32
    %dma_start3A_94 = tpu.memref_slice %arg5[%dma_start3A_92, %dma_start3A_93] : memref<10000x128xf32, #tpu.memory_space<hbm>> -> memref<10000x128xf32, #tpu.memory_space<hbm>>
    tpu.enqueue_indirect_dma source(%dma_start3A_94 : memref<10000x128xf32, #tpu.memory_space<hbm>>) target(%arg18 : memref<80x128xf32, #tpu.memory_space<vmem>>) offsets(%arg10 : memref<80xi32, #tpu.memory_space<vmem>>) semaphore(%arg31 : memref<!tpu.dma_semaphore, #tpu.memory_space<semaphore_mem>>)
    %mul3A_95 = arith.constant 640 : i32
    %mul3A_96 = arith.muli %arg1, %mul3A_95 : i32
    "tpu.region"() ({
      %run_scoped3A = tpu.sem_alloc : memref<!tpu.dma_semaphore, #tpu.memory_space<semaphore_mem>>
      %dma_start3A_122 = arith.constant 0 : i32
      %dma_start3A_123 = tpu.memref_slice %arg19[%mul3A_96, %dma_start3A_122] : memref<10240x128xf32, #tpu.memory_space<vmem_shared>> -> memref<640x128xf32, #tpu.memory_space<vmem_shared>>
      tpu.enqueue_dma source(%arg4 : memref<640x128xf32, #tpu.memory_space<hbm>>) target(%dma_start3A_123 : memref<640x128xf32, #tpu.memory_space<vmem_shared>>) target_semaphore(%run_scoped3A : memref<!tpu.dma_semaphore, #tpu.memory_space<semaphore_mem>>)
      %dma_wait3A_124 = arith.constant 0 : i32
      %dma_wait3A_125 = tpu.memref_slice %arg19[%mul3A_96, %dma_wait3A_124] : memref<10240x128xf32, #tpu.memory_space<vmem_shared>> -> memref<640x128xf32, #tpu.memory_space<vmem_shared>>
      tpu.wait_dma2 semaphore(%run_scoped3A : memref<!tpu.dma_semaphore, #tpu.memory_space<semaphore_mem>>) src(%arg4 : memref<640x128xf32, #tpu.memory_space<hbm>>) dst(%dma_wait3A_125 : memref<640x128xf32, #tpu.memory_space<vmem_shared>>)
      tpu.yield
    }) : () -> ()
    %barrier3A = arith.constant 0 : index
    tpu.barrier barrier_id(%barrier3A)
    %scan3A = arith.constant 0 : i32
    %scan3A_97 = arith.constant 0 : i32
    %scan3A_98 = arith.constant 32 : i32
    %scan3A_99 = arith.addi %scan3A_97, %scan3A_98 : i32
    %scan3A_100 = arith.constant 1 : i32
    scf.for %scan3A_122 = %scan3A_97 to %scan3A_99 step %scan3A_100  : i32 {
      %mul3A_123 = arith.constant 4 : i32
      %mul3A_124 = arith.muli %scan3A_122, %mul3A_123 : i32
      %add3A_125 = arith.constant 0 : i32
      %add3A_126 = arith.addi %mul3A_124, %add3A_125 : i32
      %dma_wait3A_127 = arith.constant 0 : i32
      %dma_wait3A_128 = arith.constant 0 : i32
      %dma_wait3A_129 = tpu.memref_slice %arg5[%dma_wait3A_127, %dma_wait3A_128] : memref<10000x128xf32, #tpu.memory_space<hbm>> -> memref<10000x128xf32, #tpu.memory_space<hbm>>
      tpu.wait_indirect_dma semaphore(%arg28 : memref<!tpu.dma_semaphore, #tpu.memory_space<semaphore_mem>>) src(%dma_wait3A_129 : memref<10000x128xf32, #tpu.memory_space<hbm>>) dst(%arg15 : memref<80x128xf32, #tpu.memory_space<vmem>>)
      %dma_wait3A_130 = arith.constant 0 : i32
      %dma_wait3A_131 = tpu.memref_slice %arg3[%add3A, %add3A_126, %dma_wait3A_130] : memref<32x128x80xi32, #tpu.memory_space<hbm>> -> memref<1x1x80xi32, #tpu.memory_space<hbm>>
      %dma_wait3A_132 = tpu.memref_squeeze %dma_wait3A_131 : memref<1x1x80xi32, #tpu.memory_space<hbm>> -> memref<80xi32, #tpu.memory_space<hbm>>
      %dma_wait3A_133 = arith.constant 0 : i32
      %dma_wait3A_134 = tpu.memref_slice %arg3[%add3A, %add3A_126, %dma_wait3A_133] : memref<32x128x80xi32, #tpu.memory_space<hbm>> -> memref<1x1x80xi32, #tpu.memory_space<hbm>>
      %dma_wait3A_135 = tpu.memref_squeeze %dma_wait3A_134 : memref<1x1x80xi32, #tpu.memory_space<hbm>> -> memref<80xi32, #tpu.memory_space<hbm>>
      tpu.wait_dma2 semaphore(%arg24 : memref<!tpu.dma_semaphore, #tpu.memory_space<semaphore_mem>>) src(%dma_wait3A_135 : memref<80xi32, #tpu.memory_space<hbm>>) dst(%arg11 : memref<80xi32, #tpu.memory_space<vmem>>)
      %dma_start3A_136 = arith.constant 0 : i32
      %dma_start3A_137 = arith.constant 0 : i32
      %dma_start3A_138 = tpu.memref_slice %arg19[%dma_start3A_136, %dma_start3A_137] : memref<10240x128xf32, #tpu.memory_space<vmem_shared>> -> memref<10240x128xf32, #tpu.memory_space<vmem_shared>>
      tpu.enqueue_indirect_dma source(%arg15 : memref<80x128xf32, #tpu.memory_space<vmem>>) target(%dma_start3A_138 : memref<10240x128xf32, #tpu.memory_space<vmem_shared>>) offsets(%arg11 : memref<80xi32, #tpu.memory_space<vmem>>) semaphore(%arg32 : memref<!tpu.dma_semaphore, #tpu.memory_space<semaphore_mem>>) {add = true}
      %mul3A_139 = arith.constant 4 : i32
      %mul3A_140 = arith.muli %scan3A_122, %mul3A_139 : i32
      %add3A_141 = arith.constant 1 : i32
      %add3A_142 = arith.addi %mul3A_140, %add3A_141 : i32
      %dma_wait3A_143 = arith.constant 0 : i32
      %dma_wait3A_144 = arith.constant 0 : i32
      %dma_wait3A_145 = tpu.memref_slice %arg5[%dma_wait3A_143, %dma_wait3A_144] : memref<10000x128xf32, #tpu.memory_space<hbm>> -> memref<10000x128xf32, #tpu.memory_space<hbm>>
      tpu.wait_indirect_dma semaphore(%arg29 : memref<!tpu.dma_semaphore, #tpu.memory_space<semaphore_mem>>) src(%dma_wait3A_145 : memref<10000x128xf32, #tpu.memory_space<hbm>>) dst(%arg16 : memref<80x128xf32, #tpu.memory_space<vmem>>)
      %dma_wait3A_146 = arith.constant 0 : i32
      %dma_wait3A_147 = tpu.memref_slice %arg3[%add3A, %add3A_142, %dma_wait3A_146] : memref<32x128x80xi32, #tpu.memory_space<hbm>> -> memref<1x1x80xi32, #tpu.memory_space<hbm>>
      %dma_wait3A_148 = tpu.memref_squeeze %dma_wait3A_147 : memref<1x1x80xi32, #tpu.memory_space<hbm>> -> memref<80xi32, #tpu.memory_space<hbm>>
      %dma_wait3A_149 = arith.constant 0 : i32
      %dma_wait3A_150 = tpu.memref_slice %arg3[%add3A, %add3A_142, %dma_wait3A_149] : memref<32x128x80xi32, #tpu.memory_space<hbm>> -> memref<1x1x80xi32, #tpu.memory_space<hbm>>
      %dma_wait3A_151 = tpu.memref_squeeze %dma_wait3A_150 : memref<1x1x80xi32, #tpu.memory_space<hbm>> -> memref<80xi32, #tpu.memory_space<hbm>>
      tpu.wait_dma2 semaphore(%arg25 : memref<!tpu.dma_semaphore, #tpu.memory_space<semaphore_mem>>) src(%dma_wait3A_151 : memref<80xi32, #tpu.memory_space<hbm>>) dst(%arg12 : memref<80xi32, #tpu.memory_space<vmem>>)
      %dma_start3A_152 = arith.constant 0 : i32
      %dma_start3A_153 = arith.constant 0 : i32
      %dma_start3A_154 = tpu.memref_slice %arg19[%dma_start3A_152, %dma_start3A_153] : memref<10240x128xf32, #tpu.memory_space<vmem_shared>> -> memref<10240x128xf32, #tpu.memory_space<vmem_shared>>
      tpu.enqueue_indirect_dma source(%arg16 : memref<80x128xf32, #tpu.memory_space<vmem>>) target(%dma_start3A_154 : memref<10240x128xf32, #tpu.memory_space<vmem_shared>>) offsets(%arg12 : memref<80xi32, #tpu.memory_space<vmem>>) semaphore(%arg33 : memref<!tpu.dma_semaphore, #tpu.memory_space<semaphore_mem>>) {add = true}
      %mul3A_155 = arith.constant 4 : i32
      %mul3A_156 = arith.muli %scan3A_122, %mul3A_155 : i32
      %add3A_157 = arith.constant 2 : i32
      %add3A_158 = arith.addi %mul3A_156, %add3A_157 : i32
      %dma_wait3A_159 = arith.constant 0 : i32
      %dma_wait3A_160 = arith.constant 0 : i32
      %dma_wait3A_161 = tpu.memref_slice %arg5[%dma_wait3A_159, %dma_wait3A_160] : memref<10000x128xf32, #tpu.memory_space<hbm>> -> memref<10000x128xf32, #tpu.memory_space<hbm>>
      tpu.wait_indirect_dma semaphore(%arg30 : memref<!tpu.dma_semaphore, #tpu.memory_space<semaphore_mem>>) src(%dma_wait3A_161 : memref<10000x128xf32, #tpu.memory_space<hbm>>) dst(%arg17 : memref<80x128xf32, #tpu.memory_space<vmem>>)
      %dma_wait3A_162 = arith.constant 0 : i32
      %dma_wait3A_163 = tpu.memref_slice %arg3[%add3A, %add3A_158, %dma_wait3A_162] : memref<32x128x80xi32, #tpu.memory_space<hbm>> -> memref<1x1x80xi32, #tpu.memory_space<hbm>>
      %dma_wait3A_164 = tpu.memref_squeeze %dma_wait3A_163 : memref<1x1x80xi32, #tpu.memory_space<hbm>> -> memref<80xi32, #tpu.memory_space<hbm>>
      %dma_wait3A_165 = arith.constant 0 : i32
      %dma_wait3A_166 = tpu.memref_slice %arg3[%add3A, %add3A_158, %dma_wait3A_165] : memref<32x128x80xi32, #tpu.memory_space<hbm>> -> memref<1x1x80xi32, #tpu.memory_space<hbm>>
      %dma_wait3A_167 = tpu.memref_squeeze %dma_wait3A_166 : memref<1x1x80xi32, #tpu.memory_space<hbm>> -> memref<80xi32, #tpu.memory_space<hbm>>
      tpu.wait_dma2 semaphore(%arg26 : memref<!tpu.dma_semaphore, #tpu.memory_space<semaphore_mem>>) src(%dma_wait3A_167 : memref<80xi32, #tpu.memory_space<hbm>>) dst(%arg13 : memref<80xi32, #tpu.memory_space<vmem>>)
      %dma_start3A_168 = arith.constant 0 : i32
      %dma_start3A_169 = arith.constant 0 : i32
      %dma_start3A_170 = tpu.memref_slice %arg19[%dma_start3A_168, %dma_start3A_169] : memref<10240x128xf32, #tpu.memory_space<vmem_shared>> -> memref<10240x128xf32, #tpu.memory_space<vmem_shared>>
      tpu.enqueue_indirect_dma source(%arg17 : memref<80x128xf32, #tpu.memory_space<vmem>>) target(%dma_start3A_170 : memref<10240x128xf32, #tpu.memory_space<vmem_shared>>) offsets(%arg13 : memref<80xi32, #tpu.memory_space<vmem>>) semaphore(%arg34 : memref<!tpu.dma_semaphore, #tpu.memory_space<semaphore_mem>>) {add = true}
      %mul3A_171 = arith.constant 4 : i32
      %mul3A_172 = arith.muli %scan3A_122, %mul3A_171 : i32
      %add3A_173 = arith.constant 3 : i32
      %add3A_174 = arith.addi %mul3A_172, %add3A_173 : i32
      %dma_wait3A_175 = arith.constant 0 : i32
      %dma_wait3A_176 = arith.constant 0 : i32
      %dma_wait3A_177 = tpu.memref_slice %arg5[%dma_wait3A_175, %dma_wait3A_176] : memref<10000x128xf32, #tpu.memory_space<hbm>> -> memref<10000x128xf32, #tpu.memory_space<hbm>>
      tpu.wait_indirect_dma semaphore(%arg31 : memref<!tpu.dma_semaphore, #tpu.memory_space<semaphore_mem>>) src(%dma_wait3A_177 : memref<10000x128xf32, #tpu.memory_space<hbm>>) dst(%arg18 : memref<80x128xf32, #tpu.memory_space<vmem>>)
      %dma_wait3A_178 = arith.constant 0 : i32
      %dma_wait3A_179 = tpu.memref_slice %arg3[%add3A, %add3A_174, %dma_wait3A_178] : memref<32x128x80xi32, #tpu.memory_space<hbm>> -> memref<1x1x80xi32, #tpu.memory_space<hbm>>
      %dma_wait3A_180 = tpu.memref_squeeze %dma_wait3A_179 : memref<1x1x80xi32, #tpu.memory_space<hbm>> -> memref<80xi32, #tpu.memory_space<hbm>>
      %dma_wait3A_181 = arith.constant 0 : i32
      %dma_wait3A_182 = tpu.memref_slice %arg3[%add3A, %add3A_174, %dma_wait3A_181] : memref<32x128x80xi32, #tpu.memory_space<hbm>> -> memref<1x1x80xi32, #tpu.memory_space<hbm>>
      %dma_wait3A_183 = tpu.memref_squeeze %dma_wait3A_182 : memref<1x1x80xi32, #tpu.memory_space<hbm>> -> memref<80xi32, #tpu.memory_space<hbm>>
      tpu.wait_dma2 semaphore(%arg27 : memref<!tpu.dma_semaphore, #tpu.memory_space<semaphore_mem>>) src(%dma_wait3A_183 : memref<80xi32, #tpu.memory_space<hbm>>) dst(%arg14 : memref<80xi32, #tpu.memory_space<vmem>>)
      %dma_start3A_184 = arith.constant 0 : i32
      %dma_start3A_185 = arith.constant 0 : i32
      %dma_start3A_186 = tpu.memref_slice %arg19[%dma_start3A_184, %dma_start3A_185] : memref<10240x128xf32, #tpu.memory_space<vmem_shared>> -> memref<10240x128xf32, #tpu.memory_space<vmem_shared>>
      tpu.enqueue_indirect_dma source(%arg18 : memref<80x128xf32, #tpu.memory_space<vmem>>) target(%dma_start3A_186 : memref<10240x128xf32, #tpu.memory_space<vmem_shared>>) offsets(%arg14 : memref<80xi32, #tpu.memory_space<vmem>>) semaphore(%arg35 : memref<!tpu.dma_semaphore, #tpu.memory_space<semaphore_mem>>) {add = true}
      %lt3A = arith.constant 31 : i32
      %lt3A_187 = arith.cmpi slt, %scan3A_122, %lt3A : i32
      %convert_element_type3A = arith.extui %lt3A_187 : i1 to i32
      %cond3A = arith.constant 0 : i32
      %cond3A_188 = arith.cmpi ne, %convert_element_type3A, %cond3A : i32
      scf.if %cond3A_188 {
        %mul3A_189 = arith.constant 4 : i32
        %mul3A_190 = arith.muli %scan3A_122, %mul3A_189 : i32
        %add3A_191 = arith.constant 0 : i32
        %add3A_192 = arith.addi %mul3A_190, %add3A_191 : i32
        %add3A_193 = arith.constant 4 : i32
        %add3A_194 = arith.addi %add3A_192, %add3A_193 : i32
        %dma_start3A_195 = arith.constant 0 : i32
        %dma_start3A_196 = tpu.memref_slice %arg2[%add3A, %add3A_194, %dma_start3A_195] : memref<32x128x80xi32, #tpu.memory_space<hbm>> -> memref<1x1x80xi32, #tpu.memory_space<hbm>>
        %dma_start3A_197 = tpu.memref_squeeze %dma_start3A_196 : memref<1x1x80xi32, #tpu.memory_space<hbm>> -> memref<80xi32, #tpu.memory_space<hbm>>
        %dma_start3A_198 = arith.constant 0 : i32
        %dma_start3A_199 = tpu.memref_slice %arg2[%add3A, %add3A_194, %dma_start3A_198] : memref<32x128x80xi32, #tpu.memory_space<hbm>> -> memref<1x1x80xi32, #tpu.memory_space<hbm>>
        %dma_start3A_200 = tpu.memref_squeeze %dma_start3A_199 : memref<1x1x80xi32, #tpu.memory_space<hbm>> -> memref<80xi32, #tpu.memory_space<hbm>>
        tpu.enqueue_dma source(%dma_start3A_200 : memref<80xi32, #tpu.memory_space<hbm>>) target(%arg7 : memref<80xi32, #tpu.memory_space<vmem>>) target_semaphore(%arg20 : memref<!tpu.dma_semaphore, #tpu.memory_space<semaphore_mem>>)
        %dma_wait3A_201 = arith.constant 0 : i32
        %dma_wait3A_202 = arith.constant 0 : i32
        %dma_wait3A_203 = tpu.memref_slice %arg19[%dma_wait3A_201, %dma_wait3A_202] : memref<10240x128xf32, #tpu.memory_space<vmem_shared>> -> memref<10240x128xf32, #tpu.memory_space<vmem_shared>>
        tpu.wait_indirect_dma semaphore(%arg32 : memref<!tpu.dma_semaphore, #tpu.memory_space<semaphore_mem>>) src(%arg15 : memref<80x128xf32, #tpu.memory_space<vmem>>) dst(%dma_wait3A_203 : memref<10240x128xf32, #tpu.memory_space<vmem_shared>>)
        %dma_start3A_204 = arith.constant 0 : i32
        %dma_start3A_205 = tpu.memref_slice %arg3[%add3A, %add3A_194, %dma_start3A_204] : memref<32x128x80xi32, #tpu.memory_space<hbm>> -> memref<1x1x80xi32, #tpu.memory_space<hbm>>
        %dma_start3A_206 = tpu.memref_squeeze %dma_start3A_205 : memref<1x1x80xi32, #tpu.memory_space<hbm>> -> memref<80xi32, #tpu.memory_space<hbm>>
        %dma_start3A_207 = arith.constant 0 : i32
        %dma_start3A_208 = tpu.memref_slice %arg3[%add3A, %add3A_194, %dma_start3A_207] : memref<32x128x80xi32, #tpu.memory_space<hbm>> -> memref<1x1x80xi32, #tpu.memory_space<hbm>>
        %dma_start3A_209 = tpu.memref_squeeze %dma_start3A_208 : memref<1x1x80xi32, #tpu.memory_space<hbm>> -> memref<80xi32, #tpu.memory_space<hbm>>
        tpu.enqueue_dma source(%dma_start3A_209 : memref<80xi32, #tpu.memory_space<hbm>>) target(%arg11 : memref<80xi32, #tpu.memory_space<vmem>>) target_semaphore(%arg24 : memref<!tpu.dma_semaphore, #tpu.memory_space<semaphore_mem>>)
        %dma_wait3A_210 = arith.constant 0 : i32
        %dma_wait3A_211 = tpu.memref_slice %arg2[%add3A, %add3A_194, %dma_wait3A_210] : memref<32x128x80xi32, #tpu.memory_space<hbm>> -> memref<1x1x80xi32, #tpu.memory_space<hbm>>
        %dma_wait3A_212 = tpu.memref_squeeze %dma_wait3A_211 : memref<1x1x80xi32, #tpu.memory_space<hbm>> -> memref<80xi32, #tpu.memory_space<hbm>>
        %dma_wait3A_213 = arith.constant 0 : i32
        %dma_wait3A_214 = tpu.memref_slice %arg2[%add3A, %add3A_194, %dma_wait3A_213] : memref<32x128x80xi32, #tpu.memory_space<hbm>> -> memref<1x1x80xi32, #tpu.memory_space<hbm>>
        %dma_wait3A_215 = tpu.memref_squeeze %dma_wait3A_214 : memref<1x1x80xi32, #tpu.memory_space<hbm>> -> memref<80xi32, #tpu.memory_space<hbm>>
        tpu.wait_dma2 semaphore(%arg20 : memref<!tpu.dma_semaphore, #tpu.memory_space<semaphore_mem>>) src(%dma_wait3A_215 : memref<80xi32, #tpu.memory_space<hbm>>) dst(%arg7 : memref<80xi32, #tpu.memory_space<vmem>>)
        %dma_start3A_216 = arith.constant 0 : i32
        %dma_start3A_217 = arith.constant 0 : i32
        %dma_start3A_218 = tpu.memref_slice %arg5[%dma_start3A_216, %dma_start3A_217] : memref<10000x128xf32, #tpu.memory_space<hbm>> -> memref<10000x128xf32, #tpu.memory_space<hbm>>
        tpu.enqueue_indirect_dma source(%dma_start3A_218 : memref<10000x128xf32, #tpu.memory_space<hbm>>) target(%arg15 : memref<80x128xf32, #tpu.memory_space<vmem>>) offsets(%arg7 : memref<80xi32, #tpu.memory_space<vmem>>) semaphore(%arg28 : memref<!tpu.dma_semaphore, #tpu.memory_space<semaphore_mem>>)
        %mul3A_219 = arith.constant 4 : i32
        %mul3A_220 = arith.muli %scan3A_122, %mul3A_219 : i32
        %add3A_221 = arith.constant 1 : i32
        %add3A_222 = arith.addi %mul3A_220, %add3A_221 : i32
        %add3A_223 = arith.constant 4 : i32
        %add3A_224 = arith.addi %add3A_222, %add3A_223 : i32
        %dma_start3A_225 = arith.constant 0 : i32
        %dma_start3A_226 = tpu.memref_slice %arg2[%add3A, %add3A_224, %dma_start3A_225] : memref<32x128x80xi32, #tpu.memory_space<hbm>> -> memref<1x1x80xi32, #tpu.memory_space<hbm>>
        %dma_start3A_227 = tpu.memref_squeeze %dma_start3A_226 : memref<1x1x80xi32, #tpu.memory_space<hbm>> -> memref<80xi32, #tpu.memory_space<hbm>>
        %dma_start3A_228 = arith.constant 0 : i32
        %dma_start3A_229 = tpu.memref_slice %arg2[%add3A, %add3A_224, %dma_start3A_228] : memref<32x128x80xi32, #tpu.memory_space<hbm>> -> memref<1x1x80xi32, #tpu.memory_space<hbm>>
        %dma_start3A_230 = tpu.memref_squeeze %dma_start3A_229 : memref<1x1x80xi32, #tpu.memory_space<hbm>> -> memref<80xi32, #tpu.memory_space<hbm>>
        tpu.enqueue_dma source(%dma_start3A_230 : memref<80xi32, #tpu.memory_space<hbm>>) target(%arg8 : memref<80xi32, #tpu.memory_space<vmem>>) target_semaphore(%arg21 : memref<!tpu.dma_semaphore, #tpu.memory_space<semaphore_mem>>)
        %dma_wait3A_231 = arith.constant 0 : i32
        %dma_wait3A_232 = arith.constant 0 : i32
        %dma_wait3A_233 = tpu.memref_slice %arg19[%dma_wait3A_231, %dma_wait3A_232] : memref<10240x128xf32, #tpu.memory_space<vmem_shared>> -> memref<10240x128xf32, #tpu.memory_space<vmem_shared>>
        tpu.wait_indirect_dma semaphore(%arg33 : memref<!tpu.dma_semaphore, #tpu.memory_space<semaphore_mem>>) src(%arg16 : memref<80x128xf32, #tpu.memory_space<vmem>>) dst(%dma_wait3A_233 : memref<10240x128xf32, #tpu.memory_space<vmem_shared>>)
        %dma_start3A_234 = arith.constant 0 : i32
        %dma_start3A_235 = tpu.memref_slice %arg3[%add3A, %add3A_224, %dma_start3A_234] : memref<32x128x80xi32, #tpu.memory_space<hbm>> -> memref<1x1x80xi32, #tpu.memory_space<hbm>>
        %dma_start3A_236 = tpu.memref_squeeze %dma_start3A_235 : memref<1x1x80xi32, #tpu.memory_space<hbm>> -> memref<80xi32, #tpu.memory_space<hbm>>
        %dma_start3A_237 = arith.constant 0 : i32
        %dma_start3A_238 = tpu.memref_slice %arg3[%add3A, %add3A_224, %dma_start3A_237] : memref<32x128x80xi32, #tpu.memory_space<hbm>> -> memref<1x1x80xi32, #tpu.memory_space<hbm>>
        %dma_start3A_239 = tpu.memref_squeeze %dma_start3A_238 : memref<1x1x80xi32, #tpu.memory_space<hbm>> -> memref<80xi32, #tpu.memory_space<hbm>>
        tpu.enqueue_dma source(%dma_start3A_239 : memref<80xi32, #tpu.memory_space<hbm>>) target(%arg12 : memref<80xi32, #tpu.memory_space<vmem>>) target_semaphore(%arg25 : memref<!tpu.dma_semaphore, #tpu.memory_space<semaphore_mem>>)
        %dma_wait3A_240 = arith.constant 0 : i32
        %dma_wait3A_241 = tpu.memref_slice %arg2[%add3A, %add3A_224, %dma_wait3A_240] : memref<32x128x80xi32, #tpu.memory_space<hbm>> -> memref<1x1x80xi32, #tpu.memory_space<hbm>>
        %dma_wait3A_242 = tpu.memref_squeeze %dma_wait3A_241 : memref<1x1x80xi32, #tpu.memory_space<hbm>> -> memref<80xi32, #tpu.memory_space<hbm>>
        %dma_wait3A_243 = arith.constant 0 : i32
        %dma_wait3A_244 = tpu.memref_slice %arg2[%add3A, %add3A_224, %dma_wait3A_243] : memref<32x128x80xi32, #tpu.memory_space<hbm>> -> memref<1x1x80xi32, #tpu.memory_space<hbm>>
        %dma_wait3A_245 = tpu.memref_squeeze %dma_wait3A_244 : memref<1x1x80xi32, #tpu.memory_space<hbm>> -> memref<80xi32, #tpu.memory_space<hbm>>
        tpu.wait_dma2 semaphore(%arg21 : memref<!tpu.dma_semaphore, #tpu.memory_space<semaphore_mem>>) src(%dma_wait3A_245 : memref<80xi32, #tpu.memory_space<hbm>>) dst(%arg8 : memref<80xi32, #tpu.memory_space<vmem>>)
        %dma_start3A_246 = arith.constant 0 : i32
        %dma_start3A_247 = arith.constant 0 : i32
        %dma_start3A_248 = tpu.memref_slice %arg5[%dma_start3A_246, %dma_start3A_247] : memref<10000x128xf32, #tpu.memory_space<hbm>> -> memref<10000x128xf32, #tpu.memory_space<hbm>>
        tpu.enqueue_indirect_dma source(%dma_start3A_248 : memref<10000x128xf32, #tpu.memory_space<hbm>>) target(%arg16 : memref<80x128xf32, #tpu.memory_space<vmem>>) offsets(%arg8 : memref<80xi32, #tpu.memory_space<vmem>>) semaphore(%arg29 : memref<!tpu.dma_semaphore, #tpu.memory_space<semaphore_mem>>)
        %mul3A_249 = arith.constant 4 : i32
        %mul3A_250 = arith.muli %scan3A_122, %mul3A_249 : i32
        %add3A_251 = arith.constant 2 : i32
        %add3A_252 = arith.addi %mul3A_250, %add3A_251 : i32
        %add3A_253 = arith.constant 4 : i32
        %add3A_254 = arith.addi %add3A_252, %add3A_253 : i32
        %dma_start3A_255 = arith.constant 0 : i32
        %dma_start3A_256 = tpu.memref_slice %arg2[%add3A, %add3A_254, %dma_start3A_255] : memref<32x128x80xi32, #tpu.memory_space<hbm>> -> memref<1x1x80xi32, #tpu.memory_space<hbm>>
        %dma_start3A_257 = tpu.memref_squeeze %dma_start3A_256 : memref<1x1x80xi32, #tpu.memory_space<hbm>> -> memref<80xi32, #tpu.memory_space<hbm>>
        %dma_start3A_258 = arith.constant 0 : i32
        %dma_start3A_259 = tpu.memref_slice %arg2[%add3A, %add3A_254, %dma_start3A_258] : memref<32x128x80xi32, #tpu.memory_space<hbm>> -> memref<1x1x80xi32, #tpu.memory_space<hbm>>
        %dma_start3A_260 = tpu.memref_squeeze %dma_start3A_259 : memref<1x1x80xi32, #tpu.memory_space<hbm>> -> memref<80xi32, #tpu.memory_space<hbm>>
        tpu.enqueue_dma source(%dma_start3A_260 : memref<80xi32, #tpu.memory_space<hbm>>) target(%arg9 : memref<80xi32, #tpu.memory_space<vmem>>) target_semaphore(%arg22 : memref<!tpu.dma_semaphore, #tpu.memory_space<semaphore_mem>>)
        %dma_wait3A_261 = arith.constant 0 : i32
        %dma_wait3A_262 = arith.constant 0 : i32
        %dma_wait3A_263 = tpu.memref_slice %arg19[%dma_wait3A_261, %dma_wait3A_262] : memref<10240x128xf32, #tpu.memory_space<vmem_shared>> -> memref<10240x128xf32, #tpu.memory_space<vmem_shared>>
        tpu.wait_indirect_dma semaphore(%arg34 : memref<!tpu.dma_semaphore, #tpu.memory_space<semaphore_mem>>) src(%arg17 : memref<80x128xf32, #tpu.memory_space<vmem>>) dst(%dma_wait3A_263 : memref<10240x128xf32, #tpu.memory_space<vmem_shared>>)
        %dma_start3A_264 = arith.constant 0 : i32
        %dma_start3A_265 = tpu.memref_slice %arg3[%add3A, %add3A_254, %dma_start3A_264] : memref<32x128x80xi32, #tpu.memory_space<hbm>> -> memref<1x1x80xi32, #tpu.memory_space<hbm>>
        %dma_start3A_266 = tpu.memref_squeeze %dma_start3A_265 : memref<1x1x80xi32, #tpu.memory_space<hbm>> -> memref<80xi32, #tpu.memory_space<hbm>>
        %dma_start3A_267 = arith.constant 0 : i32
        %dma_start3A_268 = tpu.memref_slice %arg3[%add3A, %add3A_254, %dma_start3A_267] : memref<32x128x80xi32, #tpu.memory_space<hbm>> -> memref<1x1x80xi32, #tpu.memory_space<hbm>>
        %dma_start3A_269 = tpu.memref_squeeze %dma_start3A_268 : memref<1x1x80xi32, #tpu.memory_space<hbm>> -> memref<80xi32, #tpu.memory_space<hbm>>
        tpu.enqueue_dma source(%dma_start3A_269 : memref<80xi32, #tpu.memory_space<hbm>>) target(%arg13 : memref<80xi32, #tpu.memory_space<vmem>>) target_semaphore(%arg26 : memref<!tpu.dma_semaphore, #tpu.memory_space<semaphore_mem>>)
        %dma_wait3A_270 = arith.constant 0 : i32
        %dma_wait3A_271 = tpu.memref_slice %arg2[%add3A, %add3A_254, %dma_wait3A_270] : memref<32x128x80xi32, #tpu.memory_space<hbm>> -> memref<1x1x80xi32, #tpu.memory_space<hbm>>
        %dma_wait3A_272 = tpu.memref_squeeze %dma_wait3A_271 : memref<1x1x80xi32, #tpu.memory_space<hbm>> -> memref<80xi32, #tpu.memory_space<hbm>>
        %dma_wait3A_273 = arith.constant 0 : i32
        %dma_wait3A_274 = tpu.memref_slice %arg2[%add3A, %add3A_254, %dma_wait3A_273] : memref<32x128x80xi32, #tpu.memory_space<hbm>> -> memref<1x1x80xi32, #tpu.memory_space<hbm>>
        %dma_wait3A_275 = tpu.memref_squeeze %dma_wait3A_274 : memref<1x1x80xi32, #tpu.memory_space<hbm>> -> memref<80xi32, #tpu.memory_space<hbm>>
        tpu.wait_dma2 semaphore(%arg22 : memref<!tpu.dma_semaphore, #tpu.memory_space<semaphore_mem>>) src(%dma_wait3A_275 : memref<80xi32, #tpu.memory_space<hbm>>) dst(%arg9 : memref<80xi32, #tpu.memory_space<vmem>>)
        %dma_start3A_276 = arith.constant 0 : i32
        %dma_start3A_277 = arith.constant 0 : i32
        %dma_start3A_278 = tpu.memref_slice %arg5[%dma_start3A_276, %dma_start3A_277] : memref<10000x128xf32, #tpu.memory_space<hbm>> -> memref<10000x128xf32, #tpu.memory_space<hbm>>
        tpu.enqueue_indirect_dma source(%dma_start3A_278 : memref<10000x128xf32, #tpu.memory_space<hbm>>) target(%arg17 : memref<80x128xf32, #tpu.memory_space<vmem>>) offsets(%arg9 : memref<80xi32, #tpu.memory_space<vmem>>) semaphore(%arg30 : memref<!tpu.dma_semaphore, #tpu.memory_space<semaphore_mem>>)
        %mul3A_279 = arith.constant 4 : i32
        %mul3A_280 = arith.muli %scan3A_122, %mul3A_279 : i32
        %add3A_281 = arith.constant 3 : i32
        %add3A_282 = arith.addi %mul3A_280, %add3A_281 : i32
        %add3A_283 = arith.constant 4 : i32
        %add3A_284 = arith.addi %add3A_282, %add3A_283 : i32
        %dma_start3A_285 = arith.constant 0 : i32
        %dma_start3A_286 = tpu.memref_slice %arg2[%add3A, %add3A_284, %dma_start3A_285] : memref<32x128x80xi32, #tpu.memory_space<hbm>> -> memref<1x1x80xi32, #tpu.memory_space<hbm>>
        %dma_start3A_287 = tpu.memref_squeeze %dma_start3A_286 : memref<1x1x80xi32, #tpu.memory_space<hbm>> -> memref<80xi32, #tpu.memory_space<hbm>>
        %dma_start3A_288 = arith.constant 0 : i32
        %dma_start3A_289 = tpu.memref_slice %arg2[%add3A, %add3A_284, %dma_start3A_288] : memref<32x128x80xi32, #tpu.memory_space<hbm>> -> memref<1x1x80xi32, #tpu.memory_space<hbm>>
        %dma_start3A_290 = tpu.memref_squeeze %dma_start3A_289 : memref<1x1x80xi32, #tpu.memory_space<hbm>> -> memref<80xi32, #tpu.memory_space<hbm>>
        tpu.enqueue_dma source(%dma_start3A_290 : memref<80xi32, #tpu.memory_space<hbm>>) target(%arg10 : memref<80xi32, #tpu.memory_space<vmem>>) target_semaphore(%arg23 : memref<!tpu.dma_semaphore, #tpu.memory_space<semaphore_mem>>)
        %dma_wait3A_291 = arith.constant 0 : i32
        %dma_wait3A_292 = arith.constant 0 : i32
        %dma_wait3A_293 = tpu.memref_slice %arg19[%dma_wait3A_291, %dma_wait3A_292] : memref<10240x128xf32, #tpu.memory_space<vmem_shared>> -> memref<10240x128xf32, #tpu.memory_space<vmem_shared>>
        tpu.wait_indirect_dma semaphore(%arg35 : memref<!tpu.dma_semaphore, #tpu.memory_space<semaphore_mem>>) src(%arg18 : memref<80x128xf32, #tpu.memory_space<vmem>>) dst(%dma_wait3A_293 : memref<10240x128xf32, #tpu.memory_space<vmem_shared>>)
        %dma_start3A_294 = arith.constant 0 : i32
        %dma_start3A_295 = tpu.memref_slice %arg3[%add3A, %add3A_284, %dma_start3A_294] : memref<32x128x80xi32, #tpu.memory_space<hbm>> -> memref<1x1x80xi32, #tpu.memory_space<hbm>>
        %dma_start3A_296 = tpu.memref_squeeze %dma_start3A_295 : memref<1x1x80xi32, #tpu.memory_space<hbm>> -> memref<80xi32, #tpu.memory_space<hbm>>
        %dma_start3A_297 = arith.constant 0 : i32
        %dma_start3A_298 = tpu.memref_slice %arg3[%add3A, %add3A_284, %dma_start3A_297] : memref<32x128x80xi32, #tpu.memory_space<hbm>> -> memref<1x1x80xi32, #tpu.memory_space<hbm>>
        %dma_start3A_299 = tpu.memref_squeeze %dma_start3A_298 : memref<1x1x80xi32, #tpu.memory_space<hbm>> -> memref<80xi32, #tpu.memory_space<hbm>>
        tpu.enqueue_dma source(%dma_start3A_299 : memref<80xi32, #tpu.memory_space<hbm>>) target(%arg14 : memref<80xi32, #tpu.memory_space<vmem>>) target_semaphore(%arg27 : memref<!tpu.dma_semaphore, #tpu.memory_space<semaphore_mem>>)
        %dma_wait3A_300 = arith.constant 0 : i32
        %dma_wait3A_301 = tpu.memref_slice %arg2[%add3A, %add3A_284, %dma_wait3A_300] : memref<32x128x80xi32, #tpu.memory_space<hbm>> -> memref<1x1x80xi32, #tpu.memory_space<hbm>>
        %dma_wait3A_302 = tpu.memref_squeeze %dma_wait3A_301 : memref<1x1x80xi32, #tpu.memory_space<hbm>> -> memref<80xi32, #tpu.memory_space<hbm>>
        %dma_wait3A_303 = arith.constant 0 : i32
        %dma_wait3A_304 = tpu.memref_slice %arg2[%add3A, %add3A_284, %dma_wait3A_303] : memref<32x128x80xi32, #tpu.memory_space<hbm>> -> memref<1x1x80xi32, #tpu.memory_space<hbm>>
        %dma_wait3A_305 = tpu.memref_squeeze %dma_wait3A_304 : memref<1x1x80xi32, #tpu.memory_space<hbm>> -> memref<80xi32, #tpu.memory_space<hbm>>
        tpu.wait_dma2 semaphore(%arg23 : memref<!tpu.dma_semaphore, #tpu.memory_space<semaphore_mem>>) src(%dma_wait3A_305 : memref<80xi32, #tpu.memory_space<hbm>>) dst(%arg10 : memref<80xi32, #tpu.memory_space<vmem>>)
        %dma_start3A_306 = arith.constant 0 : i32
        %dma_start3A_307 = arith.constant 0 : i32
        %dma_start3A_308 = tpu.memref_slice %arg5[%dma_start3A_306, %dma_start3A_307] : memref<10000x128xf32, #tpu.memory_space<hbm>> -> memref<10000x128xf32, #tpu.memory_space<hbm>>
        tpu.enqueue_indirect_dma source(%dma_start3A_308 : memref<10000x128xf32, #tpu.memory_space<hbm>>) target(%arg18 : memref<80x128xf32, #tpu.memory_space<vmem>>) offsets(%arg10 : memref<80xi32, #tpu.memory_space<vmem>>) semaphore(%arg31 : memref<!tpu.dma_semaphore, #tpu.memory_space<semaphore_mem>>)
      } else {
      }
    }
    %scan3A_101 = arith.constant 32 : i32
    %dma_wait3A_102 = arith.constant 0 : i32
    %dma_wait3A_103 = arith.constant 0 : i32
    %dma_wait3A_104 = tpu.memref_slice %arg19[%dma_wait3A_102, %dma_wait3A_103] : memref<10240x128xf32, #tpu.memory_space<vmem_shared>> -> memref<10240x128xf32, #tpu.memory_space<vmem_shared>>
    tpu.wait_indirect_dma semaphore(%arg32 : memref<!tpu.dma_semaphore, #tpu.memory_space<semaphore_mem>>) src(%arg15 : memref<80x128xf32, #tpu.memory_space<vmem>>) dst(%dma_wait3A_104 : memref<10240x128xf32, #tpu.memory_space<vmem_shared>>)
    %dma_wait3A_105 = arith.constant 0 : i32
    %dma_wait3A_106 = arith.constant 0 : i32
    %dma_wait3A_107 = tpu.memref_slice %arg19[%dma_wait3A_105, %dma_wait3A_106] : memref<10240x128xf32, #tpu.memory_space<vmem_shared>> -> memref<10240x128xf32, #tpu.memory_space<vmem_shared>>
    tpu.wait_indirect_dma semaphore(%arg33 : memref<!tpu.dma_semaphore, #tpu.memory_space<semaphore_mem>>) src(%arg16 : memref<80x128xf32, #tpu.memory_space<vmem>>) dst(%dma_wait3A_107 : memref<10240x128xf32, #tpu.memory_space<vmem_shared>>)
    %dma_wait3A_108 = arith.constant 0 : i32
    %dma_wait3A_109 = arith.constant 0 : i32
    %dma_wait3A_110 = tpu.memref_slice %arg19[%dma_wait3A_108, %dma_wait3A_109] : memref<10240x128xf32, #tpu.memory_space<vmem_shared>> -> memref<10240x128xf32, #tpu.memory_space<vmem_shared>>
    tpu.wait_indirect_dma semaphore(%arg34 : memref<!tpu.dma_semaphore, #tpu.memory_space<semaphore_mem>>) src(%arg17 : memref<80x128xf32, #tpu.memory_space<vmem>>) dst(%dma_wait3A_110 : memref<10240x128xf32, #tpu.memory_space<vmem_shared>>)
    %dma_wait3A_111 = arith.constant 0 : i32
    %dma_wait3A_112 = arith.constant 0 : i32
    %dma_wait3A_113 = tpu.memref_slice %arg19[%dma_wait3A_111, %dma_wait3A_112] : memref<10240x128xf32, #tpu.memory_space<vmem_shared>> -> memref<10240x128xf32, #tpu.memory_space<vmem_shared>>
    tpu.wait_indirect_dma semaphore(%arg35 : memref<!tpu.dma_semaphore, #tpu.memory_space<semaphore_mem>>) src(%arg18 : memref<80x128xf32, #tpu.memory_space<vmem>>) dst(%dma_wait3A_113 : memref<10240x128xf32, #tpu.memory_space<vmem_shared>>)
    %barrier3A_114 = arith.constant 0 : index
    tpu.barrier barrier_id(%barrier3A_114)
    %mul3A_115 = arith.constant 640 : i32
    %mul3A_116 = arith.muli %arg1, %mul3A_115 : i32
    %mul3A_117 = arith.constant 10240 : i32
    %mul3A_118 = arith.muli %arg0, %mul3A_117 : i32
    %mul3A_119 = arith.constant 640 : i32
    %mul3A_120 = arith.muli %arg1, %mul3A_119 : i32
    %add3A_121 = arith.addi %mul3A_118, %mul3A_120 : i32
    "tpu.region"() ({
      %run_scoped3A = tpu.sem_alloc : memref<!tpu.dma_semaphore, #tpu.memory_space<semaphore_mem>>
      %dma_start3A_122 = arith.constant 0 : i32
      %dma_start3A_123 = tpu.memref_slice %arg6[%add3A_121, %dma_start3A_122] : memref<20480x128xf32, #tpu.memory_space<hbm>> -> memref<640x128xf32, #tpu.memory_space<hbm>>
      %dma_start3A_124 = arith.constant 0 : i32
      %dma_start3A_125 = tpu.memref_slice %arg19[%mul3A_116, %dma_start3A_124] : memref<10240x128xf32, #tpu.memory_space<vmem_shared>> -> memref<640x128xf32, #tpu.memory_space<vmem_shared>>
      tpu.enqueue_dma source(%dma_start3A_125 : memref<640x128xf32, #tpu.memory_space<vmem_shared>>) target(%dma_start3A_123 : memref<640x128xf32, #tpu.memory_space<hbm>>) target_semaphore(%run_scoped3A : memref<!tpu.dma_semaphore, #tpu.memory_space<semaphore_mem>>)
      %dma_wait3A_126 = arith.constant 0 : i32
      %dma_wait3A_127 = tpu.memref_slice %arg6[%add3A_121, %dma_wait3A_126] : memref<20480x128xf32, #tpu.memory_space<hbm>> -> memref<640x128xf32, #tpu.memory_space<hbm>>
      %dma_wait3A_128 = arith.constant 0 : i32
      %dma_wait3A_129 = tpu.memref_slice %arg19[%mul3A_116, %dma_wait3A_128] : memref<10240x128xf32, #tpu.memory_space<vmem_shared>> -> memref<640x128xf32, #tpu.memory_space<vmem_shared>>
      tpu.wait_dma2 semaphore(%run_scoped3A : memref<!tpu.dma_semaphore, #tpu.memory_space<semaphore_mem>>) src(%dma_wait3A_129 : memref<640x128xf32, #tpu.memory_space<vmem_shared>>) dst(%dma_wait3A_127 : memref<640x128xf32, #tpu.memory_space<hbm>>)
      tpu.yield
    }) : () -> ()
    return
  }
}

module attributes {stable_mosaic.version = 14 : i64} {
  func.func @_layer_body(%arg0: i32, %arg1: memref<400x128xf32, #tpu.memory_space<vmem>>, %arg2: memref<1x400x128xf32, #tpu.memory_space<vmem>>, %arg3: memref<1x400x128xf32, #tpu.memory_space<vmem>>, %arg4: memref<128x128xf32, #tpu.memory_space<vmem>>, %arg5: memref<128x128xf32, #tpu.memory_space<vmem>>, %arg6: memref<1x128xf32, #tpu.memory_space<vmem>>, %arg7: memref<1x128xf32, #tpu.memory_space<vmem>>, %arg8: memref<1x128xf32, #tpu.memory_space<vmem>>, %arg9: memref<1x128xf32, #tpu.memory_space<vmem>>, %arg10: memref<400x128xf32, #tpu.memory_space<vmem>>) attributes {dimension_semantics = [#tpu.dimension_semantics<arbitrary>], iteration_bounds = array<i64: 25>, scalar_prefetch = 0 : i64, scratch_operands = 0 : i64, tpu.core_type = #tpu.core_type<tc>, window_params = [{transform_indices = @transform_0, window_bounds = array<i64: 400, 128>}, {transform_indices = @transform_1, window_bounds = array<i64: 1, 400, 128>}, {transform_indices = @transform_2, window_bounds = array<i64: 1, 400, 128>}, {pipeline_mode = #tpu.pipeline_mode<synchronous>, transform_indices = @transform_3, window_bounds = array<i64: 128, 128>}, {pipeline_mode = #tpu.pipeline_mode<synchronous>, transform_indices = @transform_4, window_bounds = array<i64: 128, 128>}, {pipeline_mode = #tpu.pipeline_mode<synchronous>, transform_indices = @transform_5, window_bounds = array<i64: 1, 128>}, {pipeline_mode = #tpu.pipeline_mode<synchronous>, transform_indices = @transform_6, window_bounds = array<i64: 1, 128>}, {pipeline_mode = #tpu.pipeline_mode<synchronous>, transform_indices = @transform_7, window_bounds = array<i64: 1, 128>}, {pipeline_mode = #tpu.pipeline_mode<synchronous>, transform_indices = @transform_8, window_bounds = array<i64: 1, 128>}, {transform_indices = @transform_9, window_bounds = array<i64: 400, 128>}]} {
    %get3A = arith.constant 0 : index
    %get3A_0 = arith.constant 0 : index
    %get3A_1 = vector.load %arg1[%get3A, %get3A_0] : memref<400x128xf32, #tpu.memory_space<vmem>>, vector<400x128xf32>
    %get3A_2 = arith.constant 0 : index
    %get3A_3 = arith.constant 0 : index
    %get3A_4 = arith.constant 0 : index
    %get3A_5 = vector.load %arg2[%get3A_2, %get3A_3, %get3A_4] : memref<1x400x128xf32, #tpu.memory_space<vmem>>, vector<1x400x128xf32>
    %get3A_6 = vector.shape_cast %get3A_5 : vector<1x400x128xf32> to vector<400x128xf32>
    %add3A = arith.addf %get3A_1, %get3A_6 : vector<400x128xf32>
    %get3A_7 = arith.constant 0 : index
    %get3A_8 = arith.constant 0 : index
    %get3A_9 = arith.constant 0 : index
    %get3A_10 = vector.load %arg3[%get3A_7, %get3A_8, %get3A_9] : memref<1x400x128xf32, #tpu.memory_space<vmem>>, vector<1x400x128xf32>
    %get3A_11 = vector.shape_cast %get3A_10 : vector<1x400x128xf32> to vector<400x128xf32>
    %add3A_12 = arith.addf %add3A, %get3A_11 : vector<400x128xf32>
    %get3A_13 = arith.constant 0 : index
    %get3A_14 = arith.constant 0 : index
    %get3A_15 = vector.load %arg4[%get3A_13, %get3A_14] : memref<128x128xf32, #tpu.memory_space<vmem>>, vector<128x128xf32>
    %dot_general3A = arith.constant dense<0.000000e+00> : vector<400x128xf32>
    %dot_general3A_16 = tpu.matmul %add3A_12, %get3A_15, %dot_general3A {dimension_numbers = #tpu.dot_dimension_numbers<[1], [0], [0], [1], [0, 0, 1, 1], [], []>, transpose_lhs_hint = false} : vector<400x128xf32>, vector<128x128xf32>, vector<400x128xf32> -> vector<400x128xf32>
    %get3A_17 = arith.constant 0 : index
    %get3A_18 = arith.constant 0 : index
    %get3A_19 = vector.load %arg6[%get3A_17, %get3A_18] : memref<1x128xf32, #tpu.memory_space<vmem>>, vector<1x128xf32>
    %mul3A = vector.broadcast %get3A_19 : vector<1x128xf32> to vector<400x128xf32>
    %mul3A_20 = arith.mulf %dot_general3A_16, %mul3A : vector<400x128xf32>
    %get3A_21 = arith.constant 0 : index
    %get3A_22 = arith.constant 0 : index
    %get3A_23 = vector.load %arg7[%get3A_21, %get3A_22] : memref<1x128xf32, #tpu.memory_space<vmem>>, vector<1x128xf32>
    %add3A_24 = vector.broadcast %get3A_23 : vector<1x128xf32> to vector<400x128xf32>
    %add3A_25 = arith.addf %mul3A_20, %add3A_24 : vector<400x128xf32>
    %max3A = arith.constant 0.000000e+00 : f32
    %max3A_26 = vector.broadcast %max3A : f32 to vector<400x128xf32>
    %max3A_27 = arith.maximumf %add3A_25, %max3A_26 : vector<400x128xf32>
    %get3A_28 = arith.constant 0 : index
    %get3A_29 = arith.constant 0 : index
    %get3A_30 = vector.load %arg5[%get3A_28, %get3A_29] : memref<128x128xf32, #tpu.memory_space<vmem>>, vector<128x128xf32>
    %dot_general3A_31 = arith.constant dense<0.000000e+00> : vector<400x128xf32>
    %dot_general3A_32 = tpu.matmul %max3A_27, %get3A_30, %dot_general3A_31 {dimension_numbers = #tpu.dot_dimension_numbers<[1], [0], [0], [1], [0, 0, 1, 1], [], []>, transpose_lhs_hint = false} : vector<400x128xf32>, vector<128x128xf32>, vector<400x128xf32> -> vector<400x128xf32>
    %get3A_33 = arith.constant 0 : index
    %get3A_34 = arith.constant 0 : index
    %get3A_35 = vector.load %arg8[%get3A_33, %get3A_34] : memref<1x128xf32, #tpu.memory_space<vmem>>, vector<1x128xf32>
    %mul3A_36 = vector.broadcast %get3A_35 : vector<1x128xf32> to vector<400x128xf32>
    %mul3A_37 = arith.mulf %dot_general3A_32, %mul3A_36 : vector<400x128xf32>
    %get3A_38 = arith.constant 0 : index
    %get3A_39 = arith.constant 0 : index
    %get3A_40 = vector.load %arg9[%get3A_38, %get3A_39] : memref<1x128xf32, #tpu.memory_space<vmem>>, vector<1x128xf32>
    %add3A_41 = vector.broadcast %get3A_40 : vector<1x128xf32> to vector<400x128xf32>
    %add3A_42 = arith.addf %mul3A_37, %add3A_41 : vector<400x128xf32>
    %max3A_43 = arith.constant 0.000000e+00 : f32
    %max3A_44 = vector.broadcast %max3A_43 : f32 to vector<400x128xf32>
    %max3A_45 = arith.maximumf %add3A_42, %max3A_44 : vector<400x128xf32>
    %swap3A = arith.constant 0 : index
    %swap3A_46 = arith.constant 0 : index
    %swap3A_47 = vector.load %arg10[%swap3A, %swap3A_46] : memref<400x128xf32, #tpu.memory_space<vmem>>, vector<400x128xf32>
    tpu.vector_store %arg10[%swap3A, %swap3A_46], %max3A_45 {strides = array<i32>} : memref<400x128xf32, #tpu.memory_space<vmem>>, vector<400x128xf32>,
    return
  }
  func.func @transform_0(%arg0: i32) -> (i32, i32) {
    %c0_i32 = arith.constant 0 : i32
    %c0_i32_0 = arith.constant 0 : i32
    return %arg0, %c0_i32 : i32, i32
  }
  func.func @transform_1(%arg0: i32) -> (i32, i32, i32) {
    %c0_i32 = arith.constant 0 : i32
    %c0_i32_0 = arith.constant 0 : i32
    %c0_i32_1 = arith.constant 0 : i32
    return %c0_i32, %arg0, %c0_i32_0 : i32, i32, i32
  }
  func.func @transform_2(%arg0: i32) -> (i32, i32, i32) {
    %c1_i32 = arith.constant 1 : i32
    %c0_i32 = arith.constant 0 : i32
    %c0_i32_0 = arith.constant 0 : i32
    return %c1_i32, %arg0, %c0_i32 : i32, i32, i32
  }
  func.func @transform_3(%arg0: i32) -> (i32, i32) {
    %c0_i32 = arith.constant 0 : i32
    %c0_i32_0 = arith.constant 0 : i32
    %c0_i32_1 = arith.constant 0 : i32
    return %c0_i32, %c0_i32_0 : i32, i32
  }
  func.func @transform_4(%arg0: i32) -> (i32, i32) {
    %c0_i32 = arith.constant 0 : i32
    %c0_i32_0 = arith.constant 0 : i32
    %c0_i32_1 = arith.constant 0 : i32
    return %c0_i32, %c0_i32_0 : i32, i32
  }
  func.func @transform_5(%arg0: i32) -> (i32, i32) {
    %c0_i32 = arith.constant 0 : i32
    %c0_i32_0 = arith.constant 0 : i32
    %c0_i32_1 = arith.constant 0 : i32
    return %c0_i32, %c0_i32_0 : i32, i32
  }
  func.func @transform_6(%arg0: i32) -> (i32, i32) {
    %c0_i32 = arith.constant 0 : i32
    %c0_i32_0 = arith.constant 0 : i32
    %c0_i32_1 = arith.constant 0 : i32
    return %c0_i32, %c0_i32_0 : i32, i32
  }
  func.func @transform_7(%arg0: i32) -> (i32, i32) {
    %c0_i32 = arith.constant 0 : i32
    %c0_i32_0 = arith.constant 0 : i32
    %c0_i32_1 = arith.constant 0 : i32
    return %c0_i32, %c0_i32_0 : i32, i32
  }
  func.func @transform_8(%arg0: i32) -> (i32, i32) {
    %c0_i32 = arith.constant 0 : i32
    %c0_i32_0 = arith.constant 0 : i32
    %c0_i32_1 = arith.constant 0 : i32
    return %c0_i32, %c0_i32_0 : i32, i32
  }
  func.func @transform_9(%arg0: i32) -> (i32, i32) {
    %c0_i32 = arith.constant 0 : i32
    %c0_i32_0 = arith.constant 0 : i32
    return %arg0, %c0_i32 : i32, i32
  }
}

module attributes {stable_mosaic.version = 14 : i64} {
  func.func @_pool_body(%arg0: i32, %arg1: memref<400x128xf32, #tpu.memory_space<vmem>>, %arg2: memref<400x128xf32, #tpu.memory_space<vmem>>, %arg3: memref<400x128xf32, #tpu.memory_space<vmem>>, %arg4: memref<400x128xf32, #tpu.memory_space<vmem>>, %arg5: memref<1x1x400xi32, #tpu.memory_space<vmem>>, %arg6: memref<4x128x128xf32, #tpu.memory_space<vmem>>, %arg7: memref<1x128xf32, #tpu.memory_space<vmem>>, %arg8: memref<128x128xf32, #tpu.memory_space<vmem>>, %arg9: memref<4x128x128xf32, #tpu.memory_space<vmem>>) attributes {dimension_semantics = [#tpu.dimension_semantics<arbitrary>], iteration_bounds = array<i64: 25>, scalar_prefetch = 0 : i64, scratch_operands = 1 : i64, tpu.core_type = #tpu.core_type<tc>, window_params = [{transform_indices = @transform_0, window_bounds = array<i64: 400, 128>}, {transform_indices = @transform_1, window_bounds = array<i64: 400, 128>}, {transform_indices = @transform_2, window_bounds = array<i64: 400, 128>}, {transform_indices = @transform_3, window_bounds = array<i64: 400, 128>}, {transform_indices = @transform_4, window_bounds = array<i64: 1, 1, 400>}, {pipeline_mode = #tpu.pipeline_mode<synchronous>, transform_indices = @transform_5, window_bounds = array<i64: 4, 128, 128>}, {pipeline_mode = #tpu.pipeline_mode<synchronous>, transform_indices = @transform_6, window_bounds = array<i64: 1, 128>}, {pipeline_mode = #tpu.pipeline_mode<synchronous>, transform_indices = @transform_7, window_bounds = array<i64: 128, 128>}]} {
    %eq3A = arith.constant 0 : i32
    %eq3A_0 = arith.cmpi eq, %arg0, %eq3A : i32
    %convert_element_type3A = arith.extui %eq3A_0 : i1 to i32
    %cond3A = arith.constant 0 : i32
    %cond3A_1 = arith.cmpi ne, %convert_element_type3A, %cond3A : i32
    scf.if %cond3A_1 {
      %broadcast_in_dim3A_80 = arith.constant 0.000000e+00 : f32
      %broadcast_in_dim3A_81 = vector.broadcast %broadcast_in_dim3A_80 : f32 to vector<4x128x128xf32>
      %swap3A_82 = arith.constant 0 : index
      %swap3A_83 = arith.constant 0 : index
      %swap3A_84 = arith.constant 0 : index
      %swap3A_85 = vector.load %arg9[%swap3A_82, %swap3A_83, %swap3A_84] : memref<4x128x128xf32, #tpu.memory_space<vmem>>, vector<4x128x128xf32>
      tpu.vector_store %arg9[%swap3A_82, %swap3A_83, %swap3A_84], %broadcast_in_dim3A_81 {strides = array<i32>} : memref<4x128x128xf32, #tpu.memory_space<vmem>>, vector<4x128x128xf32>,
    } else {
    }
    %get3A = arith.constant 0 : index
    %get3A_2 = arith.constant 0 : index
    %get3A_3 = arith.constant 0 : index
    %get3A_4 = vector.load %arg5[%get3A, %get3A_2, %get3A_3] : memref<1x1x400xi32, #tpu.memory_space<vmem>>, vector<1x1x400xi32>
    %get3A_5 = vector.shape_cast %get3A_4 : vector<1x1x400xi32> to vector<400xi32>
    %iota3A = tpu.iota {dimensions = array<i32: 0>} : vector<128x400xi32>
    %broadcast_in_dim3A = vector.shape_cast %get3A_5 : vector<400xi32> to vector<1x400xi32>
    %eq3A_6 = vector.broadcast %broadcast_in_dim3A : vector<1x400xi32> to vector<128x400xi32>
    %eq3A_7 = arith.cmpi eq, %iota3A, %eq3A_6 : vector<128x400xi32>
    %convert_element_type3A_8 = arith.extui %eq3A_7 : vector<128x400xi1> to vector<128x400xi32>
    %convert_element_type3A_9 = arith.sitofp %convert_element_type3A_8 : vector<128x400xi32> to vector<128x400xf32>
    %get3A_10 = arith.constant 0 : index
    %get3A_11 = arith.constant 0 : index
    %get3A_12 = arith.constant 0 : index
    %get3A_13 = vector.load %arg9[%get3A_10, %get3A_11, %get3A_12] : memref<4x128x128xf32, #tpu.memory_space<vmem>>, vector<1x128x128xf32>
    %get3A_14 = vector.shape_cast %get3A_13 : vector<1x128x128xf32> to vector<128x128xf32>
    %get3A_15 = arith.constant 0 : index
    %get3A_16 = arith.constant 0 : index
    %get3A_17 = vector.load %arg1[%get3A_15, %get3A_16] : memref<400x128xf32, #tpu.memory_space<vmem>>, vector<400x128xf32>
    %dot_general3A = arith.constant dense<0.000000e+00> : vector<128x128xf32>
    %dot_general3A_18 = tpu.matmul %convert_element_type3A_9, %get3A_17, %dot_general3A {dimension_numbers = #tpu.dot_dimension_numbers<[1], [0], [0], [1], [0, 0, 1, 1], [], []>, transpose_lhs_hint = false} : vector<128x400xf32>, vector<400x128xf32>, vector<128x128xf32> -> vector<128x128xf32>
    %add3A = arith.addf %get3A_14, %dot_general3A_18 : vector<128x128xf32>
    %swap3A = arith.constant 0 : index
    %swap3A_19 = arith.constant 0 : index
    %swap3A_20 = arith.constant 0 : index
    %swap3A_21 = vector.load %arg9[%swap3A, %swap3A_19, %swap3A_20] : memref<4x128x128xf32, #tpu.memory_space<vmem>>, vector<1x128x128xf32>
    %swap3A_22 = vector.shape_cast %swap3A_21 : vector<1x128x128xf32> to vector<128x128xf32>
    %swap3A_23 = vector.shape_cast %add3A : vector<128x128xf32> to vector<1x128x128xf32>
    tpu.vector_store %arg9[%swap3A, %swap3A_19, %swap3A_20], %swap3A_23 {strides = array<i32>} : memref<4x128x128xf32, #tpu.memory_space<vmem>>, vector<1x128x128xf32>,
    %get3A_24 = arith.constant 1 : index
    %get3A_25 = arith.constant 0 : index
    %get3A_26 = arith.constant 0 : index
    %get3A_27 = vector.load %arg9[%get3A_24, %get3A_25, %get3A_26] : memref<4x128x128xf32, #tpu.memory_space<vmem>>, vector<1x128x128xf32>
    %get3A_28 = vector.shape_cast %get3A_27 : vector<1x128x128xf32> to vector<128x128xf32>
    %get3A_29 = arith.constant 0 : index
    %get3A_30 = arith.constant 0 : index
    %get3A_31 = vector.load %arg2[%get3A_29, %get3A_30] : memref<400x128xf32, #tpu.memory_space<vmem>>, vector<400x128xf32>
    %dot_general3A_32 = arith.constant dense<0.000000e+00> : vector<128x128xf32>
    %dot_general3A_33 = tpu.matmul %convert_element_type3A_9, %get3A_31, %dot_general3A_32 {dimension_numbers = #tpu.dot_dimension_numbers<[1], [0], [0], [1], [0, 0, 1, 1], [], []>, transpose_lhs_hint = false} : vector<128x400xf32>, vector<400x128xf32>, vector<128x128xf32> -> vector<128x128xf32>
    %add3A_34 = arith.addf %get3A_28, %dot_general3A_33 : vector<128x128xf32>
    %swap3A_35 = arith.constant 1 : index
    %swap3A_36 = arith.constant 0 : index
    %swap3A_37 = arith.constant 0 : index
    %swap3A_38 = vector.load %arg9[%swap3A_35, %swap3A_36, %swap3A_37] : memref<4x128x128xf32, #tpu.memory_space<vmem>>, vector<1x128x128xf32>
    %swap3A_39 = vector.shape_cast %swap3A_38 : vector<1x128x128xf32> to vector<128x128xf32>
    %swap3A_40 = vector.shape_cast %add3A_34 : vector<128x128xf32> to vector<1x128x128xf32>
    tpu.vector_store %arg9[%swap3A_35, %swap3A_36, %swap3A_37], %swap3A_40 {strides = array<i32>} : memref<4x128x128xf32, #tpu.memory_space<vmem>>, vector<1x128x128xf32>,
    %get3A_41 = arith.constant 2 : index
    %get3A_42 = arith.constant 0 : index
    %get3A_43 = arith.constant 0 : index
    %get3A_44 = vector.load %arg9[%get3A_41, %get3A_42, %get3A_43] : memref<4x128x128xf32, #tpu.memory_space<vmem>>, vector<1x128x128xf32>
    %get3A_45 = vector.shape_cast %get3A_44 : vector<1x128x128xf32> to vector<128x128xf32>
    %get3A_46 = arith.constant 0 : index
    %get3A_47 = arith.constant 0 : index
    %get3A_48 = vector.load %arg3[%get3A_46, %get3A_47] : memref<400x128xf32, #tpu.memory_space<vmem>>, vector<400x128xf32>
    %dot_general3A_49 = arith.constant dense<0.000000e+00> : vector<128x128xf32>
    %dot_general3A_50 = tpu.matmul %convert_element_type3A_9, %get3A_48, %dot_general3A_49 {dimension_numbers = #tpu.dot_dimension_numbers<[1], [0], [0], [1], [0, 0, 1, 1], [], []>, transpose_lhs_hint = false} : vector<128x400xf32>, vector<400x128xf32>, vector<128x128xf32> -> vector<128x128xf32>
    %add3A_51 = arith.addf %get3A_45, %dot_general3A_50 : vector<128x128xf32>
    %swap3A_52 = arith.constant 2 : index
    %swap3A_53 = arith.constant 0 : index
    %swap3A_54 = arith.constant 0 : index
    %swap3A_55 = vector.load %arg9[%swap3A_52, %swap3A_53, %swap3A_54] : memref<4x128x128xf32, #tpu.memory_space<vmem>>, vector<1x128x128xf32>
    %swap3A_56 = vector.shape_cast %swap3A_55 : vector<1x128x128xf32> to vector<128x128xf32>
    %swap3A_57 = vector.shape_cast %add3A_51 : vector<128x128xf32> to vector<1x128x128xf32>
    tpu.vector_store %arg9[%swap3A_52, %swap3A_53, %swap3A_54], %swap3A_57 {strides = array<i32>} : memref<4x128x128xf32, #tpu.memory_space<vmem>>, vector<1x128x128xf32>,
    %get3A_58 = arith.constant 3 : index
    %get3A_59 = arith.constant 0 : index
    %get3A_60 = arith.constant 0 : index
    %get3A_61 = vector.load %arg9[%get3A_58, %get3A_59, %get3A_60] : memref<4x128x128xf32, #tpu.memory_space<vmem>>, vector<1x128x128xf32>
    %get3A_62 = vector.shape_cast %get3A_61 : vector<1x128x128xf32> to vector<128x128xf32>
    %get3A_63 = arith.constant 0 : index
    %get3A_64 = arith.constant 0 : index
    %get3A_65 = vector.load %arg4[%get3A_63, %get3A_64] : memref<400x128xf32, #tpu.memory_space<vmem>>, vector<400x128xf32>
    %dot_general3A_66 = arith.constant dense<0.000000e+00> : vector<128x128xf32>
    %dot_general3A_67 = tpu.matmul %convert_element_type3A_9, %get3A_65, %dot_general3A_66 {dimension_numbers = #tpu.dot_dimension_numbers<[1], [0], [0], [1], [0, 0, 1, 1], [], []>, transpose_lhs_hint = false} : vector<128x400xf32>, vector<400x128xf32>, vector<128x128xf32> -> vector<128x128xf32>
    %add3A_68 = arith.addf %get3A_62, %dot_general3A_67 : vector<128x128xf32>
    %swap3A_69 = arith.constant 3 : index
    %swap3A_70 = arith.constant 0 : index
    %swap3A_71 = arith.constant 0 : index
    %swap3A_72 = vector.load %arg9[%swap3A_69, %swap3A_70, %swap3A_71] : memref<4x128x128xf32, #tpu.memory_space<vmem>>, vector<1x128x128xf32>
    %swap3A_73 = vector.shape_cast %swap3A_72 : vector<1x128x128xf32> to vector<128x128xf32>
    %swap3A_74 = vector.shape_cast %add3A_68 : vector<128x128xf32> to vector<1x128x128xf32>
    tpu.vector_store %arg9[%swap3A_69, %swap3A_70, %swap3A_71], %swap3A_74 {strides = array<i32>} : memref<4x128x128xf32, #tpu.memory_space<vmem>>, vector<1x128x128xf32>,
    %eq3A_75 = arith.constant 24 : i32
    %eq3A_76 = arith.cmpi eq, %arg0, %eq3A_75 : i32
    %convert_element_type3A_77 = arith.extui %eq3A_76 : i1 to i32
    %cond3A_78 = arith.constant 0 : i32
    %cond3A_79 = arith.cmpi ne, %convert_element_type3A_77, %cond3A_78 : i32
    scf.if %cond3A_79 {
      %get3A_80 = arith.constant 0 : index
      %get3A_81 = arith.constant 0 : index
      %get3A_82 = vector.load %arg7[%get3A_80, %get3A_81] : memref<1x128xf32, #tpu.memory_space<vmem>>, vector<1x128xf32>
      %get3A_83 = arith.constant 0 : index
      %get3A_84 = arith.constant 0 : index
      %get3A_85 = arith.constant 0 : index
      %get3A_86 = vector.load %arg9[%get3A_83, %get3A_84, %get3A_85] : memref<4x128x128xf32, #tpu.memory_space<vmem>>, vector<1x128x128xf32>
      %get3A_87 = vector.shape_cast %get3A_86 : vector<1x128x128xf32> to vector<128x128xf32>
      %get3A_88 = arith.constant 0 : index
      %get3A_89 = arith.constant 0 : index
      %get3A_90 = arith.constant 0 : index
      %get3A_91 = vector.load %arg6[%get3A_88, %get3A_89, %get3A_90] : memref<4x128x128xf32, #tpu.memory_space<vmem>>, vector<1x128x128xf32>
      %get3A_92 = vector.shape_cast %get3A_91 : vector<1x128x128xf32> to vector<128x128xf32>
      %dot_general3A_93 = arith.constant dense<0.000000e+00> : vector<128x128xf32>
      %dot_general3A_94 = tpu.matmul %get3A_87, %get3A_92, %dot_general3A_93 {dimension_numbers = #tpu.dot_dimension_numbers<[1], [0], [0], [1], [0, 0, 1, 1], [], []>, transpose_lhs_hint = false} : vector<128x128xf32>, vector<128x128xf32>, vector<128x128xf32> -> vector<128x128xf32>
      %add3A_95 = vector.broadcast %get3A_82 : vector<1x128xf32> to vector<128x128xf32>
      %add3A_96 = arith.addf %add3A_95, %dot_general3A_94 : vector<128x128xf32>
      %get3A_97 = arith.constant 1 : index
      %get3A_98 = arith.constant 0 : index
      %get3A_99 = arith.constant 0 : index
      %get3A_100 = vector.load %arg9[%get3A_97, %get3A_98, %get3A_99] : memref<4x128x128xf32, #tpu.memory_space<vmem>>, vector<1x128x128xf32>
      %get3A_101 = vector.shape_cast %get3A_100 : vector<1x128x128xf32> to vector<128x128xf32>
      %get3A_102 = arith.constant 1 : index
      %get3A_103 = arith.constant 0 : index
      %get3A_104 = arith.constant 0 : index
      %get3A_105 = vector.load %arg6[%get3A_102, %get3A_103, %get3A_104] : memref<4x128x128xf32, #tpu.memory_space<vmem>>, vector<1x128x128xf32>
      %get3A_106 = vector.shape_cast %get3A_105 : vector<1x128x128xf32> to vector<128x128xf32>
      %dot_general3A_107 = arith.constant dense<0.000000e+00> : vector<128x128xf32>
      %dot_general3A_108 = tpu.matmul %get3A_101, %get3A_106, %dot_general3A_107 {dimension_numbers = #tpu.dot_dimension_numbers<[1], [0], [0], [1], [0, 0, 1, 1], [], []>, transpose_lhs_hint = false} : vector<128x128xf32>, vector<128x128xf32>, vector<128x128xf32> -> vector<128x128xf32>
      %add3A_109 = arith.addf %add3A_96, %dot_general3A_108 : vector<128x128xf32>
      %get3A_110 = arith.constant 2 : index
      %get3A_111 = arith.constant 0 : index
      %get3A_112 = arith.constant 0 : index
      %get3A_113 = vector.load %arg9[%get3A_110, %get3A_111, %get3A_112] : memref<4x128x128xf32, #tpu.memory_space<vmem>>, vector<1x128x128xf32>
      %get3A_114 = vector.shape_cast %get3A_113 : vector<1x128x128xf32> to vector<128x128xf32>
      %get3A_115 = arith.constant 2 : index
      %get3A_116 = arith.constant 0 : index
      %get3A_117 = arith.constant 0 : index
      %get3A_118 = vector.load %arg6[%get3A_115, %get3A_116, %get3A_117] : memref<4x128x128xf32, #tpu.memory_space<vmem>>, vector<1x128x128xf32>
      %get3A_119 = vector.shape_cast %get3A_118 : vector<1x128x128xf32> to vector<128x128xf32>
      %dot_general3A_120 = arith.constant dense<0.000000e+00> : vector<128x128xf32>
      %dot_general3A_121 = tpu.matmul %get3A_114, %get3A_119, %dot_general3A_120 {dimension_numbers = #tpu.dot_dimension_numbers<[1], [0], [0], [1], [0, 0, 1, 1], [], []>, transpose_lhs_hint = false} : vector<128x128xf32>, vector<128x128xf32>, vector<128x128xf32> -> vector<128x128xf32>
      %add3A_122 = arith.addf %add3A_109, %dot_general3A_121 : vector<128x128xf32>
      %get3A_123 = arith.constant 3 : index
      %get3A_124 = arith.constant 0 : index
      %get3A_125 = arith.constant 0 : index
      %get3A_126 = vector.load %arg9[%get3A_123, %get3A_124, %get3A_125] : memref<4x128x128xf32, #tpu.memory_space<vmem>>, vector<1x128x128xf32>
      %get3A_127 = vector.shape_cast %get3A_126 : vector<1x128x128xf32> to vector<128x128xf32>
      %get3A_128 = arith.constant 3 : index
      %get3A_129 = arith.constant 0 : index
      %get3A_130 = arith.constant 0 : index
      %get3A_131 = vector.load %arg6[%get3A_128, %get3A_129, %get3A_130] : memref<4x128x128xf32, #tpu.memory_space<vmem>>, vector<1x128x128xf32>
      %get3A_132 = vector.shape_cast %get3A_131 : vector<1x128x128xf32> to vector<128x128xf32>
      %dot_general3A_133 = arith.constant dense<0.000000e+00> : vector<128x128xf32>
      %dot_general3A_134 = tpu.matmul %get3A_127, %get3A_132, %dot_general3A_133 {dimension_numbers = #tpu.dot_dimension_numbers<[1], [0], [0], [1], [0, 0, 1, 1], [], []>, transpose_lhs_hint = false} : vector<128x128xf32>, vector<128x128xf32>, vector<128x128xf32> -> vector<128x128xf32>
      %add3A_135 = arith.addf %add3A_122, %dot_general3A_134 : vector<128x128xf32>
      %iota3A_136 = tpu.iota {dimensions = array<i32: 1>} : vector<128x128xi32>
      %lt3A = arith.constant 40 : i32
      %lt3A_137 = vector.broadcast %lt3A : i32 to vector<128x128xi32>
      %lt3A_138 = arith.cmpi slt, %iota3A_136, %lt3A_137 : vector<128x128xi32>
      %jit3A = arith.constant -1.000000e+30 : f32
      %broadcast_in_dim3A_139 = vector.broadcast %jit3A : f32 to vector<128x128xf32>
      %select_n3A = arith.select %lt3A_138, %add3A_135, %broadcast_in_dim3A_139 : vector<128x128xi1>, vector<128x128xf32>
      %reduce_max3A = arith.constant dense<0xFF800000> : vector<128xf32>
      %reduce_max3A_140 = vector.multi_reduction <maximumf>, %select_n3A, %reduce_max3A [1] : vector<128x128xf32> to vector<128xf32>
      %broadcast_in_dim3A_141 = vector.shape_cast %reduce_max3A_140 : vector<128xf32> to vector<128x1xf32>
      %sub3A = vector.broadcast %broadcast_in_dim3A_141 : vector<128x1xf32> to vector<128x128xf32>
      %sub3A_142 = arith.subf %select_n3A, %sub3A : vector<128x128xf32>
      %exp3A = math.exp %sub3A_142 : vector<128x128xf32>
      %jit3A_143 = arith.constant 0.000000e+00 : f32
      %broadcast_in_dim3A_144 = vector.broadcast %jit3A_143 : f32 to vector<128x128xf32>
      %select_n3A_145 = arith.select %lt3A_138, %exp3A, %broadcast_in_dim3A_144 : vector<128x128xi1>, vector<128x128xf32>
      %reduce_sum3A = arith.constant dense<0.000000e+00> : vector<128xf32>
      %reduce_sum3A_146 = vector.multi_reduction <add>, %select_n3A_145, %reduce_sum3A [1] : vector<128x128xf32> to vector<128xf32>
      %broadcast_in_dim3A_147 = vector.shape_cast %reduce_sum3A_146 : vector<128xf32> to vector<128x1xf32>
      %sub3A_148 = vector.broadcast %broadcast_in_dim3A_141 : vector<128x1xf32> to vector<128x128xf32>
      %sub3A_149 = arith.subf %select_n3A, %sub3A_148 : vector<128x128xf32>
      %log3A = math.log %broadcast_in_dim3A_147 : vector<128x1xf32>
      %sub3A_150 = vector.broadcast %log3A : vector<128x1xf32> to vector<128x128xf32>
      %sub3A_151 = arith.subf %sub3A_149, %sub3A_150 : vector<128x128xf32>
      %swap3A_152 = arith.constant 0 : index
      %swap3A_153 = arith.constant 0 : index
      %swap3A_154 = vector.load %arg8[%swap3A_152, %swap3A_153] : memref<128x128xf32, #tpu.memory_space<vmem>>, vector<128x128xf32>
      tpu.vector_store %arg8[%swap3A_152, %swap3A_153], %sub3A_151 {strides = array<i32>} : memref<128x128xf32, #tpu.memory_space<vmem>>, vector<128x128xf32>,
    } else {
    }
    return
  }
  func.func @transform_0(%arg0: i32) -> (i32, i32) {
    %c0_i32 = arith.constant 0 : i32
    %c0_i32_0 = arith.constant 0 : i32
    return %arg0, %c0_i32 : i32, i32
  }
  func.func @transform_1(%arg0: i32) -> (i32, i32) {
    %c0_i32 = arith.constant 0 : i32
    %c0_i32_0 = arith.constant 0 : i32
    return %arg0, %c0_i32 : i32, i32
  }
  func.func @transform_2(%arg0: i32) -> (i32, i32) {
    %c0_i32 = arith.constant 0 : i32
    %c0_i32_0 = arith.constant 0 : i32
    return %arg0, %c0_i32 : i32, i32
  }
  func.func @transform_3(%arg0: i32) -> (i32, i32) {
    %c0_i32 = arith.constant 0 : i32
    %c0_i32_0 = arith.constant 0 : i32
    return %arg0, %c0_i32 : i32, i32
  }
  func.func @transform_4(%arg0: i32) -> (i32, i32, i32) {
    %c0_i32 = arith.constant 0 : i32
    %c0_i32_0 = arith.constant 0 : i32
    %c0_i32_1 = arith.constant 0 : i32
    return %arg0, %c0_i32, %c0_i32_0 : i32, i32, i32
  }
  func.func @transform_5(%arg0: i32) -> (i32, i32, i32) {
    %c0_i32 = arith.constant 0 : i32
    %c0_i32_0 = arith.constant 0 : i32
    %c0_i32_1 = arith.constant 0 : i32
    %c0_i32_2 = arith.constant 0 : i32
    return %c0_i32, %c0_i32_0, %c0_i32_1 : i32, i32, i32
  }
  func.func @transform_6(%arg0: i32) -> (i32, i32) {
    %c0_i32 = arith.constant 0 : i32
    %c0_i32_0 = arith.constant 0 : i32
    %c0_i32_1 = arith.constant 0 : i32
    return %c0_i32, %c0_i32_0 : i32, i32
  }
  func.func @transform_7(%arg0: i32) -> (i32, i32) {
    %c0_i32 = arith.constant 0 : i32
    %c0_i32_0 = arith.constant 0 : i32
    %c0_i32_1 = arith.constant 0 : i32
    return %c0_i32, %c0_i32_0 : i32, i32
  }
}

</mosaic_0001>

<sc_bundles>
// kernel: kernel.12.cloned.1.call-start
scs
__scs_entry_jumppad:
0x0: {  	(pc) =	sbr.rel $0x88, $3  }
0x1: {  	(tag) =	ssettag $0x0;
	lr =	simm.s32 $0x1  }
0x2: {  	[smem:$0x3F94] =	sst lr;
	_ =	strace $0xD0000000  }
0x3: {  	_ = 	snop  }
0x4: {  	_ = 	snop  }
0x5: {  	_ = 	snop  }
0x6: {  	_ = 	snop  }
0x7: {  	_ = 	snop  }
__scs_overlays_trampoline_lowered:
0x8: {  	[smem:$0x3FA3] =	sst s0  }
0x9: {  	[smem:$0x3FA4] =	sst s1  }
0xa: {  	[smem:$0x3FA5] =	sst s2  }
0xb: {  	[smem:$0x3FA6] =	sst s3  }
0xc: {  	[smem:$0x3FA7] =	sst s4  }
0xd: {  	[smem:$0x3FA8] =	sst s5  }
0xe: {  	[smem:$0x3FA9] =	sst s6  }
0xf: {  	[smem:$0x3FAA] =	sst s7  }
0x10: {  	[smem:$0x3FAB] =	sst s8  }
0x11: {  	[smem:$0x3FAC] =	sst s9;
	s0 =	simm.s32 @!p0 $0x0  }
0x12: {  	s1 =	sld [smem:$0x3F92];
	s0 =	simm.s32 @p0 $0x1  }
0x13: {  	[smem:$0x3FAD] =	sst s0;
	s0 =	simm.s32 @!p1 $0x0  }
0x14: {  	s2 =	sld [smem:$0x3F91];
	s0 =	simm.s32 @p1 $0x1  }
0x15: {  	[smem:$0x3FAE] =	sst s0;
	s0 =	simm.s32 @!p2 $0x0  }
0x16: {  	s3 =	sld [smem:$0x3FDB];
	s0 =	simm.s32 @p2 $0x1  }
0x17: {  	s4 =	simm.s32 $0x1BF5;
	[smem:$0x3FB0] =	sst s0  }
0x18: {  	s0 =	sld [smem:$0x3F93];
	_ =	swait.ge [sflag:s4], $0x0  }
0x19: {  	s7 =	sld [smem:$0x3F94]  }
0x1a: {  	s8 =	sadd.s32 $0xFFFFE003, lr  }
0x1b: {  	s9 =	sadd.s32 $0xFFFFFEF7, lr;
	s5 =	simm.s32 $0xFFFFFFFF;
	p2 =	slt.u32 s8, $0xFFFFF086  }
0x1c: {  	p1 =	slt.u32 s9, $0xF7A;
	s5 =	simm.s32 @!p2 $0x0  }
0x1d: {  	s5 =	simm.s32 @p1 $0x1;
	p0 =	seq.s32 s7, s2  }
0x1e: {  	s7 =	smul.u32 @!p0 $0xF7A, s2;
	p2 =	seq.s32 @!p0 s5, $0x0  }
0x1f: {  	s9 =	smul.u32 $0xF7A, s1;
	s8 =	simm.s32 @!p0 $0x1BF5;
	p2 =	por !p2, p0  }
0x20: {  	[sflag:s8] =	ssyncset.s32 @!p0 $0xFFFFF086;
	s6 =	sadd.s32 @!p0 s3, s7;
	s7 =	simm.s32 @!p0 $0x108  }
0x21: {  	s3 =	sadd.s32 s3, s9;
	s6 =	sadd.s32 @!p0 $0x88, s6;
	s7 =	simm.s32 @p2 $0x1082  }
0x22: {  	[simem:s7], [sflag:s8] =	dma.local @!p0 [hbm:s6], $0xF7A  }
0x23: {  	s9 =	sor.u32 $0xD0000000, s2;
	s6 =	simm.s32 $0x108;
	_ =	swait.ge @!p0 [sflag:s8], $0x0  }
0x24: {  	s3 =	sadd.s32 $0x88, s3;
	s6 =	simm.s32 @!p1 $0x1082;
	[sflag:s4] =	ssyncset.s32 $0xFFFFF086  }
0x25: {  	[simem:s6], [sflag:s4] =	dma.local [hbm:s3], $0xF7A  }
0x26: {  	[smem:$0x3F94] =	sst s1;
	(tag) =	ssettag s2;
	_ =	strace s9  }
0x27: {  	s1 =	sld [smem:$0x3FA4]  }
0x28: {  	s2 =	sld [smem:$0x3FA5]  }
0x29: {  	s4 =	sld [smem:$0x3FA7]  }
0x2a: {  	p0 =	seq.s32 s5, $0x0;
	s5 =	sld [smem:$0x3FA8]  }
0x2b: {  	s6 =	sld [smem:$0x3FA9]  }
0x2c: {  	s7 =	sld [smem:$0x3FAA]  }
0x2d: {  	s3 =	simm.s32 $0x108;
	s8 =	sld [smem:$0x3FAB]  }
0x2e: {  	s3 =	simm.s32 @!p0 $0x1082;
	s9 =	sld [smem:$0x3FAC]  }
0x2f: {  	lr =	sadd.s32 s0, s3;
	s0 =	sld [smem:$0x3FA3]  }
0x30: {  	s3 =	sld [smem:$0x3FA6]  }
0x31: {  	[smem:$0x3FAF] =	sst s10  }
0x32: {  	s10 =	sld [smem:$0x3FAD];
	_ =	sdelay $0x3  }
0x33: {  	p0 =	seq.s32 s10, $0x1;
	s10 =	sld [smem:$0x3FAF];
	_ =	sdelay $0x3  }
0x34: {  	[smem:$0x3FAF] =	sst s10  }
0x35: {  	s10 =	sld [smem:$0x3FAE];
	_ =	sdelay $0x3  }
0x36: {  	p1 =	seq.s32 s10, $0x1;
	s10 =	sld [smem:$0x3FAF];
	_ =	sdelay $0x3  }
0x37: {  	[smem:$0x3FAF] =	sst s10  }
0x38: {  	s10 =	sld [smem:$0x3FB0]  }
0x39: {  	_ = 	snop;
	(pc) =	sbr.ind lr, $3  }
0x3a: {  	_ = 	snop  }
0x3b: {  	_ = 	snop  }
0x3c: {  	p2 =	seq.s32 s10, $0x1;
	s10 =	sld [smem:$0x3FAF]  }
0x3d: {  	_ =	shalt  }
0x3e: {  	_ =	shalt  }
0x3f: {  	_ =	shalt  }
0x40: {  	_ =	shalt  }
0x41: {  	_ =	shalt  }
0x42: {  	_ =	shalt  }
0x43: {  	_ =	shalt  }
0x44: {  	_ =	shalt  }
0x45: {  	_ =	shalt  }
0x46: {  	_ =	shalt  }
0x47: {  	_ =	shalt  }
0x48: {  	_ =	shalt  }
0x49: {  	_ =	shalt  }
0x4a: {  	_ =	shalt  }
0x4b: {  	_ =	shalt  }
0x4c: {  	_ =	shalt  }
0x4d: {  	_ =	shalt  }
0x4e: {  	_ =	shalt  }
0x4f: {  	_ =	shalt  }
0x50: {  	_ =	shalt  }
0x51: {  	_ =	shalt  }
0x52: {  	_ =	shalt  }
0x53: {  	_ =	shalt  }
0x54: {  	_ =	shalt  }
0x55: {  	_ =	shalt  }
0x56: {  	_ =	shalt  }
0x57: {  	_ =	shalt  }
0x58: {  	_ =	shalt  }
0x59: {  	_ =	shalt  }
0x5a: {  	_ =	shalt  }
0x5b: {  	_ =	shalt  }
0x5c: {  	_ =	shalt  }
0x5d: {  	_ =	shalt  }
0x5e: {  	_ =	shalt  }
0x5f: {  	_ =	shalt  }
0x60: {  	_ =	shalt  }
0x61: {  	_ =	shalt  }
0x62: {  	_ =	shalt  }
0x63: {  	_ =	shalt  }
0x64: {  	_ =	shalt  }
0x65: {  	_ =	shalt  }
0x66: {  	_ =	shalt  }
0x67: {  	_ =	shalt  }
0x68: {  	_ =	shalt  }
0x69: {  	_ =	shalt  }
0x6a: {  	_ =	shalt  }
0x6b: {  	_ =	shalt  }
0x6c: {  	_ =	shalt  }
0x6d: {  	_ =	shalt  }
0x6e: {  	_ =	shalt  }
0x6f: {  	_ =	shalt  }
0x70: {  	_ =	shalt  }
0x71: {  	_ =	shalt  }
0x72: {  	_ =	shalt  }
0x73: {  	_ =	shalt  }
0x74: {  	_ =	shalt  }
0x75: {  	_ =	shalt  }
0x76: {  	_ =	shalt  }
0x77: {  	_ =	shalt  }
0x78: {  	_ =	shalt  }
0x79: {  	_ =	shalt  }
0x7a: {  	_ =	shalt  }
0x7b: {  	_ =	shalt  }
0x7c: {  	_ =	shalt  }
0x7d: {  	_ =	shalt  }
0x7e: {  	_ =	shalt  }
0x7f: {  	_ =	shalt  }
0x80: {  	_ =	shalt  }
0x81: {  	_ =	shalt  }
0x82: {  	_ =	shalt  }
0x83: {  	_ =	shalt  }
0x84: {  	_ =	shalt  }
0x85: {  	_ =	shalt  }
0x86: {  	_ =	shalt  }
0x87: {  	_ =	shalt  }
.Lfunc_end0:
.L_simem_size_0:
called_computation.1_lowered:
.L_overlay_start_0:
0x88: {  	s2 =	sld [smem:$0x3FD9]  }
0x89: {  	s3 =	sld [smem:$0x3FFE];
	_ =	sdelay $0x1  }
0x8a: {  	s1 =	srdreg.scid  }
0x8b: {  	s0 =	sand.u32 $0x1, s1  }
0x8c: {  	s16 =	sshll.u32 s0, $0xA;
	s2 =	sadd.s32 s3, s2  }
0x8d: {  	s2 =	sadd.s32 s2, s16  }
0x8e: {  	[smem:$0x3FBB] =	sst s2  }
0x8f: {  	_ = 	snop  }
0x90: {  	(tm) =	ssettm $0x1  }
0x91: {  	s17 =	sld [smem:$0x3FFB];
	_ =	sdelay $0x3  }
0x92: {  	_ =	strace s17  }
0x93: {  	s2 =	sld [smem:$0x3FFC];
	_ =	sdelay $0x3  }
0x94: {  	_ =	strace s2  }
0x95: {  	s2 =	sld [smem:$0x3FFD];
	_ =	sdelay $0x3  }
0x96: {  	_ =	strace s2  }
0x97: {  	_ =	strace $0x8FFFFFFF  }
0x98: {  	s18 =	sld [smem:$0x3FDB];
	_ =	sdelay $0x1  }
0x99: {  	s19 =	simm.s32 $_scs_section_size  }
0x9a: {  	s4 =	simm.s32 $_size__tile_overlayer_lowered;
	s5 =	simm.s32 $_tile_overlayer_lowered  }
0x9b: {  	s22 =	simm.s32 $0x1BFF;
	s21 =	sshll.u32 s5, $0x1;
	s2 =	sadd.s32 s19, s18  }
0x9c: {  	s6 =	simm.s32 $0x0;
	s20 =	sshll.u32 s4, $0x1;
	s4 =	sadd.s32 s21, s2  }
0x9d: {  	[timem:s6], [sflag:s22] =	dma.local [hbm:s4], s20  }
0x9e: {  	_ =	swait.ge [sflag:s22], s20  }
0x9f: {  	s3 =	ssub.s32 $0x0, s20;
	[sflag:s22] =	ssyncset.done $0x0  }
0xa0: {  	[sflag:s22] =	ssyncadd.s32 s3;
	_ =	sdelay $0x1  }
0xa1: {  	s23 =	simm.s32 $0x1B8B  }
0xa2: {  	_ =	swait.ge [sflag:s23], $0x1  }
0xa3: {  	[sflag:s23] =	ssyncset.done $0x0  }
0xa4: {  	s25 =	simm.s32 $0x1B8E;
	s24 =	sld [smem:$0x3FFE];
	[sflag:s23] =	ssyncadd.s32 $0xFFFFFFFF  }
0xa5: {  	s26 =	simm.s32 $execute0_lowered;
	[smem:$0x3FD2] =	sst s25  }
0xa6: {  	s4 =	sshll.u32 s26, $0x1;
	_ =	strace $0x80000049;
	[dreg:$0x1] =	wrdreg $0xFFFFFFFF  }
0xa7: {  	s28 =	simm.s32 $_size_execute0_lowered;
	s2 =	sadd.s32 s2, s4;
	[dreg:$0x0] =	wrdreg $0x0  }
0xa8: {  	s4 =	sshll.u32 s28, $0x1;
	[dreg:$0x2] =	wrdreg s2  }
0xa9: {  	[dreg:$0x3] =	wrdreg s4  }
0xaa: {  	[dreg:$0x4] =	wrdreg $0xC0  }
0xab: {  	_ =	task [dreg:s6], $0x5FFFF  }
0xac: {  	[dreg:$0x1] =	wrdreg $0xFFFFFFFF  }
0xad: {  	[dreg:$0x0] =	wrdreg $0x60  }
0xae: {  	[dreg:$0x2] =	wrdreg s24  }
0xaf: {  	[dreg:$0x3] =	wrdreg $0xA4000  }
0xb0: {  	[dreg:$0x4] =	wrdreg $0x9  }
0xb1: {  	_ =	task.clear_ibuf [dreg:s6], $0x5FFFF;
	_ =	strace $0x90000049  }
0xb2: {  	s29 =	simm.s32 $0x9;
	_ =	strace $0x8000004B  }
0xb3: {  	_ =	swait.ge [sflag:s29], $0x1  }
0xb4: {  	[sflag:s29] =	ssyncadd.s32 $0xFFFFFFFF  }
0xb5: {  	_ =	strace $0x9000004B  }
0xb6: {  	_ =	sfence  }
0xb7: {  	s30 =	sld [smem:$0x0];
	_ =	sdelay $0x2  }
0xb8: {  	s31 =	sshll.u32 s1, $0xD;
	s1 =	sshrl.u32 s1, $0x2  }
0xb9: {  	s3 =	sand.u32 $0x4000, s31;
	s1 =	sadd.s32 s1, s30  }
0xba: {  	s0 =	sor.u32 s3, s0;
	s1 =	sshll.u32 s1, $0x11  }
0xbb: {  	s0 =	sor.u32 s1, s0  }
0xbc: {  	s0 =	sadd.s32 $0x8F2B, s0  }
0xbd: {  	[sflag:s0] =	ssyncadd.remote.s32 $0x1  }
0xbe: {  	_ =	sfence.sel $0xFFFF  }
0xbf: {  	[dreg:$0x0] =	wrdreg $0xFFFFFFFF;
	(pc) =	sbr.abs _section_cstart, $3  }
0xc0: {  	[dreg:$0x1] =	wrdreg $0xFFFFFFFF  }
0xc1: {  	_ =	task.clear_ibuf [dreg:s6], $0x2FFFF;
	_ =	strace $0x9FFFFFFF  }
0xc2: {  	(tm) =	ssettm $0x7FFFFFFF  }
0xc3: {  	_ =	shalt  }
tec
execute0_lowered:
.L_overlay_start_1:
0x0: {  	(tag) =	ssettag $0x1  }
0x1: {  	s0 =	rddreg [dreg:$0x0]  }
0x2: {  	s1 =	rddreg [dreg:$0x1]  }
0x3: {  	s2 =	simm.s32 $0x0;
	s3 =	srdreg.scid;
	s11 =	stileid.u32  }
0x4: {  	s29 =	simm.s32 $0x280;
	s28 =	simm.s32 $0x50;
	s30 =	simm.s32 $0x2  }
0x5: {  	s12 =	simm.s32 $0x5;
	s13 =	simm.s32 $0xA;
	s14 =	simm.s32 $0x6  }
0x6: {  	s15 =	simm.s32 $0xB;
	[smem:$0x7FF] =	sst s2;
	s4 =	sadd.s32 $0x2800, s0  }
0x7: {  	s5 =	sadd.s32 $0x12800, s0;
	s6 =	sadd.s32 $0x22800, s0;
	s3 =	sand.u32 $0x1, s3  }
0x8: {  	s16 =	smul.u32 $0x2800, s11;
	s10 =	sshll.u32 s11, $0xE;
	s7 =	sadd.s32 $0x25000, s0  }
0x9: {  	s23 =	smul.u32 $0x50000, s11;
	s11 =	simm.s32 $0x9;
	_ =	strace $0x8000004A  }
0xa: {  	s9 =	smul.u32 $0x28000, s3;
	s8 =	sshll.u32 s3, $0x12;
	s3 =	ssub.s32 $0x2, s3  }
0xb: {  	[dreg:$0x3] =	wrdreg s6;
	s8 =	sor.u32 s10, s8;
	s17 =	sshrl.u32 s3, $0x1  }
0xc: {  	s26 =	sshrl.u32 s23, $0x2;
	s6 =	sadd.s32 s16, s9;
	s10 =	sshrl.u32 s8, $0x3  }
0xd: {  	s3 =	ssub.s32 s3, s17;
	s16 =	simm.s32 $0x7;
	s17 =	simm.s32 $0xC  }
0xe: {  	s9 =	simm.s32 $0x0;
	s0 =	sadd.s32 s6, s0;
	s19 =	sadd.s32 s4, s10  }
0xf: {  	s18 =	sor.u32 $0x10, s10;
	s20 =	sadd.s32 s5, s10;
	[dreg:$0x4] =	wrdreg s19  }
0x10: {  	s22 =	sor.u32 $0x20, s10;
	s31 =	smax.u32 s3, $0x1;
	[dreg:$0x5] =	wrdreg s20  }
0x11: {  	s25 =	sor.u32 $0x30, s10;
	s21 =	sadd.s32 s4, s18;
	[dreg:$0xe] =	wrdreg s31  }
0x12: {  	s6 =	sadd.s32 s5, s18;
	s24 =	sadd.s32 s4, s22;
	[dreg:$0x6] =	wrdreg s21  }
0x13: {  	s10 =	sadd.s32 s4, s25;
	s0 =	sadd.s32 $0x4C200, s0;
	[dreg:$0x7] =	wrdreg s6  }
0x14: {  	s18 =	simm.s32 $0x8;
	s20 =	simm.s32 $0xE;
	[dreg:$0x8] =	wrdreg s24  }
.Ltmp0:
0x15: {  	s6 =	sadd.s32 s5, s22;
	[dreg:$0xa] =	wrdreg s10;
	(pc) =	sbr.rel .LBB2_1-.Ltmp0, $4  }
0x16: {  	[dreg:$0xd] =	wrdreg s0;
	s24 =	simm.s32 $0x200;
	s0 =	simm.s32 $0x3  }
0x17: {  	s10 =	simm.s32 $0xD;
	[dreg:$0x9] =	wrdreg s6;
	s6 =	sadd.s32 s5, s25  }
0x18: {  	s21 =	simm.s32 $0xF;
	[dreg:$0xb] =	wrdreg s6;
	s6 =	sadd.s32 s26, s1  }
0x19: {  	s22 =	simm.s32 $0x10;
	[dreg:$0xc] =	wrdreg s6;
	s6 =	simm.s32 $0x4  }
.LBB2_4:
0x1a: {  	_ =	swait.ge [sflag:s10], $0x2800  }
0x1b: {  	[sflag:s10] =	ssyncset.done $0x0  }
0x1c: {  	[sflag:s10] =	ssyncadd.s32 $0xFFFFD800  }
0x1d: {  	_ =	swait.ge [sflag:s20], $0x2800  }
0x1e: {  	[sflag:s20] =	ssyncset.done $0x0  }
0x1f: {  	[sflag:s20] =	ssyncadd.s32 $0xFFFFD800  }
0x20: {  	_ =	swait.ge [sflag:s21], $0x2800  }
0x21: {  	[sflag:s21] =	ssyncset.done $0x0  }
0x22: {  	[sflag:s21] =	ssyncadd.s32 $0xFFFFD800  }
0x23: {  	_ =	swait.ge [sflag:s22], $0x2800  }
0x24: {  	[sflag:s22] =	ssyncset.done $0x0  }
0x25: {  	[sflag:s22] =	ssyncadd.s32 $0xFFFFD800  }
0x26: {  	[bflag:$0x0] =	sbarrier.arrive $0xFFFF  }
0x27: {  	s23 =	rddreg [dreg:$0xd]  }
0x28: {  	s3 =	rddreg [dreg:$0x10]  }
0x29: {  	s25 =	simm.s32 $0x11;
	s9 =	rddreg [dreg:$0x11]  }
0x2a: {  	[hbm:s23], [sflag:s3] =	dma.local [spmem:s9], $0x2800  }
0x2b: {  	_ =	swait.ge [sflag:s25], $0x2800  }
0x2c: {  	s26 =	rddreg [dreg:$0xf]  }
0x2d: {  	s31 =	rddreg [dreg:$0xe];
	s9 =	sadd.s32 $0x1, s26  }
0x2e: {  	p0 =	sne.s32 s9, s31  }
.Ltmp1:
0x2f: {  	_ = 	snop;
	(pc) =	sbr.rel @!p0 .LBB2_5-.Ltmp1, $3  }
0x30: {  	_ =	sdelay $0x1  }
0x31: {  	[sflag:s25] =	ssyncset.done $0x0  }
0x32: {  	[sflag:s25] =	ssyncadd.s32 $0xFFFFD800  }
.LBB2_1:
0x33: {  	[dreg:$0xf] =	wrdreg s9  }
0x34: {  	s23 =	rddreg [dreg:$0x4]  }
0x35: {  	[tilespmem:s2], [sflag:$0x1] =	stream.linear.gather [hbm4b:s23+s2], $0x80, $0x38;
	[tilespmem:$0x1E400] =	vst v63  }
0x36: {  	s25 =	rddreg [dreg:$0x5]  }
0x37: {  	[tilespmem:s24], [sflag:$0x5] =	stream.linear.gather [hbm4b:s25+s2], $0x80, $0x38;
	[tilespmem:$0x1E400] =	vst v63  }
0x38: {  	s26 =	rddreg [dreg:$0x6];
	s25 =	simm.s32 $0x80  }
0x39: {  	[tilespmem:s25], [sflag:$0x2] =	stream.linear.gather [hbm4b:s26+s2], $0x80, $0x38;
	[tilespmem:$0x1E400] =	vst v63  }
0x3a: {  	s31 =	rddreg [dreg:$0x7]  }
0x3b: {  	[tilespmem:s29], [sflag:$0x6] =	stream.linear.gather [hbm4b:s31+s2], $0x80, $0x38;
	[tilespmem:$0x1E400] =	vst v63  }
0x3c: {  	s3 =	rddreg [dreg:$0x8];
	s31 =	simm.s32 $0x100  }
0x3d: {  	[tilespmem:s31], [sflag:$0x3] =	stream.linear.gather [hbm4b:s3+s2], $0x80, $0x38;
	[tilespmem:$0x1E400] =	vst v63  }
0x3e: {  	s9 =	rddreg [dreg:$0x9];
	s3 =	simm.s32 $0x300  }
0x3f: {  	[tilespmem:s3], [sflag:$0x7] =	stream.linear.gather [hbm4b:s9+s2], $0x80, $0x38;
	[tilespmem:$0x1E400] =	vst v63  }
0x40: {  	s19 =	rddreg [dreg:$0xa];
	s26 =	simm.s32 $0x180  }
0x41: {  	[tilespmem:s26], [sflag:$0x4] =	stream.linear.gather [hbm4b:s19+s2], $0x80, $0x38;
	[tilespmem:$0x1E400] =	vst v63  }
0x42: {  	s3 =	rddreg [dreg:$0xb];
	s9 =	simm.s32 $0x380;
	s19 =	simm.s32 $0x1  }
0x43: {  	[tilespmem:s9], [sflag:$0x8] =	stream.linear.gather [hbm4b:s3+s2], $0x80, $0x38;
	[tilespmem:$0x1E400] =	vst v63  }
0x44: {  	_ =	swait.ge [sflag:s19], $0x80  }
0x45: {  	[sflag:s19] =	ssyncset.done $0x0  }
0x46: {  	s23 =	simm.s32 $0x400;
	[sflag:s19] =	ssyncadd.s32 $0xFFFFFF80  }
0x47: {  	[tilespmem:s23], [sflag:$0x9] =	stream.indirect.gather [hbm4b:s7+s28], $0x80, s2, s28, $0xb8;
	[tilespmem:$0x1E400] =	vst v63  }
0x48: {  	_ =	swait.ge [sflag:s30], $0x80  }
0x49: {  	[sflag:s30] =	ssyncset.done $0x0  }
0x4a: {  	s19 =	simm.s32 $0x2C00;
	[sflag:s30] =	ssyncadd.s32 $0xFFFFFF80  }
0x4b: {  	[tilespmem:s19], [sflag:$0xA] =	stream.indirect.gather [hbm4b:s7+s28], $0x80, s25, s28, $0xb8;
	[tilespmem:$0x1E400] =	vst v63  }
0x4c: {  	_ =	swait.ge [sflag:s0], $0x80  }
0x4d: {  	[sflag:s0] =	ssyncset.done $0x0  }
0x4e: {  	s3 =	simm.s32 $0x5400;
	[sflag:s0] =	ssyncadd.s32 $0xFFFFFF80  }
0x4f: {  	[tilespmem:s3], [sflag:$0xB] =	stream.indirect.gather [hbm4b:s7+s28], $0x80, s31, s28, $0xb8;
	[tilespmem:$0x1E400] =	vst v63  }
0x50: {  	_ =	swait.ge [sflag:s6], $0x80  }
0x51: {  	[sflag:s6] =	ssyncset.done $0x0  }
0x52: {  	s9 =	simm.s32 $0x7C00;
	s31 =	rddreg [dreg:$0xc];
	[sflag:s6] =	ssyncadd.s32 $0xFFFFFF80  }
0x53: {  	[tilespmem:s9], [sflag:$0xC] =	stream.indirect.gather [hbm4b:s7+s28], $0x80, s26, s28, $0xb8;
	[tilespmem:$0x1E400] =	vst v63  }
0x54: {  	s31 =	sshrl.u32 s31, $0x3;
	s26 =	stileid.u32  }
0x55: {  	[dreg:$0x11] =	wrdreg s31;
	s23 =	sshll.u32 s26, $0x6  }
0x56: {  	s26 =	sor.u32 $0x1C11, s23;
	s23 =	rddreg [dreg:$0x3]  }
0x57: {  	s25 =	simm.s32 $0x11;
	[dreg:$0x10] =	wrdreg s26  }
0x58: {  	[spmem:s31], [sflag:s26] =	dma.local [hbm:s23], $0x2800  }
0x59: {  	_ =	swait.ge [sflag:s25], $0x2800  }
0x5a: {  	[sflag:s25] =	ssyncset.done $0x0  }
0x5b: {  	s19 =	simm.s32 $0x2C00;
	[sflag:s25] =	ssyncadd.s32 $0xFFFFD800  }
0x5c: {  	s23 =	simm.s32 $0x380;
	s25 =	simm.s32 $0x380;
	[bflag:$0x0] =	sbarrier.arrive $0xFFFF  }
.LBB2_2:
0x5d: {  	_ =	swait.ge [sflag:s11], $0x2800  }
0x5e: {  	[sflag:s11] =	ssyncset.done $0x0  }
0x5f: {  	[sflag:s11] =	ssyncadd.s32 $0xFFFFD800  }
0x60: {  	_ =	swait.ge [sflag:s12], $0x80  }
0x61: {  	[sflag:s12] =	ssyncset.done $0x0  }
0x62: {  	s26 =	simm.s32 $0x400;
	[sflag:s12] =	ssyncadd.s32 $0xFFFFFF80  }
0x63: {  	[spmem:s1] =	stream.indirect.scatter.add.f32 [tilespmem:s26], [sflag:$0xD], $0x80, s24, s28, $0xb8;
	[tilespmem:$0x1E400] =	vst v63  }
0x64: {  	_ =	swait.ge [sflag:s13], $0x2800  }
0x65: {  	[sflag:s13] =	ssyncset.done $0x0  }
0x66: {  	[sflag:s13] =	ssyncadd.s32 $0xFFFFD800  }
0x67: {  	_ =	swait.ge [sflag:s14], $0x80  }
0x68: {  	[sflag:s14] =	ssyncset.done $0x0  }
0x69: {  	[sflag:s14] =	ssyncadd.s32 $0xFFFFFF80  }
0x6a: {  	[spmem:s1] =	stream.indirect.scatter.add.f32 [tilespmem:s19], [sflag:$0xE], $0x80, s29, s28, $0xb8;
	[tilespmem:$0x1E400] =	vst v63  }
0x6b: {  	_ =	swait.ge [sflag:s15], $0x2800  }
0x6c: {  	[sflag:s15] =	ssyncset.done $0x0  }
0x6d: {  	[sflag:s15] =	ssyncadd.s32 $0xFFFFD800  }
0x6e: {  	_ =	swait.ge [sflag:s16], $0x80  }
0x6f: {  	[sflag:s16] =	ssyncset.done $0x0  }
0x70: {  	s31 =	simm.s32 $0x300;
	[sflag:s16] =	ssyncadd.s32 $0xFFFFFF80  }
0x71: {  	[spmem:s1] =	stream.indirect.scatter.add.f32 [tilespmem:s3], [sflag:$0xF], $0x80, s31, s28, $0xb8;
	[tilespmem:$0x1E400] =	vst v63  }
0x72: {  	_ =	swait.ge [sflag:s17], $0x2800  }
0x73: {  	[sflag:s17] =	ssyncset.done $0x0  }
0x74: {  	p0 =	seq.s32 s23, $0x4180;
	[sflag:s17] =	ssyncadd.s32 $0xFFFFD800  }
.Ltmp2:
0x75: {  	_ =	swait.ge [sflag:s18], $0x80;
	(pc) =	sbr.rel @p0 .LBB2_4-.Ltmp2, $4  }
0x76: {  	[sflag:s18] =	ssyncset.done $0x0  }
0x77: {  	s26 =	simm.s32 $0x380;
	[sflag:s18] =	ssyncadd.s32 $0xFFFFFF80  }
0x78: {  	[spmem:s1] =	stream.indirect.scatter.add.f32 [tilespmem:s9], [sflag:$0x10], $0x80, s25, s28, $0xb8;
	[tilespmem:$0x1E400] =	vst v63  }
0x79: {  	s19 =	simm.s32 $0x2C00;
	s3 =	simm.s32 $0x5400;
	s9 =	simm.s32 $0x7C00  }
0x7a: {  	s24 =	sadd.s32 $0xFFFFFE80, s23  }
0x7b: {  	s25 =	sand.u32 $0x7C00, s24  }
0x7c: {  	s24 =	sand.u32 $0x200, s24;
	s25 =	sadd.s32 s8, s25  }
0x7d: {  	s24 =	sor.u32 s24, s25  }
0x7e: {  	s24 =	sshrl.u32 s24, $0x3  }
0x7f: {  	s25 =	sadd.s32 s4, s24  }
0x80: {  	[tilespmem:s2], [sflag:$0x1] =	stream.linear.gather [hbm4b:s25+s2], $0x80, $0x38;
	[tilespmem:$0x1E400] =	vst v63  }
0x81: {  	_ =	swait.ge [sflag:s10], $0x2800  }
0x82: {  	s29 =	simm.s32 $0x200;
	[sflag:s10] =	ssyncset.done $0x0  }
0x83: {  	s24 =	sadd.s32 s5, s24;
	s25 =	simm.s32 $0x1;
	[sflag:s10] =	ssyncadd.s32 $0xFFFFD800  }
0x84: {  	[tilespmem:s29], [sflag:$0x5] =	stream.linear.gather [hbm4b:s24+s2], $0x80, $0x38;
	[tilespmem:$0x1E400] =	vst v63  }
0x85: {  	_ =	swait.ge [sflag:s25], $0x80  }
0x86: {  	[sflag:s25] =	ssyncset.done $0x0  }
0x87: {  	s24 =	sadd.s32 $0xFFFFFF00, s23;
	[sflag:s25] =	ssyncadd.s32 $0xFFFFFF80;
	s25 =	simm.s32 $0x400  }
0x88: {  	[tilespmem:s25], [sflag:$0x9] =	stream.indirect.gather [hbm4b:s7+s28], $0x80, s2, s28, $0xb8;
	[tilespmem:$0x1E400] =	vst v63  }
0x89: {  	s25 =	sand.u32 $0x7C00, s24  }
0x8a: {  	s24 =	sand.u32 $0x280, s24;
	s25 =	sadd.s32 s8, s25  }
0x8b: {  	s24 =	sor.u32 s24, s25  }
0x8c: {  	s24 =	sshrl.u32 s24, $0x3  }
0x8d: {  	s29 =	simm.s32 $0x80;
	s25 =	sadd.s32 s4, s24  }
0x8e: {  	[tilespmem:s29], [sflag:$0x2] =	stream.linear.gather [hbm4b:s25+s2], $0x80, $0x38;
	[tilespmem:$0x1E400] =	vst v63  }
0x8f: {  	_ =	swait.ge [sflag:s20], $0x2800  }
0x90: {  	[sflag:s20] =	ssyncset.done $0x0  }
0x91: {  	s31 =	simm.s32 $0x280;
	s24 =	sadd.s32 s5, s24;
	[sflag:s20] =	ssyncadd.s32 $0xFFFFD800  }
0x92: {  	[tilespmem:s31], [sflag:$0x6] =	stream.linear.gather [hbm4b:s24+s2], $0x80, $0x38;
	[tilespmem:$0x1E400] =	vst v63  }
0x93: {  	_ =	swait.ge [sflag:s30], $0x80  }
0x94: {  	[sflag:s30] =	ssyncset.done $0x0  }
0x95: {  	[sflag:s30] =	ssyncadd.s32 $0xFFFFFF80  }
0x96: {  	[tilespmem:s19], [sflag:$0xA] =	stream.indirect.gather [hbm4b:s7+s28], $0x80, s29, s28, $0xb8;
	[tilespmem:$0x1E400] =	vst v63  }
0x97: {  	s19 =	sadd.s32 $0xFFFFFF80, s23  }
0x98: {  	s31 =	sand.u32 $0x7C00, s19  }
0x99: {  	s24 =	sand.u32 $0x300, s19;
	s25 =	sadd.s32 s8, s31  }
0x9a: {  	s24 =	sor.u32 s24, s25  }
0x9b: {  	s24 =	sshrl.u32 s24, $0x3  }
0x9c: {  	s31 =	simm.s32 $0x100;
	s19 =	sadd.s32 s4, s24  }
0x9d: {  	[tilespmem:s31], [sflag:$0x3] =	stream.linear.gather [hbm4b:s19+s2], $0x80, $0x38;
	[tilespmem:$0x1E400] =	vst v63  }
0x9e: {  	_ =	swait.ge [sflag:s21], $0x2800  }
0x9f: {  	[sflag:s21] =	ssyncset.done $0x0  }
0xa0: {  	s25 =	simm.s32 $0x300;
	s24 =	sadd.s32 s5, s24;
	[sflag:s21] =	ssyncadd.s32 $0xFFFFD800  }
0xa1: {  	[tilespmem:s25], [sflag:$0x7] =	stream.linear.gather [hbm4b:s24+s2], $0x80, $0x38;
	[tilespmem:$0x1E400] =	vst v63  }
0xa2: {  	_ =	swait.ge [sflag:s0], $0x80  }
0xa3: {  	[sflag:s0] =	ssyncset.done $0x0  }
0xa4: {  	s25 =	sand.u32 $0x7C00, s23;
	[sflag:s0] =	ssyncadd.s32 $0xFFFFFF80  }
0xa5: {  	[tilespmem:s3], [sflag:$0xB] =	stream.indirect.gather [hbm4b:s7+s28], $0x80, s31, s28, $0xb8;
	[tilespmem:$0x1E400] =	vst v63  }
0xa6: {  	s24 =	sadd.s32 s8, s25;
	s31 =	sand.u32 $0x380, s23  }
0xa7: {  	s24 =	sor.u32 s31, s24  }
0xa8: {  	s24 =	sshrl.u32 s24, $0x3  }
0xa9: {  	s19 =	simm.s32 $0x180;
	s3 =	sadd.s32 s4, s24  }
0xaa: {  	[tilespmem:s19], [sflag:$0x4] =	stream.linear.gather [hbm4b:s3+s2], $0x80, $0x38;
	[tilespmem:$0x1E400] =	vst v63  }
0xab: {  	_ =	swait.ge [sflag:s22], $0x2800  }
0xac: {  	[sflag:s22] =	ssyncset.done $0x0  }
0xad: {  	s24 =	sadd.s32 s5, s24;
	[sflag:s22] =	ssyncadd.s32 $0xFFFFD800  }
0xae: {  	[tilespmem:s26], [sflag:$0x8] =	stream.linear.gather [hbm4b:s24+s2], $0x80, $0x38;
	[tilespmem:$0x1E400] =	vst v63  }
.Ltmp3:
0xaf: {  	_ =	swait.ge [sflag:s6], $0x80;
	(pc) =	sbr.rel .LBB2_2-.Ltmp3, $4  }
0xb0: {  	s29 =	simm.s32 $0x280;
	s25 =	simm.s32 $0x380;
	[sflag:s6] =	ssyncset.done $0x0  }
0xb1: {  	s23 =	sadd.s32 $0x200, s23;
	s3 =	simm.s32 $0x5400;
	[sflag:s6] =	ssyncadd.s32 $0xFFFFFF80  }
0xb2: {  	[tilespmem:s9], [sflag:$0xC] =	stream.indirect.gather [hbm4b:s7+s28], $0x80, s19, s28, $0xb8;
	[tilespmem:$0x1E400] =	vst v63  }
0xb3: {  	s24 =	simm.s32 $0x200;
	s19 =	simm.s32 $0x2C00;
	s9 =	simm.s32 $0x7C00  }
.LBB2_5:
0xb4: {  	_ =	sfence.sel $0x180000  }
0xb5: {  	[bflag:$0x0] =	sbarrier.arrive $0xFFFF  }
0xb6: {  	_ =	strace $0x9000004A  }
0xb7: {  	s0 =	stileid.u32;
	[bflag:$0x2] =	sbarrier.arrive $0xFFFF  }
0xb8: {  	p0 =	sne.s32 s0, $0x0;
	s0 =	rddreg [dreg:$0x2]  }
0xb9: {  	s0 =	sadd.s32 @!p0 $0x100000, s0  }
0xba: {  	[sflag:s0] =	ssyncadd.tile.s32 @!p0 $0x1;
	_ =	shalt  }
.Lfunc_end2:
_tile_overlayer_lowered:
.L_overlay_start_2:
0xbb: {  	(tag) =	ssettag $0x2  }
0xbc: {  	s0 =	rddreg [dreg:$0x0];
	s2 =	stileid.u32  }
0xbd: {  	s1 =	rddreg [dreg:$0x1];
	p0 =	sne.s32 s2, $0x0  }
0xbe: {  	s3 =	rddreg [dreg:$0x2];
	[bflag:$0x3] =	sbarrier.arrive $0xFFFF;
	s2 =	simm.s32 @!p0 $0x1C11  }
0xbf: {  	[timem:s3], [sflag:s2] =	dma.local @!p0 [hbm:s0], s1  }
0xc0: {  	s0 =	simm.s32 @!p0 $0x11  }
0xc1: {  	_ =	swait.ge @!p0 [sflag:s0], s1  }
0xc2: {  	s1 =	ssub.s32 @!p0 $0x0, s1;
	[sflag:s0] =	ssyncset.done @!p0 $0x0  }
0xc3: {  	[sflag:s0] =	ssyncadd.s32 @!p0 s1  }
0xc4: {  	[bflag:$0x3] =	sbarrier.arrive $0xFFFF  }
0xc5: {  	_ =	shalt  }

// kernel: kernel.15.cloned.1.call-start
scs
__scs_entry_jumppad:
0x0: {  	(pc) =	sbr.rel $0x88, $3  }
0x1: {  	(tag) =	ssettag $0x0;
	lr =	simm.s32 $0x1  }
0x2: {  	[smem:$0x3F94] =	sst lr;
	_ =	strace $0xD0000000  }
0x3: {  	_ = 	snop  }
0x4: {  	_ = 	snop  }
0x5: {  	_ = 	snop  }
0x6: {  	_ = 	snop  }
0x7: {  	_ = 	snop  }
__scs_overlays_trampoline_lowered:
0x8: {  	[smem:$0x3FA3] =	sst s0  }
0x9: {  	[smem:$0x3FA4] =	sst s1  }
0xa: {  	[smem:$0x3FA5] =	sst s2  }
0xb: {  	[smem:$0x3FA6] =	sst s3  }
0xc: {  	[smem:$0x3FA7] =	sst s4  }
0xd: {  	[smem:$0x3FA8] =	sst s5  }
0xe: {  	[smem:$0x3FA9] =	sst s6  }
0xf: {  	[smem:$0x3FAA] =	sst s7  }
0x10: {  	[smem:$0x3FAB] =	sst s8  }
0x11: {  	[smem:$0x3FAC] =	sst s9;
	s0 =	simm.s32 @!p0 $0x0  }
0x12: {  	s1 =	sld [smem:$0x3F92];
	s0 =	simm.s32 @p0 $0x1  }
0x13: {  	[smem:$0x3FAD] =	sst s0;
	s0 =	simm.s32 @!p1 $0x0  }
0x14: {  	s2 =	sld [smem:$0x3F91];
	s0 =	simm.s32 @p1 $0x1  }
0x15: {  	[smem:$0x3FAE] =	sst s0;
	s0 =	simm.s32 @!p2 $0x0  }
0x16: {  	s3 =	sld [smem:$0x3FDB];
	s0 =	simm.s32 @p2 $0x1  }
0x17: {  	s4 =	simm.s32 $0x1BF5;
	[smem:$0x3FB0] =	sst s0  }
0x18: {  	s0 =	sld [smem:$0x3F93];
	_ =	swait.ge [sflag:s4], $0x0  }
0x19: {  	s7 =	sld [smem:$0x3F94]  }
0x1a: {  	s8 =	sadd.s32 $0xFFFFE003, lr  }
0x1b: {  	s9 =	sadd.s32 $0xFFFFFEF7, lr;
	s5 =	simm.s32 $0xFFFFFFFF;
	p2 =	slt.u32 s8, $0xFFFFF086  }
0x1c: {  	p1 =	slt.u32 s9, $0xF7A;
	s5 =	simm.s32 @!p2 $0x0  }
0x1d: {  	s5 =	simm.s32 @p1 $0x1;
	p0 =	seq.s32 s7, s2  }
0x1e: {  	s7 =	smul.u32 @!p0 $0xF7A, s2;
	p2 =	seq.s32 @!p0 s5, $0x0  }
0x1f: {  	s9 =	smul.u32 $0xF7A, s1;
	s8 =	simm.s32 @!p0 $0x1BF5;
	p2 =	por !p2, p0  }
0x20: {  	[sflag:s8] =	ssyncset.s32 @!p0 $0xFFFFF086;
	s6 =	sadd.s32 @!p0 s3, s7;
	s7 =	simm.s32 @!p0 $0x108  }
0x21: {  	s3 =	sadd.s32 s3, s9;
	s6 =	sadd.s32 @!p0 $0x88, s6;
	s7 =	simm.s32 @p2 $0x1082  }
0x22: {  	[simem:s7], [sflag:s8] =	dma.local @!p0 [hbm:s6], $0xF7A  }
0x23: {  	s9 =	sor.u32 $0xD0000000, s2;
	s6 =	simm.s32 $0x108;
	_ =	swait.ge @!p0 [sflag:s8], $0x0  }
0x24: {  	s3 =	sadd.s32 $0x88, s3;
	s6 =	simm.s32 @!p1 $0x1082;
	[sflag:s4] =	ssyncset.s32 $0xFFFFF086  }
0x25: {  	[simem:s6], [sflag:s4] =	dma.local [hbm:s3], $0xF7A  }
0x26: {  	[smem:$0x3F94] =	sst s1;
	(tag) =	ssettag s2;
	_ =	strace s9  }
0x27: {  	s1 =	sld [smem:$0x3FA4]  }
0x28: {  	s2 =	sld [smem:$0x3FA5]  }
0x29: {  	s4 =	sld [smem:$0x3FA7]  }
0x2a: {  	p0 =	seq.s32 s5, $0x0;
	s5 =	sld [smem:$0x3FA8]  }
0x2b: {  	s6 =	sld [smem:$0x3FA9]  }
0x2c: {  	s7 =	sld [smem:$0x3FAA]  }
0x2d: {  	s3 =	simm.s32 $0x108;
	s8 =	sld [smem:$0x3FAB]  }
0x2e: {  	s3 =	simm.s32 @!p0 $0x1082;
	s9 =	sld [smem:$0x3FAC]  }
0x2f: {  	lr =	sadd.s32 s0, s3;
	s0 =	sld [smem:$0x3FA3]  }
0x30: {  	s3 =	sld [smem:$0x3FA6]  }
0x31: {  	[smem:$0x3FAF] =	sst s10  }
0x32: {  	s10 =	sld [smem:$0x3FAD];
	_ =	sdelay $0x3  }
0x33: {  	p0 =	seq.s32 s10, $0x1;
	s10 =	sld [smem:$0x3FAF];
	_ =	sdelay $0x3  }
0x34: {  	[smem:$0x3FAF] =	sst s10  }
0x35: {  	s10 =	sld [smem:$0x3FAE];
	_ =	sdelay $0x3  }
0x36: {  	p1 =	seq.s32 s10, $0x1;
	s10 =	sld [smem:$0x3FAF];
	_ =	sdelay $0x3  }
0x37: {  	[smem:$0x3FAF] =	sst s10  }
0x38: {  	s10 =	sld [smem:$0x3FB0]  }
0x39: {  	_ = 	snop;
	(pc) =	sbr.ind lr, $3  }
0x3a: {  	_ = 	snop  }
0x3b: {  	_ = 	snop  }
0x3c: {  	p2 =	seq.s32 s10, $0x1;
	s10 =	sld [smem:$0x3FAF]  }
0x3d: {  	_ =	shalt  }
0x3e: {  	_ =	shalt  }
0x3f: {  	_ =	shalt  }
0x40: {  	_ =	shalt  }
0x41: {  	_ =	shalt  }
0x42: {  	_ =	shalt  }
0x43: {  	_ =	shalt  }
0x44: {  	_ =	shalt  }
0x45: {  	_ =	shalt  }
0x46: {  	_ =	shalt  }
0x47: {  	_ =	shalt  }
0x48: {  	_ =	shalt  }
0x49: {  	_ =	shalt  }
0x4a: {  	_ =	shalt  }
0x4b: {  	_ =	shalt  }
0x4c: {  	_ =	shalt  }
0x4d: {  	_ =	shalt  }
0x4e: {  	_ =	shalt  }
0x4f: {  	_ =	shalt  }
0x50: {  	_ =	shalt  }
0x51: {  	_ =	shalt  }
0x52: {  	_ =	shalt  }
0x53: {  	_ =	shalt  }
0x54: {  	_ =	shalt  }
0x55: {  	_ =	shalt  }
0x56: {  	_ =	shalt  }
0x57: {  	_ =	shalt  }
0x58: {  	_ =	shalt  }
0x59: {  	_ =	shalt  }
0x5a: {  	_ =	shalt  }
0x5b: {  	_ =	shalt  }
0x5c: {  	_ =	shalt  }
0x5d: {  	_ =	shalt  }
0x5e: {  	_ =	shalt  }
0x5f: {  	_ =	shalt  }
0x60: {  	_ =	shalt  }
0x61: {  	_ =	shalt  }
0x62: {  	_ =	shalt  }
0x63: {  	_ =	shalt  }
0x64: {  	_ =	shalt  }
0x65: {  	_ =	shalt  }
0x66: {  	_ =	shalt  }
0x67: {  	_ =	shalt  }
0x68: {  	_ =	shalt  }
0x69: {  	_ =	shalt  }
0x6a: {  	_ =	shalt  }
0x6b: {  	_ =	shalt  }
0x6c: {  	_ =	shalt  }
0x6d: {  	_ =	shalt  }
0x6e: {  	_ =	shalt  }
0x6f: {  	_ =	shalt  }
0x70: {  	_ =	shalt  }
0x71: {  	_ =	shalt  }
0x72: {  	_ =	shalt  }
0x73: {  	_ =	shalt  }
0x74: {  	_ =	shalt  }
0x75: {  	_ =	shalt  }
0x76: {  	_ =	shalt  }
0x77: {  	_ =	shalt  }
0x78: {  	_ =	shalt  }
0x79: {  	_ =	shalt  }
0x7a: {  	_ =	shalt  }
0x7b: {  	_ =	shalt  }
0x7c: {  	_ =	shalt  }
0x7d: {  	_ =	shalt  }
0x7e: {  	_ =	shalt  }
0x7f: {  	_ =	shalt  }
0x80: {  	_ =	shalt  }
0x81: {  	_ =	shalt  }
0x82: {  	_ =	shalt  }
0x83: {  	_ =	shalt  }
0x84: {  	_ =	shalt  }
0x85: {  	_ =	shalt  }
0x86: {  	_ =	shalt  }
0x87: {  	_ =	shalt  }
.Lfunc_end0:
.L_simem_size_0:
called_computation.2_lowered:
.L_overlay_start_0:
0x88: {  	s2 =	sld [smem:$0x3FD9]  }
0x89: {  	s3 =	sld [smem:$0x3FFE];
	_ =	sdelay $0x1  }
0x8a: {  	s1 =	srdreg.scid  }
0x8b: {  	s0 =	sand.u32 $0x1, s1  }
0x8c: {  	s16 =	sshll.u32 s0, $0xA;
	s2 =	sadd.s32 s3, s2  }
0x8d: {  	s2 =	sadd.s32 s2, s16  }
0x8e: {  	[smem:$0x3FBB] =	sst s2  }
0x8f: {  	_ = 	snop  }
0x90: {  	(tm) =	ssettm $0x1  }
0x91: {  	s17 =	sld [smem:$0x3FFB];
	_ =	sdelay $0x3  }
0x92: {  	_ =	strace s17  }
0x93: {  	s2 =	sld [smem:$0x3FFC];
	_ =	sdelay $0x3  }
0x94: {  	_ =	strace s2  }
0x95: {  	s2 =	sld [smem:$0x3FFD];
	_ =	sdelay $0x3  }
0x96: {  	_ =	strace s2  }
0x97: {  	_ =	strace $0x8FFFFFFF  }
0x98: {  	s18 =	sld [smem:$0x3FDB];
	_ =	sdelay $0x1  }
0x99: {  	s19 =	simm.s32 $_scs_section_size  }
0x9a: {  	s4 =	simm.s32 $_size__tile_overlayer_lowered;
	s5 =	simm.s32 $_tile_overlayer_lowered  }
0x9b: {  	s22 =	simm.s32 $0x1BFF;
	s21 =	sshll.u32 s5, $0x1;
	s2 =	sadd.s32 s19, s18  }
0x9c: {  	s6 =	simm.s32 $0x0;
	s20 =	sshll.u32 s4, $0x1;
	s4 =	sadd.s32 s21, s2  }
0x9d: {  	[timem:s6], [sflag:s22] =	dma.local [hbm:s4], s20  }
0x9e: {  	_ =	swait.ge [sflag:s22], s20  }
0x9f: {  	s3 =	ssub.s32 $0x0, s20;
	[sflag:s22] =	ssyncset.done $0x0  }
0xa0: {  	[sflag:s22] =	ssyncadd.s32 s3;
	_ =	sdelay $0x1  }
0xa1: {  	s23 =	simm.s32 $0x1B8B  }
0xa2: {  	_ =	swait.ge [sflag:s23], $0x1  }
0xa3: {  	[sflag:s23] =	ssyncset.done $0x0  }
0xa4: {  	s25 =	simm.s32 $0x1B8E;
	s24 =	sld [smem:$0x3FFE];
	[sflag:s23] =	ssyncadd.s32 $0xFFFFFFFF  }
0xa5: {  	s26 =	simm.s32 $execute0_lowered;
	[smem:$0x3FD2] =	sst s25  }
0xa6: {  	s4 =	sshll.u32 s26, $0x1;
	_ =	strace $0x8000004C;
	[dreg:$0x1] =	wrdreg $0xFFFFFFFF  }
0xa7: {  	s28 =	simm.s32 $_size_execute0_lowered;
	s2 =	sadd.s32 s2, s4;
	[dreg:$0x0] =	wrdreg $0x0  }
0xa8: {  	s4 =	sshll.u32 s28, $0x1;
	[dreg:$0x2] =	wrdreg s2  }
0xa9: {  	[dreg:$0x3] =	wrdreg s4  }
0xaa: {  	[dreg:$0x4] =	wrdreg $0xC0  }
0xab: {  	_ =	task [dreg:s6], $0x5FFFF  }
0xac: {  	[dreg:$0x1] =	wrdreg $0xFFFFFFFF  }
0xad: {  	[dreg:$0x0] =	wrdreg $0x60  }
0xae: {  	[dreg:$0x2] =	wrdreg s24  }
0xaf: {  	[dreg:$0x3] =	wrdreg $0xA4000  }
0xb0: {  	[dreg:$0x4] =	wrdreg $0x9  }
0xb1: {  	_ =	task.clear_ibuf [dreg:s6], $0x5FFFF;
	_ =	strace $0x9000004C  }
0xb2: {  	s29 =	simm.s32 $0x9;
	_ =	strace $0x8000004E  }
0xb3: {  	_ =	swait.ge [sflag:s29], $0x1  }
0xb4: {  	[sflag:s29] =	ssyncadd.s32 $0xFFFFFFFF  }
0xb5: {  	_ =	strace $0x9000004E  }
0xb6: {  	_ =	sfence  }
0xb7: {  	s30 =	sld [smem:$0x0];
	_ =	sdelay $0x2  }
0xb8: {  	s31 =	sshll.u32 s1, $0xD;
	s1 =	sshrl.u32 s1, $0x2  }
0xb9: {  	s3 =	sand.u32 $0x4000, s31;
	s1 =	sadd.s32 s1, s30  }
0xba: {  	s0 =	sor.u32 s3, s0;
	s1 =	sshll.u32 s1, $0x11  }
0xbb: {  	s0 =	sor.u32 s1, s0  }
0xbc: {  	s0 =	sadd.s32 $0x8F2B, s0  }
0xbd: {  	[sflag:s0] =	ssyncadd.remote.s32 $0x1  }
0xbe: {  	_ =	sfence.sel $0xFFFF  }
0xbf: {  	[dreg:$0x0] =	wrdreg $0xFFFFFFFF;
	(pc) =	sbr.abs _section_cstart, $3  }
0xc0: {  	[dreg:$0x1] =	wrdreg $0xFFFFFFFF  }
0xc1: {  	_ =	task.clear_ibuf [dreg:s6], $0x2FFFF;
	_ =	strace $0x9FFFFFFF  }
0xc2: {  	(tm) =	ssettm $0x7FFFFFFF  }
0xc3: {  	_ =	shalt  }
tec
execute0_lowered:
.L_overlay_start_1:
0x0: {  	(tag) =	ssettag $0x1  }
0x1: {  	s0 =	rddreg [dreg:$0x0]  }
0x2: {  	s1 =	rddreg [dreg:$0x1]  }
0x3: {  	s2 =	simm.s32 $0x0;
	s3 =	srdreg.scid;
	s11 =	stileid.u32  }
0x4: {  	s29 =	simm.s32 $0x280;
	s28 =	simm.s32 $0x50;
	s30 =	simm.s32 $0x2  }
0x5: {  	s12 =	simm.s32 $0x5;
	s13 =	simm.s32 $0xA;
	s14 =	simm.s32 $0x6  }
0x6: {  	s15 =	simm.s32 $0xB;
	[smem:$0x7FF] =	sst s2;
	s4 =	sadd.s32 $0x2800, s0  }
0x7: {  	s5 =	sadd.s32 $0x12800, s0;
	s6 =	sadd.s32 $0x22800, s0;
	s3 =	sand.u32 $0x1, s3  }
0x8: {  	s16 =	smul.u32 $0x2800, s11;
	s10 =	sshll.u32 s11, $0xE;
	s7 =	sadd.s32 $0x25000, s0  }
0x9: {  	s23 =	smul.u32 $0x50000, s11;
	s11 =	simm.s32 $0x9;
	_ =	strace $0x8000004D  }
0xa: {  	s9 =	smul.u32 $0x28000, s3;
	s8 =	sshll.u32 s3, $0x12;
	s3 =	ssub.s32 $0x2, s3  }
0xb: {  	[dreg:$0x3] =	wrdreg s6;
	s8 =	sor.u32 s10, s8;
	s17 =	sshrl.u32 s3, $0x1  }
0xc: {  	s26 =	sshrl.u32 s23, $0x2;
	s6 =	sadd.s32 s16, s9;
	s10 =	sshrl.u32 s8, $0x3  }
0xd: {  	s3 =	ssub.s32 s3, s17;
	s16 =	simm.s32 $0x7;
	s17 =	simm.s32 $0xC  }
0xe: {  	s9 =	simm.s32 $0x0;
	s0 =	sadd.s32 s6, s0;
	s19 =	sadd.s32 s4, s10  }
0xf: {  	s18 =	sor.u32 $0x10, s10;
	s20 =	sadd.s32 s5, s10;
	[dreg:$0x4] =	wrdreg s19  }
0x10: {  	s22 =	sor.u32 $0x20, s10;
	s31 =	smax.u32 s3, $0x1;
	[dreg:$0x5] =	wrdreg s20  }
0x11: {  	s25 =	sor.u32 $0x30, s10;
	s21 =	sadd.s32 s4, s18;
	[dreg:$0xe] =	wrdreg s31  }
0x12: {  	s6 =	sadd.s32 s5, s18;
	s24 =	sadd.s32 s4, s22;
	[dreg:$0x6] =	wrdreg s21  }
0x13: {  	s10 =	sadd.s32 s4, s25;
	s0 =	sadd.s32 $0x4C200, s0;
	[dreg:$0x7] =	wrdreg s6  }
0x14: {  	s18 =	simm.s32 $0x8;
	s20 =	simm.s32 $0xE;
	[dreg:$0x8] =	wrdreg s24  }
.Ltmp0:
0x15: {  	s6 =	sadd.s32 s5, s22;
	[dreg:$0xa] =	wrdreg s10;
	(pc) =	sbr.rel .LBB2_1-.Ltmp0, $4  }
0x16: {  	[dreg:$0xd] =	wrdreg s0;
	s24 =	simm.s32 $0x200;
	s0 =	simm.s32 $0x3  }
0x17: {  	s10 =	simm.s32 $0xD;
	[dreg:$0x9] =	wrdreg s6;
	s6 =	sadd.s32 s5, s25  }
0x18: {  	s21 =	simm.s32 $0xF;
	[dreg:$0xb] =	wrdreg s6;
	s6 =	sadd.s32 s26, s1  }
0x19: {  	s22 =	simm.s32 $0x10;
	[dreg:$0xc] =	wrdreg s6;
	s6 =	simm.s32 $0x4  }
.LBB2_4:
0x1a: {  	_ =	swait.ge [sflag:s10], $0x2800  }
0x1b: {  	[sflag:s10] =	ssyncset.done $0x0  }
0x1c: {  	[sflag:s10] =	ssyncadd.s32 $0xFFFFD800  }
0x1d: {  	_ =	swait.ge [sflag:s20], $0x2800  }
0x1e: {  	[sflag:s20] =	ssyncset.done $0x0  }
0x1f: {  	[sflag:s20] =	ssyncadd.s32 $0xFFFFD800  }
0x20: {  	_ =	swait.ge [sflag:s21], $0x2800  }
0x21: {  	[sflag:s21] =	ssyncset.done $0x0  }
0x22: {  	[sflag:s21] =	ssyncadd.s32 $0xFFFFD800  }
0x23: {  	_ =	swait.ge [sflag:s22], $0x2800  }
0x24: {  	[sflag:s22] =	ssyncset.done $0x0  }
0x25: {  	[sflag:s22] =	ssyncadd.s32 $0xFFFFD800  }
0x26: {  	[bflag:$0x0] =	sbarrier.arrive $0xFFFF  }
0x27: {  	s23 =	rddreg [dreg:$0xd]  }
0x28: {  	s3 =	rddreg [dreg:$0x10]  }
0x29: {  	s25 =	simm.s32 $0x11;
	s9 =	rddreg [dreg:$0x11]  }
0x2a: {  	[hbm:s23], [sflag:s3] =	dma.local [spmem:s9], $0x2800  }
0x2b: {  	_ =	swait.ge [sflag:s25], $0x2800  }
0x2c: {  	s26 =	rddreg [dreg:$0xf]  }
0x2d: {  	s31 =	rddreg [dreg:$0xe];
	s9 =	sadd.s32 $0x1, s26  }
0x2e: {  	p0 =	sne.s32 s9, s31  }
.Ltmp1:
0x2f: {  	_ = 	snop;
	(pc) =	sbr.rel @!p0 .LBB2_5-.Ltmp1, $3  }
0x30: {  	_ =	sdelay $0x1  }
0x31: {  	[sflag:s25] =	ssyncset.done $0x0  }
0x32: {  	[sflag:s25] =	ssyncadd.s32 $0xFFFFD800  }
.LBB2_1:
0x33: {  	[dreg:$0xf] =	wrdreg s9  }
0x34: {  	s23 =	rddreg [dreg:$0x4]  }
0x35: {  	[tilespmem:s2], [sflag:$0x1] =	stream.linear.gather [hbm4b:s23+s2], $0x80, $0x38;
	[tilespmem:$0x1E400] =	vst v63  }
0x36: {  	s25 =	rddreg [dreg:$0x5]  }
0x37: {  	[tilespmem:s24], [sflag:$0x5] =	stream.linear.gather [hbm4b:s25+s2], $0x80, $0x38;
	[tilespmem:$0x1E400] =	vst v63  }
0x38: {  	s26 =	rddreg [dreg:$0x6];
	s25 =	simm.s32 $0x80  }
0x39: {  	[tilespmem:s25], [sflag:$0x2] =	stream.linear.gather [hbm4b:s26+s2], $0x80, $0x38;
	[tilespmem:$0x1E400] =	vst v63  }
0x3a: {  	s31 =	rddreg [dreg:$0x7]  }
0x3b: {  	[tilespmem:s29], [sflag:$0x6] =	stream.linear.gather [hbm4b:s31+s2], $0x80, $0x38;
	[tilespmem:$0x1E400] =	vst v63  }
0x3c: {  	s3 =	rddreg [dreg:$0x8];
	s31 =	simm.s32 $0x100  }
0x3d: {  	[tilespmem:s31], [sflag:$0x3] =	stream.linear.gather [hbm4b:s3+s2], $0x80, $0x38;
	[tilespmem:$0x1E400] =	vst v63  }
0x3e: {  	s9 =	rddreg [dreg:$0x9];
	s3 =	simm.s32 $0x300  }
0x3f: {  	[tilespmem:s3], [sflag:$0x7] =	stream.linear.gather [hbm4b:s9+s2], $0x80, $0x38;
	[tilespmem:$0x1E400] =	vst v63  }
0x40: {  	s19 =	rddreg [dreg:$0xa];
	s26 =	simm.s32 $0x180  }
0x41: {  	[tilespmem:s26], [sflag:$0x4] =	stream.linear.gather [hbm4b:s19+s2], $0x80, $0x38;
	[tilespmem:$0x1E400] =	vst v63  }
0x42: {  	s3 =	rddreg [dreg:$0xb];
	s9 =	simm.s32 $0x380;
	s19 =	simm.s32 $0x1  }
0x43: {  	[tilespmem:s9], [sflag:$0x8] =	stream.linear.gather [hbm4b:s3+s2], $0x80, $0x38;
	[tilespmem:$0x1E400] =	vst v63  }
0x44: {  	_ =	swait.ge [sflag:s19], $0x80  }
0x45: {  	[sflag:s19] =	ssyncset.done $0x0  }
0x46: {  	s23 =	simm.s32 $0x400;
	[sflag:s19] =	ssyncadd.s32 $0xFFFFFF80  }
0x47: {  	[tilespmem:s23], [sflag:$0x9] =	stream.indirect.gather [hbm4b:s7+s28], $0x80, s2, s28, $0xb8;
	[tilespmem:$0x1E400] =	vst v63  }
0x48: {  	_ =	swait.ge [sflag:s30], $0x80  }
0x49: {  	[sflag:s30] =	ssyncset.done $0x0  }
0x4a: {  	s19 =	simm.s32 $0x2C00;
	[sflag:s30] =	ssyncadd.s32 $0xFFFFFF80  }
0x4b: {  	[tilespmem:s19], [sflag:$0xA] =	stream.indirect.gather [hbm4b:s7+s28], $0x80, s25, s28, $0xb8;
	[tilespmem:$0x1E400] =	vst v63  }
0x4c: {  	_ =	swait.ge [sflag:s0], $0x80  }
0x4d: {  	[sflag:s0] =	ssyncset.done $0x0  }
0x4e: {  	s3 =	simm.s32 $0x5400;
	[sflag:s0] =	ssyncadd.s32 $0xFFFFFF80  }
0x4f: {  	[tilespmem:s3], [sflag:$0xB] =	stream.indirect.gather [hbm4b:s7+s28], $0x80, s31, s28, $0xb8;
	[tilespmem:$0x1E400] =	vst v63  }
0x50: {  	_ =	swait.ge [sflag:s6], $0x80  }
0x51: {  	[sflag:s6] =	ssyncset.done $0x0  }
0x52: {  	s9 =	simm.s32 $0x7C00;
	s31 =	rddreg [dreg:$0xc];
	[sflag:s6] =	ssyncadd.s32 $0xFFFFFF80  }
0x53: {  	[tilespmem:s9], [sflag:$0xC] =	stream.indirect.gather [hbm4b:s7+s28], $0x80, s26, s28, $0xb8;
	[tilespmem:$0x1E400] =	vst v63  }
0x54: {  	s31 =	sshrl.u32 s31, $0x3;
	s26 =	stileid.u32  }
0x55: {  	[dreg:$0x11] =	wrdreg s31;
	s23 =	sshll.u32 s26, $0x6  }
0x56: {  	s26 =	sor.u32 $0x1C11, s23;
	s23 =	rddreg [dreg:$0x3]  }
0x57: {  	s25 =	simm.s32 $0x11;
	[dreg:$0x10] =	wrdreg s26  }
0x58: {  	[spmem:s31], [sflag:s26] =	dma.local [hbm:s23], $0x2800  }
0x59: {  	_ =	swait.ge [sflag:s25], $0x2800  }
0x5a: {  	[sflag:s25] =	ssyncset.done $0x0  }
0x5b: {  	s19 =	simm.s32 $0x2C00;
	[sflag:s25] =	ssyncadd.s32 $0xFFFFD800  }
0x5c: {  	s23 =	simm.s32 $0x380;
	s25 =	simm.s32 $0x380;
	[bflag:$0x0] =	sbarrier.arrive $0xFFFF  }
.LBB2_2:
0x5d: {  	_ =	swait.ge [sflag:s11], $0x2800  }
0x5e: {  	[sflag:s11] =	ssyncset.done $0x0  }
0x5f: {  	[sflag:s11] =	ssyncadd.s32 $0xFFFFD800  }
0x60: {  	_ =	swait.ge [sflag:s12], $0x80  }
0x61: {  	[sflag:s12] =	ssyncset.done $0x0  }
0x62: {  	s26 =	simm.s32 $0x400;
	[sflag:s12] =	ssyncadd.s32 $0xFFFFFF80  }
0x63: {  	[spmem:s1] =	stream.indirect.scatter.add.f32 [tilespmem:s26], [sflag:$0xD], $0x80, s24, s28, $0xb8;
	[tilespmem:$0x1E400] =	vst v63  }
0x64: {  	_ =	swait.ge [sflag:s13], $0x2800  }
0x65: {  	[sflag:s13] =	ssyncset.done $0x0  }
0x66: {  	[sflag:s13] =	ssyncadd.s32 $0xFFFFD800  }
0x67: {  	_ =	swait.ge [sflag:s14], $0x80  }
0x68: {  	[sflag:s14] =	ssyncset.done $0x0  }
0x69: {  	[sflag:s14] =	ssyncadd.s32 $0xFFFFFF80  }
0x6a: {  	[spmem:s1] =	stream.indirect.scatter.add.f32 [tilespmem:s19], [sflag:$0xE], $0x80, s29, s28, $0xb8;
	[tilespmem:$0x1E400] =	vst v63  }
0x6b: {  	_ =	swait.ge [sflag:s15], $0x2800  }
0x6c: {  	[sflag:s15] =	ssyncset.done $0x0  }
0x6d: {  	[sflag:s15] =	ssyncadd.s32 $0xFFFFD800  }
0x6e: {  	_ =	swait.ge [sflag:s16], $0x80  }
0x6f: {  	[sflag:s16] =	ssyncset.done $0x0  }
0x70: {  	s31 =	simm.s32 $0x300;
	[sflag:s16] =	ssyncadd.s32 $0xFFFFFF80  }
0x71: {  	[spmem:s1] =	stream.indirect.scatter.add.f32 [tilespmem:s3], [sflag:$0xF], $0x80, s31, s28, $0xb8;
	[tilespmem:$0x1E400] =	vst v63  }
0x72: {  	_ =	swait.ge [sflag:s17], $0x2800  }
0x73: {  	[sflag:s17] =	ssyncset.done $0x0  }
0x74: {  	p0 =	seq.s32 s23, $0x4180;
	[sflag:s17] =	ssyncadd.s32 $0xFFFFD800  }
.Ltmp2:
0x75: {  	_ =	swait.ge [sflag:s18], $0x80;
	(pc) =	sbr.rel @p0 .LBB2_4-.Ltmp2, $4  }
0x76: {  	[sflag:s18] =	ssyncset.done $0x0  }
0x77: {  	s26 =	simm.s32 $0x380;
	[sflag:s18] =	ssyncadd.s32 $0xFFFFFF80  }
0x78: {  	[spmem:s1] =	stream.indirect.scatter.add.f32 [tilespmem:s9], [sflag:$0x10], $0x80, s25, s28, $0xb8;
	[tilespmem:$0x1E400] =	vst v63  }
0x79: {  	s19 =	simm.s32 $0x2C00;
	s3 =	simm.s32 $0x5400;
	s9 =	simm.s32 $0x7C00  }
0x7a: {  	s24 =	sadd.s32 $0xFFFFFE80, s23  }
0x7b: {  	s25 =	sand.u32 $0x7C00, s24  }
0x7c: {  	s24 =	sand.u32 $0x200, s24;
	s25 =	sadd.s32 s8, s25  }
0x7d: {  	s24 =	sor.u32 s24, s25  }
0x7e: {  	s24 =	sshrl.u32 s24, $0x3  }
0x7f: {  	s25 =	sadd.s32 s4, s24  }
0x80: {  	[tilespmem:s2], [sflag:$0x1] =	stream.linear.gather [hbm4b:s25+s2], $0x80, $0x38;
	[tilespmem:$0x1E400] =	vst v63  }
0x81: {  	_ =	swait.ge [sflag:s10], $0x2800  }
0x82: {  	s29 =	simm.s32 $0x200;
	[sflag:s10] =	ssyncset.done $0x0  }
0x83: {  	s24 =	sadd.s32 s5, s24;
	s25 =	simm.s32 $0x1;
	[sflag:s10] =	ssyncadd.s32 $0xFFFFD800  }
0x84: {  	[tilespmem:s29], [sflag:$0x5] =	stream.linear.gather [hbm4b:s24+s2], $0x80, $0x38;
	[tilespmem:$0x1E400] =	vst v63  }
0x85: {  	_ =	swait.ge [sflag:s25], $0x80  }
0x86: {  	[sflag:s25] =	ssyncset.done $0x0  }
0x87: {  	s24 =	sadd.s32 $0xFFFFFF00, s23;
	[sflag:s25] =	ssyncadd.s32 $0xFFFFFF80;
	s25 =	simm.s32 $0x400  }
0x88: {  	[tilespmem:s25], [sflag:$0x9] =	stream.indirect.gather [hbm4b:s7+s28], $0x80, s2, s28, $0xb8;
	[tilespmem:$0x1E400] =	vst v63  }
0x89: {  	s25 =	sand.u32 $0x7C00, s24  }
0x8a: {  	s24 =	sand.u32 $0x280, s24;
	s25 =	sadd.s32 s8, s25  }
0x8b: {  	s24 =	sor.u32 s24, s25  }
0x8c: {  	s24 =	sshrl.u32 s24, $0x3  }
0x8d: {  	s29 =	simm.s32 $0x80;
	s25 =	sadd.s32 s4, s24  }
0x8e: {  	[tilespmem:s29], [sflag:$0x2] =	stream.linear.gather [hbm4b:s25+s2], $0x80, $0x38;
	[tilespmem:$0x1E400] =	vst v63  }
0x8f: {  	_ =	swait.ge [sflag:s20], $0x2800  }
0x90: {  	[sflag:s20] =	ssyncset.done $0x0  }
0x91: {  	s31 =	simm.s32 $0x280;
	s24 =	sadd.s32 s5, s24;
	[sflag:s20] =	ssyncadd.s32 $0xFFFFD800  }
0x92: {  	[tilespmem:s31], [sflag:$0x6] =	stream.linear.gather [hbm4b:s24+s2], $0x80, $0x38;
	[tilespmem:$0x1E400] =	vst v63  }
0x93: {  	_ =	swait.ge [sflag:s30], $0x80  }
0x94: {  	[sflag:s30] =	ssyncset.done $0x0  }
0x95: {  	[sflag:s30] =	ssyncadd.s32 $0xFFFFFF80  }
0x96: {  	[tilespmem:s19], [sflag:$0xA] =	stream.indirect.gather [hbm4b:s7+s28], $0x80, s29, s28, $0xb8;
	[tilespmem:$0x1E400] =	vst v63  }
0x97: {  	s19 =	sadd.s32 $0xFFFFFF80, s23  }
0x98: {  	s31 =	sand.u32 $0x7C00, s19  }
0x99: {  	s24 =	sand.u32 $0x300, s19;
	s25 =	sadd.s32 s8, s31  }
0x9a: {  	s24 =	sor.u32 s24, s25  }
0x9b: {  	s24 =	sshrl.u32 s24, $0x3  }
0x9c: {  	s31 =	simm.s32 $0x100;
	s19 =	sadd.s32 s4, s24  }
0x9d: {  	[tilespmem:s31], [sflag:$0x3] =	stream.linear.gather [hbm4b:s19+s2], $0x80, $0x38;
	[tilespmem:$0x1E400] =	vst v63  }
0x9e: {  	_ =	swait.ge [sflag:s21], $0x2800  }
0x9f: {  	[sflag:s21] =	ssyncset.done $0x0  }
0xa0: {  	s25 =	simm.s32 $0x300;
	s24 =	sadd.s32 s5, s24;
	[sflag:s21] =	ssyncadd.s32 $0xFFFFD800  }
0xa1: {  	[tilespmem:s25], [sflag:$0x7] =	stream.linear.gather [hbm4b:s24+s2], $0x80, $0x38;
	[tilespmem:$0x1E400] =	vst v63  }
0xa2: {  	_ =	swait.ge [sflag:s0], $0x80  }
0xa3: {  	[sflag:s0] =	ssyncset.done $0x0  }
0xa4: {  	s25 =	sand.u32 $0x7C00, s23;
	[sflag:s0] =	ssyncadd.s32 $0xFFFFFF80  }
0xa5: {  	[tilespmem:s3], [sflag:$0xB] =	stream.indirect.gather [hbm4b:s7+s28], $0x80, s31, s28, $0xb8;
	[tilespmem:$0x1E400] =	vst v63  }
0xa6: {  	s24 =	sadd.s32 s8, s25;
	s31 =	sand.u32 $0x380, s23  }
0xa7: {  	s24 =	sor.u32 s31, s24  }
0xa8: {  	s24 =	sshrl.u32 s24, $0x3  }
0xa9: {  	s19 =	simm.s32 $0x180;
	s3 =	sadd.s32 s4, s24  }
0xaa: {  	[tilespmem:s19], [sflag:$0x4] =	stream.linear.gather [hbm4b:s3+s2], $0x80, $0x38;
	[tilespmem:$0x1E400] =	vst v63  }
0xab: {  	_ =	swait.ge [sflag:s22], $0x2800  }
0xac: {  	[sflag:s22] =	ssyncset.done $0x0  }
0xad: {  	s24 =	sadd.s32 s5, s24;
	[sflag:s22] =	ssyncadd.s32 $0xFFFFD800  }
0xae: {  	[tilespmem:s26], [sflag:$0x8] =	stream.linear.gather [hbm4b:s24+s2], $0x80, $0x38;
	[tilespmem:$0x1E400] =	vst v63  }
.Ltmp3:
0xaf: {  	_ =	swait.ge [sflag:s6], $0x80;
	(pc) =	sbr.rel .LBB2_2-.Ltmp3, $4  }
0xb0: {  	s29 =	simm.s32 $0x280;
	s25 =	simm.s32 $0x380;
	[sflag:s6] =	ssyncset.done $0x0  }
0xb1: {  	s23 =	sadd.s32 $0x200, s23;
	s3 =	simm.s32 $0x5400;
	[sflag:s6] =	ssyncadd.s32 $0xFFFFFF80  }
0xb2: {  	[tilespmem:s9], [sflag:$0xC] =	stream.indirect.gather [hbm4b:s7+s28], $0x80, s19, s28, $0xb8;
	[tilespmem:$0x1E400] =	vst v63  }
0xb3: {  	s24 =	simm.s32 $0x200;
	s19 =	simm.s32 $0x2C00;
	s9 =	simm.s32 $0x7C00  }
.LBB2_5:
0xb4: {  	_ =	sfence.sel $0x180000  }
0xb5: {  	[bflag:$0x0] =	sbarrier.arrive $0xFFFF  }
0xb6: {  	_ =	strace $0x9000004D  }
0xb7: {  	s0 =	stileid.u32;
	[bflag:$0x2] =	sbarrier.arrive $0xFFFF  }
0xb8: {  	p0 =	sne.s32 s0, $0x0;
	s0 =	rddreg [dreg:$0x2]  }
0xb9: {  	s0 =	sadd.s32 @!p0 $0x100000, s0  }
0xba: {  	[sflag:s0] =	ssyncadd.tile.s32 @!p0 $0x1;
	_ =	shalt  }
.Lfunc_end2:
_tile_overlayer_lowered:
.L_overlay_start_2:
0xbb: {  	(tag) =	ssettag $0x2  }
0xbc: {  	s0 =	rddreg [dreg:$0x0];
	s2 =	stileid.u32  }
0xbd: {  	s1 =	rddreg [dreg:$0x1];
	p0 =	sne.s32 s2, $0x0  }
0xbe: {  	s3 =	rddreg [dreg:$0x2];
	[bflag:$0x3] =	sbarrier.arrive $0xFFFF;
	s2 =	simm.s32 @!p0 $0x1C11  }
0xbf: {  	[timem:s3], [sflag:s2] =	dma.local @!p0 [hbm:s0], s1  }
0xc0: {  	s0 =	simm.s32 @!p0 $0x11  }
0xc1: {  	_ =	swait.ge @!p0 [sflag:s0], s1  }
0xc2: {  	s1 =	ssub.s32 @!p0 $0x0, s1;
	[sflag:s0] =	ssyncset.done @!p0 $0x0  }
0xc3: {  	[sflag:s0] =	ssyncadd.s32 @!p0 s1  }
0xc4: {  	[bflag:$0x3] =	sbarrier.arrive $0xFFFF  }
0xc5: {  	_ =	shalt  }

// kernel: kernel.9.cloned.1.call-start
scs
__scs_entry_jumppad:
0x0: {  	(pc) =	sbr.rel $0x88, $3  }
0x1: {  	(tag) =	ssettag $0x0;
	lr =	simm.s32 $0x1  }
0x2: {  	[smem:$0x3F94] =	sst lr;
	_ =	strace $0xD0000000  }
0x3: {  	_ = 	snop  }
0x4: {  	_ = 	snop  }
0x5: {  	_ = 	snop  }
0x6: {  	_ = 	snop  }
0x7: {  	_ = 	snop  }
__scs_overlays_trampoline_lowered:
0x8: {  	[smem:$0x3FA3] =	sst s0  }
0x9: {  	[smem:$0x3FA4] =	sst s1  }
0xa: {  	[smem:$0x3FA5] =	sst s2  }
0xb: {  	[smem:$0x3FA6] =	sst s3  }
0xc: {  	[smem:$0x3FA7] =	sst s4  }
0xd: {  	[smem:$0x3FA8] =	sst s5  }
0xe: {  	[smem:$0x3FA9] =	sst s6  }
0xf: {  	[smem:$0x3FAA] =	sst s7  }
0x10: {  	[smem:$0x3FAB] =	sst s8  }
0x11: {  	[smem:$0x3FAC] =	sst s9;
	s0 =	simm.s32 @!p0 $0x0  }
0x12: {  	s1 =	sld [smem:$0x3F92];
	s0 =	simm.s32 @p0 $0x1  }
0x13: {  	[smem:$0x3FAD] =	sst s0;
	s0 =	simm.s32 @!p1 $0x0  }
0x14: {  	s2 =	sld [smem:$0x3F91];
	s0 =	simm.s32 @p1 $0x1  }
0x15: {  	[smem:$0x3FAE] =	sst s0;
	s0 =	simm.s32 @!p2 $0x0  }
0x16: {  	s3 =	sld [smem:$0x3FDB];
	s0 =	simm.s32 @p2 $0x1  }
0x17: {  	s4 =	simm.s32 $0x1BF5;
	[smem:$0x3FB0] =	sst s0  }
0x18: {  	s0 =	sld [smem:$0x3F93];
	_ =	swait.ge [sflag:s4], $0x0  }
0x19: {  	s7 =	sld [smem:$0x3F94]  }
0x1a: {  	s8 =	sadd.s32 $0xFFFFE003, lr  }
0x1b: {  	s9 =	sadd.s32 $0xFFFFFEF7, lr;
	s5 =	simm.s32 $0xFFFFFFFF;
	p2 =	slt.u32 s8, $0xFFFFF086  }
0x1c: {  	p1 =	slt.u32 s9, $0xF7A;
	s5 =	simm.s32 @!p2 $0x0  }
0x1d: {  	s5 =	simm.s32 @p1 $0x1;
	p0 =	seq.s32 s7, s2  }
0x1e: {  	s7 =	smul.u32 @!p0 $0xF7A, s2;
	p2 =	seq.s32 @!p0 s5, $0x0  }
0x1f: {  	s9 =	smul.u32 $0xF7A, s1;
	s8 =	simm.s32 @!p0 $0x1BF5;
	p2 =	por !p2, p0  }
0x20: {  	[sflag:s8] =	ssyncset.s32 @!p0 $0xFFFFF086;
	s6 =	sadd.s32 @!p0 s3, s7;
	s7 =	simm.s32 @!p0 $0x108  }
0x21: {  	s3 =	sadd.s32 s3, s9;
	s6 =	sadd.s32 @!p0 $0x88, s6;
	s7 =	simm.s32 @p2 $0x1082  }
0x22: {  	[simem:s7], [sflag:s8] =	dma.local @!p0 [hbm:s6], $0xF7A  }
0x23: {  	s9 =	sor.u32 $0xD0000000, s2;
	s6 =	simm.s32 $0x108;
	_ =	swait.ge @!p0 [sflag:s8], $0x0  }
0x24: {  	s3 =	sadd.s32 $0x88, s3;
	s6 =	simm.s32 @!p1 $0x1082;
	[sflag:s4] =	ssyncset.s32 $0xFFFFF086  }
0x25: {  	[simem:s6], [sflag:s4] =	dma.local [hbm:s3], $0xF7A  }
0x26: {  	[smem:$0x3F94] =	sst s1;
	(tag) =	ssettag s2;
	_ =	strace s9  }
0x27: {  	s1 =	sld [smem:$0x3FA4]  }
0x28: {  	s2 =	sld [smem:$0x3FA5]  }
0x29: {  	s4 =	sld [smem:$0x3FA7]  }
0x2a: {  	p0 =	seq.s32 s5, $0x0;
	s5 =	sld [smem:$0x3FA8]  }
0x2b: {  	s6 =	sld [smem:$0x3FA9]  }
0x2c: {  	s7 =	sld [smem:$0x3FAA]  }
0x2d: {  	s3 =	simm.s32 $0x108;
	s8 =	sld [smem:$0x3FAB]  }
0x2e: {  	s3 =	simm.s32 @!p0 $0x1082;
	s9 =	sld [smem:$0x3FAC]  }
0x2f: {  	lr =	sadd.s32 s0, s3;
	s0 =	sld [smem:$0x3FA3]  }
0x30: {  	s3 =	sld [smem:$0x3FA6]  }
0x31: {  	[smem:$0x3FAF] =	sst s10  }
0x32: {  	s10 =	sld [smem:$0x3FAD];
	_ =	sdelay $0x3  }
0x33: {  	p0 =	seq.s32 s10, $0x1;
	s10 =	sld [smem:$0x3FAF];
	_ =	sdelay $0x3  }
0x34: {  	[smem:$0x3FAF] =	sst s10  }
0x35: {  	s10 =	sld [smem:$0x3FAE];
	_ =	sdelay $0x3  }
0x36: {  	p1 =	seq.s32 s10, $0x1;
	s10 =	sld [smem:$0x3FAF];
	_ =	sdelay $0x3  }
0x37: {  	[smem:$0x3FAF] =	sst s10  }
0x38: {  	s10 =	sld [smem:$0x3FB0]  }
0x39: {  	_ = 	snop;
	(pc) =	sbr.ind lr, $3  }
0x3a: {  	_ = 	snop  }
0x3b: {  	_ = 	snop  }
0x3c: {  	p2 =	seq.s32 s10, $0x1;
	s10 =	sld [smem:$0x3FAF]  }
0x3d: {  	_ =	shalt  }
0x3e: {  	_ =	shalt  }
0x3f: {  	_ =	shalt  }
0x40: {  	_ =	shalt  }
0x41: {  	_ =	shalt  }
0x42: {  	_ =	shalt  }
0x43: {  	_ =	shalt  }
0x44: {  	_ =	shalt  }
0x45: {  	_ =	shalt  }
0x46: {  	_ =	shalt  }
0x47: {  	_ =	shalt  }
0x48: {  	_ =	shalt  }
0x49: {  	_ =	shalt  }
0x4a: {  	_ =	shalt  }
0x4b: {  	_ =	shalt  }
0x4c: {  	_ =	shalt  }
0x4d: {  	_ =	shalt  }
0x4e: {  	_ =	shalt  }
0x4f: {  	_ =	shalt  }
0x50: {  	_ =	shalt  }
0x51: {  	_ =	shalt  }
0x52: {  	_ =	shalt  }
0x53: {  	_ =	shalt  }
0x54: {  	_ =	shalt  }
0x55: {  	_ =	shalt  }
0x56: {  	_ =	shalt  }
0x57: {  	_ =	shalt  }
0x58: {  	_ =	shalt  }
0x59: {  	_ =	shalt  }
0x5a: {  	_ =	shalt  }
0x5b: {  	_ =	shalt  }
0x5c: {  	_ =	shalt  }
0x5d: {  	_ =	shalt  }
0x5e: {  	_ =	shalt  }
0x5f: {  	_ =	shalt  }
0x60: {  	_ =	shalt  }
0x61: {  	_ =	shalt  }
0x62: {  	_ =	shalt  }
0x63: {  	_ =	shalt  }
0x64: {  	_ =	shalt  }
0x65: {  	_ =	shalt  }
0x66: {  	_ =	shalt  }
0x67: {  	_ =	shalt  }
0x68: {  	_ =	shalt  }
0x69: {  	_ =	shalt  }
0x6a: {  	_ =	shalt  }
0x6b: {  	_ =	shalt  }
0x6c: {  	_ =	shalt  }
0x6d: {  	_ =	shalt  }
0x6e: {  	_ =	shalt  }
0x6f: {  	_ =	shalt  }
0x70: {  	_ =	shalt  }
0x71: {  	_ =	shalt  }
0x72: {  	_ =	shalt  }
0x73: {  	_ =	shalt  }
0x74: {  	_ =	shalt  }
0x75: {  	_ =	shalt  }
0x76: {  	_ =	shalt  }
0x77: {  	_ =	shalt  }
0x78: {  	_ =	shalt  }
0x79: {  	_ =	shalt  }
0x7a: {  	_ =	shalt  }
0x7b: {  	_ =	shalt  }
0x7c: {  	_ =	shalt  }
0x7d: {  	_ =	shalt  }
0x7e: {  	_ =	shalt  }
0x7f: {  	_ =	shalt  }
0x80: {  	_ =	shalt  }
0x81: {  	_ =	shalt  }
0x82: {  	_ =	shalt  }
0x83: {  	_ =	shalt  }
0x84: {  	_ =	shalt  }
0x85: {  	_ =	shalt  }
0x86: {  	_ =	shalt  }
0x87: {  	_ =	shalt  }
.Lfunc_end0:
.L_simem_size_0:
called_computation_lowered:
.L_overlay_start_0:
0x88: {  	s2 =	sld [smem:$0x3FD9]  }
0x89: {  	s3 =	sld [smem:$0x3FFE];
	_ =	sdelay $0x1  }
0x8a: {  	s1 =	srdreg.scid  }
0x8b: {  	s0 =	sand.u32 $0x1, s1  }
0x8c: {  	s17 =	sshll.u32 s0, $0xA;
	s2 =	sadd.s32 s3, s2  }
0x8d: {  	s2 =	sadd.s32 s2, s17  }
0x8e: {  	[smem:$0x3FBB] =	sst s2  }
0x8f: {  	_ = 	snop  }
0x90: {  	s2 =	sld [smem:$0x3FC9];
	(tm) =	ssettm $0x1  }
0x91: {  	s18 =	sld [smem:$0x3FFB];
	_ =	sdelay $0x3  }
0x92: {  	_ =	strace s18  }
0x93: {  	s3 =	sld [smem:$0x3FFC];
	_ =	sdelay $0x3  }
0x94: {  	_ =	strace s3  }
0x95: {  	s3 =	sld [smem:$0x3FFD];
	_ =	sdelay $0x3  }
0x96: {  	_ =	strace s3  }
0x97: {  	_ =	strace $0x8FFFFFFF  }
0x98: {  	s19 =	sld [smem:$0x3FDB];
	_ =	sdelay $0x1  }
0x99: {  	s4 =	simm.s32 $_scs_section_size  }
0x9a: {  	s5 =	simm.s32 $_size__tile_overlayer_lowered;
	s6 =	simm.s32 $_tile_overlayer_lowered  }
0x9b: {  	s22 =	simm.s32 $0x1BFF;
	s21 =	sshll.u32 s6, $0x1;
	s3 =	sadd.s32 s4, s19  }
0x9c: {  	s7 =	simm.s32 $0x0;
	s20 =	sshll.u32 s5, $0x1;
	s5 =	sadd.s32 s21, s3  }
0x9d: {  	[timem:s7], [sflag:s22] =	dma.local [hbm:s5], s20  }
0x9e: {  	_ =	swait.ge [sflag:s22], s20  }
0x9f: {  	s4 =	ssub.s32 $0x0, s20;
	[sflag:s22] =	ssyncset.done $0x0  }
0xa0: {  	[sflag:s22] =	ssyncadd.s32 s4;
	_ =	sdelay $0x1  }
0xa1: {  	s23 =	simm.s32 $0x1B8B  }
0xa2: {  	_ =	swait.ge [sflag:s23], $0x1  }
0xa3: {  	[sflag:s23] =	ssyncset.done $0x0  }
0xa4: {  	s25 =	simm.s32 $0x1B8E;
	s24 =	sld [smem:$0x3FFE];
	[sflag:s23] =	ssyncadd.s32 $0xFFFFFFFF  }
0xa5: {  	s26 =	simm.s32 $execute0_lowered;
	[smem:$0x3FD2] =	sst s25  }
0xa6: {  	s5 =	sshll.u32 s26, $0x1;
	_ =	strace $0x80000046;
	[dreg:$0x1] =	wrdreg $0xFFFFFFFF  }
0xa7: {  	s28 =	simm.s32 $_size_execute0_lowered;
	s3 =	sadd.s32 s3, s5;
	[dreg:$0x0] =	wrdreg $0x0  }
0xa8: {  	s5 =	sshll.u32 s28, $0x1;
	[dreg:$0x2] =	wrdreg s3  }
0xa9: {  	[dreg:$0x3] =	wrdreg s5  }
0xaa: {  	[dreg:$0x4] =	wrdreg $0xC0  }
0xab: {  	_ =	task [dreg:s7], $0x5FFFF  }
0xac: {  	[dreg:$0x1] =	wrdreg $0xFFFFFFFF  }
0xad: {  	[dreg:$0x0] =	wrdreg $0x60  }
0xae: {  	[dreg:$0x2] =	wrdreg s24  }
0xaf: {  	[dreg:$0x3] =	wrdreg s2  }
0xb0: {  	[dreg:$0x4] =	wrdreg $0xA4000  }
0xb1: {  	[dreg:$0x5] =	wrdreg $0x9  }
0xb2: {  	_ =	task.clear_ibuf [dreg:s7], $0x6FFFF;
	_ =	strace $0x90000046  }
0xb3: {  	s29 =	simm.s32 $0x9;
	_ =	strace $0x80000048  }
0xb4: {  	_ =	swait.ge [sflag:s29], $0x1  }
0xb5: {  	[sflag:s29] =	ssyncadd.s32 $0xFFFFFFFF  }
0xb6: {  	_ =	strace $0x90000048  }
0xb7: {  	_ =	sfence  }
0xb8: {  	s30 =	sld [smem:$0x0];
	_ =	sdelay $0x2  }
0xb9: {  	s31 =	sshll.u32 s1, $0xD;
	s1 =	sshrl.u32 s1, $0x2  }
0xba: {  	s3 =	sand.u32 $0x4000, s31;
	s1 =	sadd.s32 s1, s30  }
0xbb: {  	s0 =	sor.u32 s3, s0;
	s1 =	sshll.u32 s1, $0x11  }
0xbc: {  	s0 =	sor.u32 s1, s0  }
0xbd: {  	s0 =	sadd.s32 $0x8F2B, s0  }
0xbe: {  	[sflag:s0] =	ssyncadd.remote.s32 $0x1  }
0xbf: {  	_ =	sfence.sel $0xFFFF  }
0xc0: {  	[dreg:$0x0] =	wrdreg $0xFFFFFFFF;
	(pc) =	sbr.abs _section_cstart, $3  }
0xc1: {  	[dreg:$0x1] =	wrdreg $0xFFFFFFFF  }
0xc2: {  	_ =	task.clear_ibuf [dreg:s7], $0x2FFFF;
	_ =	strace $0x9FFFFFFF  }
0xc3: {  	(tm) =	ssettm $0x7FFFFFFF  }
tec
execute0_lowered:
.L_overlay_start_1:
0x0: {  	(tag) =	ssettag $0x1  }
0x1: {  	s0 =	rddreg [dreg:$0x0]  }
0x2: {  	s1 =	rddreg [dreg:$0x1]  }
0x3: {  	s2 =	rddreg [dreg:$0x2];
	s3 =	simm.s32 $0x0;
	s4 =	srdreg.scid  }
0x4: {  	s11 =	stileid.u32;
	s29 =	simm.s32 $0x280;
	s28 =	simm.s32 $0x50  }
0x5: {  	s30 =	simm.s32 $0x2;
	s13 =	simm.s32 $0xA;
	s14 =	simm.s32 $0x6  }
0x6: {  	s15 =	simm.s32 $0xB;
	s16 =	simm.s32 $0x7;
	[smem:$0x7FF] =	sst s3  }
0x7: {  	s5 =	sadd.s32 $0x2800, s0;
	s6 =	sadd.s32 $0x12800, s0;
	s4 =	sand.u32 $0x1, s4  }
0x8: {  	s7 =	smul.u32 $0x2800, s11;
	s10 =	sshll.u32 s11, $0xE;
	s12 =	sadd.s32 $0x22800, s0  }
0x9: {  	s23 =	smul.u32 $0x50000, s11;
	s11 =	simm.s32 $0x9;
	_ =	strace $0x80000047  }
0xa: {  	s9 =	smul.u32 $0x28000, s4;
	s8 =	sshll.u32 s4, $0x12;
	[dreg:$0x4] =	wrdreg s12  }
0xb: {  	s4 =	ssub.s32 $0x2, s4;
	s12 =	simm.s32 $0x5;
	s8 =	sor.u32 s10, s8  }
0xc: {  	s17 =	sshrl.u32 s4, $0x1;
	s26 =	sshrl.u32 s23, $0x2;
	s7 =	sadd.s32 s7, s9  }
0xd: {  	s10 =	sshrl.u32 s8, $0x3;
	s4 =	ssub.s32 s4, s17;
	s17 =	simm.s32 $0xC  }
0xe: {  	s9 =	simm.s32 $0x0;
	s0 =	sadd.s32 s7, s0;
	s19 =	sadd.s32 s5, s10  }
0xf: {  	s18 =	sor.u32 $0x10, s10;
	s20 =	sadd.s32 s6, s10;
	[dreg:$0x5] =	wrdreg s19  }
0x10: {  	s22 =	sor.u32 $0x20, s10;
	s31 =	smax.u32 s4, $0x1;
	[dreg:$0x6] =	wrdreg s20  }
0x11: {  	s25 =	sor.u32 $0x30, s10;
	s21 =	sadd.s32 s5, s18;
	[dreg:$0xf] =	wrdreg s31  }
0x12: {  	s7 =	sadd.s32 s6, s18;
	s24 =	sadd.s32 s5, s22;
	[dreg:$0x7] =	wrdreg s21  }
0x13: {  	s10 =	sadd.s32 s5, s25;
	s0 =	sadd.s32 $0x25000, s0;
	[dreg:$0x8] =	wrdreg s7  }
0x14: {  	s18 =	simm.s32 $0x8;
	s20 =	simm.s32 $0xE;
	[dreg:$0x9] =	wrdreg s24  }
.Ltmp0:
0x15: {  	s7 =	sadd.s32 s6, s22;
	[dreg:$0xb] =	wrdreg s10;
	(pc) =	sbr.rel .LBB2_1-.Ltmp0, $4  }
0x16: {  	[dreg:$0xe] =	wrdreg s0;
	s24 =	simm.s32 $0x200;
	s0 =	simm.s32 $0x3  }
0x17: {  	s10 =	simm.s32 $0xD;
	[dreg:$0xa] =	wrdreg s7;
	s7 =	sadd.s32 s6, s25  }
0x18: {  	s21 =	simm.s32 $0xF;
	[dreg:$0xc] =	wrdreg s7;
	s7 =	sadd.s32 s26, s2  }
0x19: {  	s22 =	simm.s32 $0x10;
	[dreg:$0xd] =	wrdreg s7;
	s7 =	simm.s32 $0x4  }
.LBB2_4:
0x1a: {  	_ =	swait.ge [sflag:s10], $0x2800  }
0x1b: {  	[sflag:s10] =	ssyncset.done $0x0  }
0x1c: {  	[sflag:s10] =	ssyncadd.s32 $0xFFFFD800  }
0x1d: {  	_ =	swait.ge [sflag:s20], $0x2800  }
0x1e: {  	[sflag:s20] =	ssyncset.done $0x0  }
0x1f: {  	[sflag:s20] =	ssyncadd.s32 $0xFFFFD800  }
0x20: {  	_ =	swait.ge [sflag:s21], $0x2800  }
0x21: {  	[sflag:s21] =	ssyncset.done $0x0  }
0x22: {  	[sflag:s21] =	ssyncadd.s32 $0xFFFFD800  }
0x23: {  	_ =	swait.ge [sflag:s22], $0x2800  }
0x24: {  	[sflag:s22] =	ssyncset.done $0x0  }
0x25: {  	[sflag:s22] =	ssyncadd.s32 $0xFFFFD800  }
0x26: {  	[bflag:$0x0] =	sbarrier.arrive $0xFFFF  }
0x27: {  	s23 =	rddreg [dreg:$0xe]  }
0x28: {  	s4 =	rddreg [dreg:$0x11]  }
0x29: {  	s25 =	simm.s32 $0x11;
	s9 =	rddreg [dreg:$0x12]  }
0x2a: {  	[hbm:s23], [sflag:s4] =	dma.local [spmem:s9], $0x2800  }
0x2b: {  	_ =	swait.ge [sflag:s25], $0x2800  }
0x2c: {  	s26 =	rddreg [dreg:$0x10]  }
0x2d: {  	s31 =	rddreg [dreg:$0xf];
	s9 =	sadd.s32 $0x1, s26  }
0x2e: {  	p0 =	sne.s32 s9, s31  }
.Ltmp1:
0x2f: {  	_ = 	snop;
	(pc) =	sbr.rel @!p0 .LBB2_5-.Ltmp1, $3  }
0x30: {  	_ =	sdelay $0x1  }
0x31: {  	[sflag:s25] =	ssyncset.done $0x0  }
0x32: {  	[sflag:s25] =	ssyncadd.s32 $0xFFFFD800  }
.LBB2_1:
0x33: {  	[dreg:$0x10] =	wrdreg s9  }
0x34: {  	s23 =	rddreg [dreg:$0x5]  }
0x35: {  	[tilespmem:s3], [sflag:$0x1] =	stream.linear.gather [hbm4b:s23+s3], $0x80, $0x38;
	[tilespmem:$0x1E400] =	vst v63  }
0x36: {  	s25 =	rddreg [dreg:$0x6]  }
0x37: {  	[tilespmem:s24], [sflag:$0x5] =	stream.linear.gather [hbm4b:s25+s3], $0x80, $0x38;
	[tilespmem:$0x1E400] =	vst v63  }
0x38: {  	s26 =	rddreg [dreg:$0x7];
	s25 =	simm.s32 $0x80  }
0x39: {  	[tilespmem:s25], [sflag:$0x2] =	stream.linear.gather [hbm4b:s26+s3], $0x80, $0x38;
	[tilespmem:$0x1E400] =	vst v63  }
0x3a: {  	s31 =	rddreg [dreg:$0x8]  }
0x3b: {  	[tilespmem:s29], [sflag:$0x6] =	stream.linear.gather [hbm4b:s31+s3], $0x80, $0x38;
	[tilespmem:$0x1E400] =	vst v63  }
0x3c: {  	s4 =	rddreg [dreg:$0x9];
	s31 =	simm.s32 $0x100  }
0x3d: {  	[tilespmem:s31], [sflag:$0x3] =	stream.linear.gather [hbm4b:s4+s3], $0x80, $0x38;
	[tilespmem:$0x1E400] =	vst v63  }
0x3e: {  	s9 =	rddreg [dreg:$0xa];
	s4 =	simm.s32 $0x300  }
0x3f: {  	[tilespmem:s4], [sflag:$0x7] =	stream.linear.gather [hbm4b:s9+s3], $0x80, $0x38;
	[tilespmem:$0x1E400] =	vst v63  }
0x40: {  	s19 =	rddreg [dreg:$0xb];
	s26 =	simm.s32 $0x180  }
0x41: {  	[tilespmem:s26], [sflag:$0x4] =	stream.linear.gather [hbm4b:s19+s3], $0x80, $0x38;
	[tilespmem:$0x1E400] =	vst v63  }
0x42: {  	s4 =	rddreg [dreg:$0xc];
	s9 =	simm.s32 $0x380;
	s19 =	simm.s32 $0x1  }
0x43: {  	[tilespmem:s9], [sflag:$0x8] =	stream.linear.gather [hbm4b:s4+s3], $0x80, $0x38;
	[tilespmem:$0x1E400] =	vst v63  }
0x44: {  	_ =	swait.ge [sflag:s19], $0x80  }
0x45: {  	[sflag:s19] =	ssyncset.done $0x0  }
0x46: {  	s23 =	simm.s32 $0x400;
	[sflag:s19] =	ssyncadd.s32 $0xFFFFFF80  }
0x47: {  	[tilespmem:s23], [sflag:$0x9] =	stream.indirect.gather [hbm4b:s1+s28], $0x80, s3, s28, $0xb8;
	[tilespmem:$0x1E400] =	vst v63  }
0x48: {  	_ =	swait.ge [sflag:s30], $0x80  }
0x49: {  	[sflag:s30] =	ssyncset.done $0x0  }
0x4a: {  	s19 =	simm.s32 $0x2C00;
	[sflag:s30] =	ssyncadd.s32 $0xFFFFFF80  }
0x4b: {  	[tilespmem:s19], [sflag:$0xA] =	stream.indirect.gather [hbm4b:s1+s28], $0x80, s25, s28, $0xb8;
	[tilespmem:$0x1E400] =	vst v63  }
0x4c: {  	_ =	swait.ge [sflag:s0], $0x80  }
0x4d: {  	[sflag:s0] =	ssyncset.done $0x0  }
0x4e: {  	s4 =	simm.s32 $0x5400;
	[sflag:s0] =	ssyncadd.s32 $0xFFFFFF80  }
0x4f: {  	[tilespmem:s4], [sflag:$0xB] =	stream.indirect.gather [hbm4b:s1+s28], $0x80, s31, s28, $0xb8;
	[tilespmem:$0x1E400] =	vst v63  }
0x50: {  	_ =	swait.ge [sflag:s7], $0x80  }
0x51: {  	[sflag:s7] =	ssyncset.done $0x0  }
0x52: {  	s9 =	simm.s32 $0x7C00;
	s31 =	rddreg [dreg:$0xd];
	[sflag:s7] =	ssyncadd.s32 $0xFFFFFF80  }
0x53: {  	[tilespmem:s9], [sflag:$0xC] =	stream.indirect.gather [hbm4b:s1+s28], $0x80, s26, s28, $0xb8;
	[tilespmem:$0x1E400] =	vst v63  }
0x54: {  	s31 =	sshrl.u32 s31, $0x3;
	s26 =	stileid.u32  }
0x55: {  	[dreg:$0x12] =	wrdreg s31;
	s23 =	sshll.u32 s26, $0x6  }
0x56: {  	s26 =	sor.u32 $0x1C11, s23;
	s23 =	rddreg [dreg:$0x4]  }
0x57: {  	s25 =	simm.s32 $0x11;
	[dreg:$0x11] =	wrdreg s26  }
0x58: {  	[spmem:s31], [sflag:s26] =	dma.local [hbm:s23], $0x2800  }
0x59: {  	_ =	swait.ge [sflag:s25], $0x2800  }
0x5a: {  	[sflag:s25] =	ssyncset.done $0x0  }
0x5b: {  	s19 =	simm.s32 $0x2C00;
	[sflag:s25] =	ssyncadd.s32 $0xFFFFD800  }
0x5c: {  	s23 =	simm.s32 $0x380;
	s25 =	simm.s32 $0x380;
	[bflag:$0x0] =	sbarrier.arrive $0xFFFF  }
.LBB2_2:
0x5d: {  	_ =	swait.ge [sflag:s11], $0x2800  }
0x5e: {  	[sflag:s11] =	ssyncset.done $0x0  }
0x5f: {  	[sflag:s11] =	ssyncadd.s32 $0xFFFFD800  }
0x60: {  	_ =	swait.ge [sflag:s12], $0x80  }
0x61: {  	[sflag:s12] =	ssyncset.done $0x0  }
0x62: {  	s26 =	simm.s32 $0x400;
	[sflag:s12] =	ssyncadd.s32 $0xFFFFFF80  }
0x63: {  	[spmem:s2] =	stream.indirect.scatter.add.f32 [tilespmem:s26], [sflag:$0xD], $0x80, s24, s28, $0xb8;
	[tilespmem:$0x1E400] =	vst v63  }
0x64: {  	_ =	swait.ge [sflag:s13], $0x2800  }
0x65: {  	[sflag:s13] =	ssyncset.done $0x0  }
0x66: {  	[sflag:s13] =	ssyncadd.s32 $0xFFFFD800  }
0x67: {  	_ =	swait.ge [sflag:s14], $0x80  }
0x68: {  	[sflag:s14] =	ssyncset.done $0x0  }
0x69: {  	[sflag:s14] =	ssyncadd.s32 $0xFFFFFF80  }
0x6a: {  	[spmem:s2] =	stream.indirect.scatter.add.f32 [tilespmem:s19], [sflag:$0xE], $0x80, s29, s28, $0xb8;
	[tilespmem:$0x1E400] =	vst v63  }
0x6b: {  	_ =	swait.ge [sflag:s15], $0x2800  }
0x6c: {  	[sflag:s15] =	ssyncset.done $0x0  }
0x6d: {  	[sflag:s15] =	ssyncadd.s32 $0xFFFFD800  }
0x6e: {  	_ =	swait.ge [sflag:s16], $0x80  }
0x6f: {  	[sflag:s16] =	ssyncset.done $0x0  }
0x70: {  	s31 =	simm.s32 $0x300;
	[sflag:s16] =	ssyncadd.s32 $0xFFFFFF80  }
0x71: {  	[spmem:s2] =	stream.indirect.scatter.add.f32 [tilespmem:s4], [sflag:$0xF], $0x80, s31, s28, $0xb8;
	[tilespmem:$0x1E400] =	vst v63  }
0x72: {  	_ =	swait.ge [sflag:s17], $0x2800  }
0x73: {  	[sflag:s17] =	ssyncset.done $0x0  }
0x74: {  	p0 =	seq.s32 s23, $0x4180;
	[sflag:s17] =	ssyncadd.s32 $0xFFFFD800  }
.Ltmp2:
0x75: {  	_ =	swait.ge [sflag:s18], $0x80;
	(pc) =	sbr.rel @p0 .LBB2_4-.Ltmp2, $4  }
0x76: {  	[sflag:s18] =	ssyncset.done $0x0  }
0x77: {  	s26 =	simm.s32 $0x380;
	[sflag:s18] =	ssyncadd.s32 $0xFFFFFF80  }
0x78: {  	[spmem:s2] =	stream.indirect.scatter.add.f32 [tilespmem:s9], [sflag:$0x10], $0x80, s25, s28, $0xb8;
	[tilespmem:$0x1E400] =	vst v63  }
0x79: {  	s19 =	simm.s32 $0x2C00;
	s4 =	simm.s32 $0x5400;
	s9 =	simm.s32 $0x7C00  }
0x7a: {  	s24 =	sadd.s32 $0xFFFFFE80, s23  }
0x7b: {  	s25 =	sand.u32 $0x7C00, s24  }
0x7c: {  	s24 =	sand.u32 $0x200, s24;
	s25 =	sadd.s32 s8, s25  }
0x7d: {  	s24 =	sor.u32 s24, s25  }
0x7e: {  	s24 =	sshrl.u32 s24, $0x3  }
0x7f: {  	s25 =	sadd.s32 s5, s24  }
0x80: {  	[tilespmem:s3], [sflag:$0x1] =	stream.linear.gather [hbm4b:s25+s3], $0x80, $0x38;
	[tilespmem:$0x1E400] =	vst v63  }
0x81: {  	_ =	swait.ge [sflag:s10], $0x2800  }
0x82: {  	s29 =	simm.s32 $0x200;
	[sflag:s10] =	ssyncset.done $0x0  }
0x83: {  	s24 =	sadd.s32 s6, s24;
	s25 =	simm.s32 $0x1;
	[sflag:s10] =	ssyncadd.s32 $0xFFFFD800  }
0x84: {  	[tilespmem:s29], [sflag:$0x5] =	stream.linear.gather [hbm4b:s24+s3], $0x80, $0x38;
	[tilespmem:$0x1E400] =	vst v63  }
0x85: {  	_ =	swait.ge [sflag:s25], $0x80  }
0x86: {  	[sflag:s25] =	ssyncset.done $0x0  }
0x87: {  	s24 =	sadd.s32 $0xFFFFFF00, s23;
	[sflag:s25] =	ssyncadd.s32 $0xFFFFFF80;
	s25 =	simm.s32 $0x400  }
0x88: {  	[tilespmem:s25], [sflag:$0x9] =	stream.indirect.gather [hbm4b:s1+s28], $0x80, s3, s28, $0xb8;
	[tilespmem:$0x1E400] =	vst v63  }
0x89: {  	s25 =	sand.u32 $0x7C00, s24  }
0x8a: {  	s24 =	sand.u32 $0x280, s24;
	s25 =	sadd.s32 s8, s25  }
0x8b: {  	s24 =	sor.u32 s24, s25  }
0x8c: {  	s24 =	sshrl.u32 s24, $0x3  }
0x8d: {  	s29 =	simm.s32 $0x80;
	s25 =	sadd.s32 s5, s24  }
0x8e: {  	[tilespmem:s29], [sflag:$0x2] =	stream.linear.gather [hbm4b:s25+s3], $0x80, $0x38;
	[tilespmem:$0x1E400] =	vst v63  }
0x8f: {  	_ =	swait.ge [sflag:s20], $0x2800  }
0x90: {  	[sflag:s20] =	ssyncset.done $0x0  }
0x91: {  	s31 =	simm.s32 $0x280;
	s24 =	sadd.s32 s6, s24;
	[sflag:s20] =	ssyncadd.s32 $0xFFFFD800  }
0x92: {  	[tilespmem:s31], [sflag:$0x6] =	stream.linear.gather [hbm4b:s24+s3], $0x80, $0x38;
	[tilespmem:$0x1E400] =	vst v63  }
0x93: {  	_ =	swait.ge [sflag:s30], $0x80  }
0x94: {  	[sflag:s30] =	ssyncset.done $0x0  }
0x95: {  	[sflag:s30] =	ssyncadd.s32 $0xFFFFFF80  }
0x96: {  	[tilespmem:s19], [sflag:$0xA] =	stream.indirect.gather [hbm4b:s1+s28], $0x80, s29, s28, $0xb8;
	[tilespmem:$0x1E400] =	vst v63  }
0x97: {  	s19 =	sadd.s32 $0xFFFFFF80, s23  }
0x98: {  	s31 =	sand.u32 $0x7C00, s19  }
0x99: {  	s24 =	sand.u32 $0x300, s19;
	s25 =	sadd.s32 s8, s31  }
0x9a: {  	s24 =	sor.u32 s24, s25  }
0x9b: {  	s24 =	sshrl.u32 s24, $0x3  }
0x9c: {  	s31 =	simm.s32 $0x100;
	s19 =	sadd.s32 s5, s24  }
0x9d: {  	[tilespmem:s31], [sflag:$0x3] =	stream.linear.gather [hbm4b:s19+s3], $0x80, $0x38;
	[tilespmem:$0x1E400] =	vst v63  }
0x9e: {  	_ =	swait.ge [sflag:s21], $0x2800  }
0x9f: {  	[sflag:s21] =	ssyncset.done $0x0  }
0xa0: {  	s25 =	simm.s32 $0x300;
	s24 =	sadd.s32 s6, s24;
	[sflag:s21] =	ssyncadd.s32 $0xFFFFD800  }
0xa1: {  	[tilespmem:s25], [sflag:$0x7] =	stream.linear.gather [hbm4b:s24+s3], $0x80, $0x38;
	[tilespmem:$0x1E400] =	vst v63  }
0xa2: {  	_ =	swait.ge [sflag:s0], $0x80  }
0xa3: {  	[sflag:s0] =	ssyncset.done $0x0  }
0xa4: {  	s25 =	sand.u32 $0x7C00, s23;
	[sflag:s0] =	ssyncadd.s32 $0xFFFFFF80  }
0xa5: {  	[tilespmem:s4], [sflag:$0xB] =	stream.indirect.gather [hbm4b:s1+s28], $0x80, s31, s28, $0xb8;
	[tilespmem:$0x1E400] =	vst v63  }
0xa6: {  	s24 =	sadd.s32 s8, s25;
	s31 =	sand.u32 $0x380, s23  }
0xa7: {  	s24 =	sor.u32 s31, s24  }
0xa8: {  	s24 =	sshrl.u32 s24, $0x3  }
0xa9: {  	s19 =	simm.s32 $0x180;
	s4 =	sadd.s32 s5, s24  }
0xaa: {  	[tilespmem:s19], [sflag:$0x4] =	stream.linear.gather [hbm4b:s4+s3], $0x80, $0x38;
	[tilespmem:$0x1E400] =	vst v63  }
0xab: {  	_ =	swait.ge [sflag:s22], $0x2800  }
0xac: {  	[sflag:s22] =	ssyncset.done $0x0  }
0xad: {  	s24 =	sadd.s32 s6, s24;
	[sflag:s22] =	ssyncadd.s32 $0xFFFFD800  }
0xae: {  	[tilespmem:s26], [sflag:$0x8] =	stream.linear.gather [hbm4b:s24+s3], $0x80, $0x38;
	[tilespmem:$0x1E400] =	vst v63  }
.Ltmp3:
0xaf: {  	_ =	swait.ge [sflag:s7], $0x80;
	(pc) =	sbr.rel .LBB2_2-.Ltmp3, $4  }
0xb0: {  	s29 =	simm.s32 $0x280;
	s25 =	simm.s32 $0x380;
	[sflag:s7] =	ssyncset.done $0x0  }
0xb1: {  	s23 =	sadd.s32 $0x200, s23;
	s4 =	simm.s32 $0x5400;
	[sflag:s7] =	ssyncadd.s32 $0xFFFFFF80  }
0xb2: {  	[tilespmem:s9], [sflag:$0xC] =	stream.indirect.gather [hbm4b:s1+s28], $0x80, s19, s28, $0xb8;
	[tilespmem:$0x1E400] =	vst v63  }
0xb3: {  	s24 =	simm.s32 $0x200;
	s19 =	simm.s32 $0x2C00;
	s9 =	simm.s32 $0x7C00  }
.LBB2_5:
0xb4: {  	_ =	sfence.sel $0x180000  }
0xb5: {  	[bflag:$0x0] =	sbarrier.arrive $0xFFFF  }
0xb6: {  	_ =	strace $0x90000047  }
0xb7: {  	s0 =	stileid.u32;
	[bflag:$0x2] =	sbarrier.arrive $0xFFFF  }
0xb8: {  	p0 =	sne.s32 s0, $0x0;
	s0 =	rddreg [dreg:$0x3]  }
0xb9: {  	s0 =	sadd.s32 @!p0 $0x100000, s0  }
0xba: {  	[sflag:s0] =	ssyncadd.tile.s32 @!p0 $0x1;
	_ =	shalt  }
.Lfunc_end2:
_tile_overlayer_lowered:
.L_overlay_start_2:
0xbb: {  	(tag) =	ssettag $0x2  }
0xbc: {  	s0 =	rddreg [dreg:$0x0];
	s2 =	stileid.u32  }
0xbd: {  	s1 =	rddreg [dreg:$0x1];
	p0 =	sne.s32 s2, $0x0  }
0xbe: {  	s3 =	rddreg [dreg:$0x2];
	[bflag:$0x3] =	sbarrier.arrive $0xFFFF;
	s2 =	simm.s32 @!p0 $0x1C11  }
0xbf: {  	[timem:s3], [sflag:s2] =	dma.local @!p0 [hbm:s0], s1  }
0xc0: {  	s0 =	simm.s32 @!p0 $0x11  }
0xc1: {  	_ =	swait.ge @!p0 [sflag:s0], s1  }
0xc2: {  	s1 =	ssub.s32 @!p0 $0x0, s1;
	[sflag:s0] =	ssyncset.done @!p0 $0x0  }
0xc3: {  	[sflag:s0] =	ssyncadd.s32 @!p0 s1  }
0xc4: {  	[bflag:$0x3] =	sbarrier.arrive $0xFFFF  }
0xc5: {  	_ =	shalt  }

</sc_bundles>
